<compile_context>
chip_gen: v7x
topology: tpu7x:2x2x1
jax: 0.10.2.dev20260603
libtpu: 0.0.44.dev20260713+nightly
codegen_flags: <defaults>
</compile_context>

<pallas_src>
import jax
import jax.numpy as jnp
from jax import lax
from jax.experimental import pallas as pl
from jax.experimental.pallas import tpu as pltpu
from jax.experimental.pallas import tpu_sc as plsc

N = 10000
D = 128
NC = 2
NS = 16
NW = NC * NS
CHUNK = 128
CH = 80
E_PAD = NW * CH * CHUNK
N_ACC = 10240
ZR = N_ACC // NS
ROWBLK = 1280



def _lin_relu_body(x_ref, w_ref, b_ref, o_ref):
    o_ref[...] = jnp.maximum(
        jnp.dot(x_ref[...], w_ref[...], preferred_element_type=jnp.float32)
        + b_ref[...], 0.0)


def _tc_linear_relu(x, w, b):
    n = x.shape[0]
    blk = 1000
    return pl.pallas_call(
        _lin_relu_body,
        grid=(n // blk,),
        in_specs=[pl.BlockSpec((blk, D), lambda i: (i, 0)),
                  pl.BlockSpec((D, D), lambda i: (0, 0)),
                  pl.BlockSpec((1, D), lambda i: (0, 0))],
        out_specs=pl.BlockSpec((blk, D), lambda i: (i, 0)),
        out_shape=jax.ShapeDtypeStruct((n, D), jnp.float32),
    )(x, w, b.reshape(1, D))


def _norm_lin_relu_body(s_ref, c_ref, w_ref, b_ref, o_ref):
    cnt = c_ref[0] + c_ref[1]
    m = (s_ref[0] + s_ref[1]) / jnp.maximum(cnt, 1.0)
    o_ref[...] = jnp.maximum(
        jnp.dot(m, w_ref[...], preferred_element_type=jnp.float32)
        + b_ref[...], 0.0)


def _tc_norm_linear_relu(sums, cnt, w, b):
    return pl.pallas_call(
        _norm_lin_relu_body,
        grid=(N_ACC // ROWBLK,),
        in_specs=[pl.BlockSpec((NC, ROWBLK, D), lambda i: (0, i, 0)),
                  pl.BlockSpec((NC, ROWBLK, 1), lambda i: (0, i, 0)),
                  pl.BlockSpec((D, D), lambda i: (0, 0)),
                  pl.BlockSpec((1, D), lambda i: (0, 0))],
        out_specs=pl.BlockSpec((ROWBLK, D), lambda i: (i, 0)),
        out_shape=jax.ShapeDtypeStruct((N_ACC, D), jnp.float32),
    )(sums, cnt.reshape(NC, N_ACC, 1), w, b.reshape(1, D))


def _final_body(s_ref, c_ref, w2_ref, b2_ref, wc1_ref, bc1_ref, wc2_ref,
                bc2_ref, o_ref):
    cnt = c_ref[0] + c_ref[1]
    m = (s_ref[0] + s_ref[1]) / jnp.maximum(cnt, 1.0)
    h2 = jnp.dot(m, w2_ref[...], preferred_element_type=jnp.float32) \
        + b2_ref[...]
    hid = jnp.maximum(
        jnp.dot(h2, wc1_ref[...], preferred_element_type=jnp.float32)
        + bc1_ref[...], 0.0)
    o_ref[...] = jnp.dot(hid, wc2_ref[...],
                         preferred_element_type=jnp.float32) + bc2_ref[...]


def _tc_final(sums, cnt, w2, b2, wc1, bc1, wc2, bc2):
    hid = wc1.shape[1]
    out = wc2.shape[1]
    blk = 1000
    return pl.pallas_call(
        _final_body,
        grid=(N // blk,),
        in_specs=[pl.BlockSpec((NC, blk, D), lambda i: (0, i, 0)),
                  pl.BlockSpec((NC, blk, 1), lambda i: (0, i, 0)),
                  pl.BlockSpec((D, D), lambda i: (0, 0)),
                  pl.BlockSpec((1, D), lambda i: (0, 0)),
                  pl.BlockSpec((D, hid), lambda i: (0, 0)),
                  pl.BlockSpec((1, hid), lambda i: (0, 0)),
                  pl.BlockSpec((hid, out), lambda i: (0, 0)),
                  pl.BlockSpec((1, out), lambda i: (0, 0))],
        out_specs=pl.BlockSpec((blk, out), lambda i: (i, 0)),
        out_shape=jax.ShapeDtypeStruct((N, out), jnp.float32),
    )(sums, cnt.reshape(NC, N_ACC, 1), w2, b2.reshape(1, D),
      wc1, bc1.reshape(1, hid), wc2, bc2.reshape(1, out))



_MESH = plsc.VectorSubcoreMesh(core_axis_name="c", subcore_axis_name="s",
                               num_cores=NC, num_subcores=NS)


NBUF = 2
IH = 40


def _agg_pipeline(h_hbm, acc, cacc, idxs, idxd, rows, ones, gsems, ssems,
                  csems, with_count, nbuf=NBUF):
    g_steps = IH // nbuf

    def start_gather(j, b):
        pltpu.async_copy(h_hbm.at[idxs.at[j]], rows.at[b], gsems.at[b])

    def wait_gather(b):
        pltpu.make_async_copy(h_hbm.at[idxs.at[0]], rows.at[b],
                              gsems.at[b]).wait()

    def start_scatter(j, b):
        pltpu.async_copy(rows.at[b], acc.at[idxd.at[j]], ssems.at[b],
                         add=True)
        if with_count:
            pltpu.async_copy(ones, cacc.at[idxd.at[j]], csems.at[b],
                             add=True)

    def wait_scatter(b):
        pltpu.make_async_copy(rows.at[b], acc.at[idxd.at[0]],
                              ssems.at[b]).wait()
        if with_count:
            pltpu.make_async_copy(ones, cacc.at[idxd.at[0]],
                                  csems.at[b]).wait()

    for b in range(nbuf):
        start_gather(b, b)

    def step(g, carry):
        for b in range(nbuf):
            wait_gather(b)
            start_scatter(g * nbuf + b, b)
        for b in range(nbuf):
            wait_scatter(b)
            start_gather((g + 1) * nbuf + b, b)
        return carry

    lax.fori_loop(0, g_steps - 1, step, 0)
    g = g_steps - 1
    for b in range(nbuf):
        wait_gather(b)
        start_scatter(g * nbuf + b, b)
    for b in range(nbuf):
        wait_scatter(b)


def _sc_agg_cnt_body(h_hbm, src_hbm, dst_hbm, z2_hbm, z1_hbm,
                     sums_out, cnt_out0, cnt_out1, acc, cacc, idxs, idxd,
                     rows, ones, gsems, ssems, csems):
    cid = lax.axis_index("c")
    sid = lax.axis_index("s")
    wid = sid * NC + cid
    zbase = sid * ZR
    pltpu.sync_copy(z2_hbm, acc.at[pl.ds(zbase, ZR)])
    pltpu.sync_copy(z1_hbm, cacc.at[pl.ds(zbase, ZR)])
    for i in range(CHUNK // 16):
        ones[pl.ds(i * 16, 16)] = jnp.ones((16,), jnp.float32)
    plsc.subcore_barrier()
    for half in range(CH // IH):
        pltpu.sync_copy(src_hbm.at[wid, pl.ds(half * IH, IH)], idxs)
        pltpu.sync_copy(dst_hbm.at[wid, pl.ds(half * IH, IH)], idxd)
        _agg_pipeline(h_hbm, acc, cacc, idxs, idxd, rows, ones, gsems,
                      ssems, csems, with_count=True)
    plsc.subcore_barrier()
    pltpu.sync_copy(acc.at[pl.ds(zbase, ZR)],
                    sums_out.at[cid, pl.ds(zbase, ZR)])

    @pl.when(cid == 0)
    def _():
        pltpu.sync_copy(cacc.at[pl.ds(zbase, ZR)],
                        cnt_out0.at[pl.ds(zbase, ZR)])

    @pl.when(cid == 1)
    def _():
        pltpu.sync_copy(cacc.at[pl.ds(zbase, ZR)],
                        cnt_out1.at[pl.ds(zbase, ZR)])


def _sc_agg_body(h_hbm, src_hbm, dst_hbm, z2_hbm,
                 sums_out, acc, idxs, idxd, rows, gsems, ssems):
    cid = lax.axis_index("c")
    sid = lax.axis_index("s")
    wid = sid * NC + cid
    zbase = sid * ZR
    pltpu.sync_copy(z2_hbm, acc.at[pl.ds(zbase, ZR)])
    plsc.subcore_barrier()
    for half in range(CH // IH):
        pltpu.sync_copy(src_hbm.at[wid, pl.ds(half * IH, IH)], idxs)
        pltpu.sync_copy(dst_hbm.at[wid, pl.ds(half * IH, IH)], idxd)
        _agg_pipeline(h_hbm, acc, None, idxs, idxd, rows, None, gsems,
                      ssems, None, with_count=False)
    plsc.subcore_barrier()
    pltpu.sync_copy(acc.at[pl.ds(zbase, ZR)],
                    sums_out.at[cid, pl.ds(zbase, ZR)])


_SC_AGG_CNT = pl.kernel(
    _sc_agg_cnt_body,
    out_type=(jax.ShapeDtypeStruct((NC, N_ACC, D), jnp.float32),
              jax.ShapeDtypeStruct((N_ACC,), jnp.float32),
              jax.ShapeDtypeStruct((N_ACC,), jnp.float32)),
    mesh=_MESH,
    compiler_params=pltpu.CompilerParams(use_tc_tiling_on_sc=True),
    scratch_types=[
        pltpu.VMEM_SHARED((N_ACC, D), jnp.float32),
        pltpu.VMEM_SHARED((N_ACC,), jnp.float32),
        pltpu.VMEM((IH, CHUNK), jnp.int32),
        pltpu.VMEM((IH, CHUNK), jnp.int32),
        pltpu.VMEM((NBUF, CHUNK, D), jnp.float32),
        pltpu.VMEM((CHUNK,), jnp.float32),
        pltpu.SemaphoreType.DMA((NBUF,)),
        pltpu.SemaphoreType.DMA((NBUF,)),
        pltpu.SemaphoreType.DMA((NBUF,)),
    ],
)

_SC_AGG = pl.kernel(
    _sc_agg_body,
    out_type=jax.ShapeDtypeStruct((NC, N_ACC, D), jnp.float32),
    mesh=_MESH,
    compiler_params=pltpu.CompilerParams(use_tc_tiling_on_sc=True),
    scratch_types=[
        pltpu.VMEM_SHARED((N_ACC, D), jnp.float32),
        pltpu.VMEM((IH, CHUNK), jnp.int32),
        pltpu.VMEM((IH, CHUNK), jnp.int32),
        pltpu.VMEM((NBUF, CHUNK, D), jnp.float32),
        pltpu.SemaphoreType.DMA((NBUF,)),
        pltpu.SemaphoreType.DMA((NBUF,)),
    ],
)



def kernel(x, edge_index, W_feat, b_feat, group_encodings, W_agg1, b_agg1,
           W_agg2, b_agg2, W_c1, b_c1, W_c2, b_c2):
    src = edge_index[0]
    dst = edge_index[1]
    e = src.shape[0]
    pad = E_PAD - e
    ar = lax.iota(jnp.int32, pad)
    src3d = jnp.concatenate([src, ar % N]).reshape(NW, CH, CHUNK)
    dst3d = jnp.concatenate(
        [dst, N + ar % (N_ACC - N)]).reshape(NW, CH, CHUNK)
    z2 = jnp.zeros((ZR, D), jnp.float32)
    z1 = jnp.zeros((ZR,), jnp.float32)
    b_eff = b_agg2 + jnp.mean(group_encodings, axis=0)

    h = _tc_linear_relu(x, W_feat, b_feat)
    sums1, cnt0, cnt1 = _SC_AGG_CNT(h, src3d, dst3d, z2, z1)
    cnt = jnp.stack([cnt0, cnt1], axis=0)
    h1 = _tc_norm_linear_relu(sums1, cnt, W_agg1, b_agg1)
    sums2 = _SC_AGG(h1, src3d, dst3d, z2)
    return _tc_final(sums2, cnt, W_agg2, b_eff, W_c1, b_c1, W_c2, b_c2)

# --- scband reference (transcript-rebuilt; emitter-appended) ---
"""Pipeline reference for scband-gaga-5342939316745 (READ-ONLY COPY).

The authoritative reference and input builder live on the scoring server;
editing this copy changes nothing except your own understanding.
"""

import jax, jax.numpy as jnp
import numpy as np

N = 10000
E = 320000
D = 128
H = 128
G = 3
OUT = 2


def setup_inputs(seed: int = 0) -> dict:
    key = jax.random.key(seed)
    ks = jax.random.split(key, 14)
    x = jax.random.normal(ks[0], (N, D), dtype=jnp.float32)
    edge_index = jax.random.randint(ks[1], (2, E), 0, N, dtype=jnp.int32)
    s_d = 1.0 / np.sqrt(D)
    s_h = 1.0 / np.sqrt(H)
    W_feat = jax.random.uniform(ks[2], (D, H), jnp.float32, -s_d, s_d)
    b_feat = jax.random.uniform(ks[3], (H,), jnp.float32, -s_d, s_d)
    group_encodings = jax.random.normal(ks[4], (G, H), dtype=jnp.float32)
    W_agg1 = jax.random.uniform(ks[5], (H, H), jnp.float32, -s_h, s_h)
    b_agg1 = jax.random.uniform(ks[6], (H,), jnp.float32, -s_h, s_h)
    W_agg2 = jax.random.uniform(ks[7], (H, H), jnp.float32, -s_h, s_h)
    b_agg2 = jax.random.uniform(ks[8], (H,), jnp.float32, -s_h, s_h)
    W_c1 = jax.random.uniform(ks[9], (H, H // 2), jnp.float32, -s_h, s_h)
    b_c1 = jax.random.uniform(ks[10], (H // 2,), jnp.float32, -s_h, s_h)
    s_h2 = 1.0 / np.sqrt(H // 2)
    W_c2 = jax.random.uniform(ks[11], (H // 2, OUT), jnp.float32, -s_h2, s_h2)
    b_c2 = jax.random.uniform(ks[12], (OUT,), jnp.float32, -s_h2, s_h2)
    return {
        "x": x,
        "edge_index": edge_index,
        "W_feat": W_feat,
        "b_feat": b_feat,
        "group_encodings": group_encodings,
        "W_agg1": W_agg1,
        "b_agg1": b_agg1,
        "W_agg2": W_agg2,
        "b_agg2": b_agg2,
        "W_c1": W_c1,
        "b_c1": b_c1,
        "W_c2": W_c2,
        "b_c2": b_c2,
    }


def _mean_aggregate(h, src, dst):
    # PyG MessagePassing with aggr='mean', flow source_to_target:
    # message x_j = h[src], aggregated (mean) at dst. Isolated dst nodes get 0.
    msg = jnp.take(h, src, axis=0)
    summed = jax.ops.segment_sum(msg, dst, num_segments=N)
    cnt = jax.ops.segment_sum(jnp.ones((src.shape[0],), jnp.float32), dst, num_segments=N)
    return summed / jnp.maximum(cnt, 1.0)[:, None]


def reference(x, edge_index, W_feat, b_feat, group_encodings, W_agg1, b_agg1,
              W_agg2, b_agg2, W_c1, b_c1, W_c2, b_c2):
    src = edge_index[0]
    dst = edge_index[1]
    # feat_transform + relu (dropout is identity in eval mode)
    h = jax.nn.relu(x @ W_feat + b_feat)
    # group_agg1: mean message passing then linear (update)
    m1 = _mean_aggregate(h, src, dst)
    h1 = m1 @ W_agg1 + b_agg1
    h1 = jax.nn.relu(h1)
    # group_agg2
    m2 = _mean_aggregate(h1, src, dst)
    h2 = m2 @ W_agg2 + b_agg2
    # add mean of learnable group encodings
    h_with_groups = h2 + jnp.mean(group_encodings, axis=0)
    # classifier MLP (dropout identity in eval)
    hid = jax.nn.relu(h_with_groups @ W_c1 + b_c1)
    out = hid @ W_c2 + b_c2
    return out

if __name__ == "__main__":
    import jax
    _d = setup_inputs()
    print(jax.jit(kernel)(*tuple(_d.values())))

</pallas_src>

<mosaic_0001>
#map = affine_map<(d0, d1) -> (0, 0)>
#map1 = affine_map<(d0, d1) -> (0, 0, 0)>
#map2 = affine_map<(d0, d1) -> (0)>
module attributes {stable_mosaic.version = 14 : i64} {
  func.func @_sc_agg_cnt_body(%arg0: i32, %arg1: i32, %arg2: memref<10000x128xf32, #tpu.memory_space<hbm>>, %arg3: memref<32x80x128xi32, #tpu.memory_space<hbm>>, %arg4: memref<32x80x128xi32, #tpu.memory_space<hbm>>, %arg5: memref<640x128xf32, #tpu.memory_space<hbm>>, %arg6: memref<640xf32, #tpu.memory_space<hbm>>, %arg7: memref<2x10240x128xf32, #tpu.memory_space<hbm>>, %arg8: memref<10240xf32, #tpu.memory_space<hbm>>, %arg9: memref<10240xf32, #tpu.memory_space<hbm>>, %arg10: memref<10240x128xf32, #tpu.memory_space<vmem_shared>>, %arg11: memref<10240xf32, #tpu.memory_space<vmem_shared>>, %arg12: memref<40x128xi32, #tpu.memory_space<vmem>>, %arg13: memref<40x128xi32, #tpu.memory_space<vmem>>, %arg14: memref<2x128x128xf32, #tpu.memory_space<vmem>>, %arg15: memref<128xf32, #tpu.memory_space<vmem>>, %arg16: memref<2x!tpu.dma_semaphore, #tpu.memory_space<semaphore_mem>>, %arg17: memref<2x!tpu.dma_semaphore, #tpu.memory_space<semaphore_mem>>, %arg18: memref<2x!tpu.dma_semaphore, #tpu.memory_space<semaphore_mem>>) attributes {dimension_semantics = [#tpu.dimension_semantics<core_parallel>, #tpu.dimension_semantics<subcore_parallel>], iteration_bounds = array<i64: 2, 16>, scalar_prefetch = 0 : i64, scratch_operands = 9 : i64, tpu.core_type = #tpu.core_type<sc_vector_subcore>, window_params = [{transform_indices = #map}, {transform_indices = #map1}, {transform_indices = #map1}, {transform_indices = #map}, {transform_indices = #map2}, {transform_indices = #map1}, {transform_indices = #map2}, {transform_indices = #map2}]} {
    %mul3A = arith.constant 2 : i32
    %mul3A_0 = arith.muli %arg1, %mul3A : i32
    %add3A = arith.addi %mul3A_0, %arg0 : i32
    %mul3A_1 = arith.constant 640 : i32
    %mul3A_2 = arith.muli %arg1, %mul3A_1 : i32
    "tpu.region"() ({
      %run_scoped3A = tpu.sem_alloc : memref<!tpu.dma_semaphore, #tpu.memory_space<semaphore_mem>>
      %dma_start3A_378 = arith.constant 0 : i32
      %dma_start3A_379 = tpu.memref_slice %arg10[%mul3A_2, %dma_start3A_378] : memref<10240x128xf32, #tpu.memory_space<vmem_shared>> -> memref<640x128xf32, #tpu.memory_space<vmem_shared>>
      tpu.enqueue_dma source(%arg5 : memref<640x128xf32, #tpu.memory_space<hbm>>) target(%dma_start3A_379 : memref<640x128xf32, #tpu.memory_space<vmem_shared>>) target_semaphore(%run_scoped3A : memref<!tpu.dma_semaphore, #tpu.memory_space<semaphore_mem>>)
      %dma_wait3A_380 = arith.constant 0 : i32
      %dma_wait3A_381 = tpu.memref_slice %arg10[%mul3A_2, %dma_wait3A_380] : memref<10240x128xf32, #tpu.memory_space<vmem_shared>> -> memref<640x128xf32, #tpu.memory_space<vmem_shared>>
      tpu.wait_dma2 semaphore(%run_scoped3A : memref<!tpu.dma_semaphore, #tpu.memory_space<semaphore_mem>>) src(%arg5 : memref<640x128xf32, #tpu.memory_space<hbm>>) dst(%dma_wait3A_381 : memref<640x128xf32, #tpu.memory_space<vmem_shared>>)
      tpu.yield
    }) : () -> ()
    "tpu.region"() ({
      %run_scoped3A = tpu.sem_alloc : memref<!tpu.dma_semaphore, #tpu.memory_space<semaphore_mem>>
      %dma_start3A_378 = tpu.memref_slice %arg11[%mul3A_2] : memref<10240xf32, #tpu.memory_space<vmem_shared>> -> memref<640xf32, #tpu.memory_space<vmem_shared>>
      tpu.enqueue_dma source(%arg6 : memref<640xf32, #tpu.memory_space<hbm>>) target(%dma_start3A_378 : memref<640xf32, #tpu.memory_space<vmem_shared>>) target_semaphore(%run_scoped3A : memref<!tpu.dma_semaphore, #tpu.memory_space<semaphore_mem>>)
      %dma_wait3A_379 = tpu.memref_slice %arg11[%mul3A_2] : memref<10240xf32, #tpu.memory_space<vmem_shared>> -> memref<640xf32, #tpu.memory_space<vmem_shared>>
      tpu.wait_dma2 semaphore(%run_scoped3A : memref<!tpu.dma_semaphore, #tpu.memory_space<semaphore_mem>>) src(%arg6 : memref<640xf32, #tpu.memory_space<hbm>>) dst(%dma_wait3A_379 : memref<640xf32, #tpu.memory_space<vmem_shared>>)
      tpu.yield
    }) : () -> ()
    %broadcast_in_dim3A = arith.constant 1.000000e+00 : f32
    %broadcast_in_dim3A_3 = vector.broadcast %broadcast_in_dim3A : f32 to vector<16xf32>
    %swap3A = arith.constant 0 : index
    %swap3A_4 = tpu.vector_load %arg15[%swap3A] {strides = array<i32>} : memref<128xf32, #tpu.memory_space<vmem>>, vector<16xf32>,
    %swap3A_5 = vector.shape_cast %swap3A_4 : vector<16xf32> to vector<16xf32>
    %swap3A_6 = vector.shape_cast %broadcast_in_dim3A_3 : vector<16xf32> to vector<16xf32>
    tpu.vector_store %arg15[%swap3A], %swap3A_6 {strides = array<i32>} : memref<128xf32, #tpu.memory_space<vmem>>, vector<16xf32>,
    %broadcast_in_dim3A_7 = arith.constant 1.000000e+00 : f32
    %broadcast_in_dim3A_8 = vector.broadcast %broadcast_in_dim3A_7 : f32 to vector<16xf32>
    %swap3A_9 = arith.constant 16 : index
    %swap3A_10 = tpu.vector_load %arg15[%swap3A_9] {strides = array<i32>} : memref<128xf32, #tpu.memory_space<vmem>>, vector<16xf32>,
    %swap3A_11 = vector.shape_cast %swap3A_10 : vector<16xf32> to vector<16xf32>
    %swap3A_12 = vector.shape_cast %broadcast_in_dim3A_8 : vector<16xf32> to vector<16xf32>
    tpu.vector_store %arg15[%swap3A_9], %swap3A_12 {strides = array<i32>} : memref<128xf32, #tpu.memory_space<vmem>>, vector<16xf32>,
    %broadcast_in_dim3A_13 = arith.constant 1.000000e+00 : f32
    %broadcast_in_dim3A_14 = vector.broadcast %broadcast_in_dim3A_13 : f32 to vector<16xf32>
    %swap3A_15 = arith.constant 32 : index
    %swap3A_16 = tpu.vector_load %arg15[%swap3A_15] {strides = array<i32>} : memref<128xf32, #tpu.memory_space<vmem>>, vector<16xf32>,
    %swap3A_17 = vector.shape_cast %swap3A_16 : vector<16xf32> to vector<16xf32>
    %swap3A_18 = vector.shape_cast %broadcast_in_dim3A_14 : vector<16xf32> to vector<16xf32>
    tpu.vector_store %arg15[%swap3A_15], %swap3A_18 {strides = array<i32>} : memref<128xf32, #tpu.memory_space<vmem>>, vector<16xf32>,
    %broadcast_in_dim3A_19 = arith.constant 1.000000e+00 : f32
    %broadcast_in_dim3A_20 = vector.broadcast %broadcast_in_dim3A_19 : f32 to vector<16xf32>
    %swap3A_21 = arith.constant 48 : index
    %swap3A_22 = tpu.vector_load %arg15[%swap3A_21] {strides = array<i32>} : memref<128xf32, #tpu.memory_space<vmem>>, vector<16xf32>,
    %swap3A_23 = vector.shape_cast %swap3A_22 : vector<16xf32> to vector<16xf32>
    %swap3A_24 = vector.shape_cast %broadcast_in_dim3A_20 : vector<16xf32> to vector<16xf32>
    tpu.vector_store %arg15[%swap3A_21], %swap3A_24 {strides = array<i32>} : memref<128xf32, #tpu.memory_space<vmem>>, vector<16xf32>,
    %broadcast_in_dim3A_25 = arith.constant 1.000000e+00 : f32
    %broadcast_in_dim3A_26 = vector.broadcast %broadcast_in_dim3A_25 : f32 to vector<16xf32>
    %swap3A_27 = arith.constant 64 : index
    %swap3A_28 = tpu.vector_load %arg15[%swap3A_27] {strides = array<i32>} : memref<128xf32, #tpu.memory_space<vmem>>, vector<16xf32>,
    %swap3A_29 = vector.shape_cast %swap3A_28 : vector<16xf32> to vector<16xf32>
    %swap3A_30 = vector.shape_cast %broadcast_in_dim3A_26 : vector<16xf32> to vector<16xf32>
    tpu.vector_store %arg15[%swap3A_27], %swap3A_30 {strides = array<i32>} : memref<128xf32, #tpu.memory_space<vmem>>, vector<16xf32>,
    %broadcast_in_dim3A_31 = arith.constant 1.000000e+00 : f32
    %broadcast_in_dim3A_32 = vector.broadcast %broadcast_in_dim3A_31 : f32 to vector<16xf32>
    %swap3A_33 = arith.constant 80 : index
    %swap3A_34 = tpu.vector_load %arg15[%swap3A_33] {strides = array<i32>} : memref<128xf32, #tpu.memory_space<vmem>>, vector<16xf32>,
    %swap3A_35 = vector.shape_cast %swap3A_34 : vector<16xf32> to vector<16xf32>
    %swap3A_36 = vector.shape_cast %broadcast_in_dim3A_32 : vector<16xf32> to vector<16xf32>
    tpu.vector_store %arg15[%swap3A_33], %swap3A_36 {strides = array<i32>} : memref<128xf32, #tpu.memory_space<vmem>>, vector<16xf32>,
    %broadcast_in_dim3A_37 = arith.constant 1.000000e+00 : f32
    %broadcast_in_dim3A_38 = vector.broadcast %broadcast_in_dim3A_37 : f32 to vector<16xf32>
    %swap3A_39 = arith.constant 96 : index
    %swap3A_40 = tpu.vector_load %arg15[%swap3A_39] {strides = array<i32>} : memref<128xf32, #tpu.memory_space<vmem>>, vector<16xf32>,
    %swap3A_41 = vector.shape_cast %swap3A_40 : vector<16xf32> to vector<16xf32>
    %swap3A_42 = vector.shape_cast %broadcast_in_dim3A_38 : vector<16xf32> to vector<16xf32>
    tpu.vector_store %arg15[%swap3A_39], %swap3A_42 {strides = array<i32>} : memref<128xf32, #tpu.memory_space<vmem>>, vector<16xf32>,
    %broadcast_in_dim3A_43 = arith.constant 1.000000e+00 : f32
    %broadcast_in_dim3A_44 = vector.broadcast %broadcast_in_dim3A_43 : f32 to vector<16xf32>
    %swap3A_45 = arith.constant 112 : index
    %swap3A_46 = tpu.vector_load %arg15[%swap3A_45] {strides = array<i32>} : memref<128xf32, #tpu.memory_space<vmem>>, vector<16xf32>,
    %swap3A_47 = vector.shape_cast %swap3A_46 : vector<16xf32> to vector<16xf32>
    %swap3A_48 = vector.shape_cast %broadcast_in_dim3A_44 : vector<16xf32> to vector<16xf32>
    tpu.vector_store %arg15[%swap3A_45], %swap3A_48 {strides = array<i32>} : memref<128xf32, #tpu.memory_space<vmem>>, vector<16xf32>,
    %barrier3A = arith.constant 0 : index
    tpu.barrier barrier_id(%barrier3A)
    "tpu.region"() ({
      %run_scoped3A = tpu.sem_alloc : memref<!tpu.dma_semaphore, #tpu.memory_space<semaphore_mem>>
      %dma_start3A_378 = arith.constant 0 : i32
      %dma_start3A_379 = arith.constant 0 : i32
      %dma_start3A_380 = tpu.memref_slice %arg3[%add3A, %dma_start3A_378, %dma_start3A_379] : memref<32x80x128xi32, #tpu.memory_space<hbm>> -> memref<1x40x128xi32, #tpu.memory_space<hbm>>
      %dma_start3A_381 = tpu.memref_squeeze %dma_start3A_380 : memref<1x40x128xi32, #tpu.memory_space<hbm>> -> memref<40x128xi32, #tpu.memory_space<hbm>>
      %dma_start3A_382 = arith.constant 0 : i32
      %dma_start3A_383 = arith.constant 0 : i32
      %dma_start3A_384 = tpu.memref_slice %arg3[%add3A, %dma_start3A_382, %dma_start3A_383] : memref<32x80x128xi32, #tpu.memory_space<hbm>> -> memref<1x40x128xi32, #tpu.memory_space<hbm>>
      %dma_start3A_385 = tpu.memref_squeeze %dma_start3A_384 : memref<1x40x128xi32, #tpu.memory_space<hbm>> -> memref<40x128xi32, #tpu.memory_space<hbm>>
      tpu.enqueue_dma source(%dma_start3A_385 : memref<40x128xi32, #tpu.memory_space<hbm>>) target(%arg12 : memref<40x128xi32, #tpu.memory_space<vmem>>) target_semaphore(%run_scoped3A : memref<!tpu.dma_semaphore, #tpu.memory_space<semaphore_mem>>)
      %dma_wait3A_386 = arith.constant 0 : i32
      %dma_wait3A_387 = arith.constant 0 : i32
      %dma_wait3A_388 = tpu.memref_slice %arg3[%add3A, %dma_wait3A_386, %dma_wait3A_387] : memref<32x80x128xi32, #tpu.memory_space<hbm>> -> memref<1x40x128xi32, #tpu.memory_space<hbm>>
      %dma_wait3A_389 = tpu.memref_squeeze %dma_wait3A_388 : memref<1x40x128xi32, #tpu.memory_space<hbm>> -> memref<40x128xi32, #tpu.memory_space<hbm>>
      %dma_wait3A_390 = arith.constant 0 : i32
      %dma_wait3A_391 = arith.constant 0 : i32
      %dma_wait3A_392 = tpu.memref_slice %arg3[%add3A, %dma_wait3A_390, %dma_wait3A_391] : memref<32x80x128xi32, #tpu.memory_space<hbm>> -> memref<1x40x128xi32, #tpu.memory_space<hbm>>
      %dma_wait3A_393 = tpu.memref_squeeze %dma_wait3A_392 : memref<1x40x128xi32, #tpu.memory_space<hbm>> -> memref<40x128xi32, #tpu.memory_space<hbm>>
      tpu.wait_dma2 semaphore(%run_scoped3A : memref<!tpu.dma_semaphore, #tpu.memory_space<semaphore_mem>>) src(%dma_wait3A_393 : memref<40x128xi32, #tpu.memory_space<hbm>>) dst(%arg12 : memref<40x128xi32, #tpu.memory_space<vmem>>)
      tpu.yield
    }) : () -> ()
    "tpu.region"() ({
      %run_scoped3A = tpu.sem_alloc : memref<!tpu.dma_semaphore, #tpu.memory_space<semaphore_mem>>
      %dma_start3A_378 = arith.constant 0 : i32
      %dma_start3A_379 = arith.constant 0 : i32
      %dma_start3A_380 = tpu.memref_slice %arg4[%add3A, %dma_start3A_378, %dma_start3A_379] : memref<32x80x128xi32, #tpu.memory_space<hbm>> -> memref<1x40x128xi32, #tpu.memory_space<hbm>>
      %dma_start3A_381 = tpu.memref_squeeze %dma_start3A_380 : memref<1x40x128xi32, #tpu.memory_space<hbm>> -> memref<40x128xi32, #tpu.memory_space<hbm>>
      %dma_start3A_382 = arith.constant 0 : i32
      %dma_start3A_383 = arith.constant 0 : i32
      %dma_start3A_384 = tpu.memref_slice %arg4[%add3A, %dma_start3A_382, %dma_start3A_383] : memref<32x80x128xi32, #tpu.memory_space<hbm>> -> memref<1x40x128xi32, #tpu.memory_space<hbm>>
      %dma_start3A_385 = tpu.memref_squeeze %dma_start3A_384 : memref<1x40x128xi32, #tpu.memory_space<hbm>> -> memref<40x128xi32, #tpu.memory_space<hbm>>
      tpu.enqueue_dma source(%dma_start3A_385 : memref<40x128xi32, #tpu.memory_space<hbm>>) target(%arg13 : memref<40x128xi32, #tpu.memory_space<vmem>>) target_semaphore(%run_scoped3A : memref<!tpu.dma_semaphore, #tpu.memory_space<semaphore_mem>>)
      %dma_wait3A_386 = arith.constant 0 : i32
      %dma_wait3A_387 = arith.constant 0 : i32
      %dma_wait3A_388 = tpu.memref_slice %arg4[%add3A, %dma_wait3A_386, %dma_wait3A_387] : memref<32x80x128xi32, #tpu.memory_space<hbm>> -> memref<1x40x128xi32, #tpu.memory_space<hbm>>
      %dma_wait3A_389 = tpu.memref_squeeze %dma_wait3A_388 : memref<1x40x128xi32, #tpu.memory_space<hbm>> -> memref<40x128xi32, #tpu.memory_space<hbm>>
      %dma_wait3A_390 = arith.constant 0 : i32
      %dma_wait3A_391 = arith.constant 0 : i32
      %dma_wait3A_392 = tpu.memref_slice %arg4[%add3A, %dma_wait3A_390, %dma_wait3A_391] : memref<32x80x128xi32, #tpu.memory_space<hbm>> -> memref<1x40x128xi32, #tpu.memory_space<hbm>>
      %dma_wait3A_393 = tpu.memref_squeeze %dma_wait3A_392 : memref<1x40x128xi32, #tpu.memory_space<hbm>> -> memref<40x128xi32, #tpu.memory_space<hbm>>
      tpu.wait_dma2 semaphore(%run_scoped3A : memref<!tpu.dma_semaphore, #tpu.memory_space<semaphore_mem>>) src(%dma_wait3A_393 : memref<40x128xi32, #tpu.memory_space<hbm>>) dst(%arg13 : memref<40x128xi32, #tpu.memory_space<vmem>>)
      tpu.yield
    }) : () -> ()
    %dma_start3A = arith.constant 0 : i32
    %dma_start3A_49 = arith.constant 0 : i32
    %dma_start3A_50 = arith.constant 0 : i32
    %dma_start3A_51 = arith.constant 0 : i32
    %dma_start3A_52 = arith.constant 0 : i32
    %dma_start3A_53 = tpu.memref_slice %arg14[%dma_start3A_49, %dma_start3A_51, %dma_start3A_52] : memref<2x128x128xf32, #tpu.memory_space<vmem>> -> memref<1x128x128xf32, #tpu.memory_space<vmem>>
    %dma_start3A_54 = tpu.memref_squeeze %dma_start3A_53 : memref<1x128x128xf32, #tpu.memory_space<vmem>> -> memref<128x128xf32, #tpu.memory_space<vmem>>
    %dma_start3A_55 = arith.constant 0 : i32
    %dma_start3A_56 = tpu.memref_slice %arg12[%dma_start3A, %dma_start3A_55] : memref<40x128xi32, #tpu.memory_space<vmem>> -> memref<1x128xi32, #tpu.memory_space<vmem>>
    %dma_start3A_57 = tpu.memref_squeeze %dma_start3A_56 : memref<1x128xi32, #tpu.memory_space<vmem>> -> memref<128xi32, #tpu.memory_space<vmem>>
    %dma_start3A_58 = arith.constant 0 : i32
    %dma_start3A_59 = arith.constant 0 : i32
    %dma_start3A_60 = tpu.memref_slice %arg2[%dma_start3A_58, %dma_start3A_59] : memref<10000x128xf32, #tpu.memory_space<hbm>> -> memref<10000x128xf32, #tpu.memory_space<hbm>>
    %dma_start3A_61 = tpu.memref_slice %arg16[%dma_start3A_50] : memref<2x!tpu.dma_semaphore, #tpu.memory_space<semaphore_mem>> -> memref<1x!tpu.dma_semaphore, #tpu.memory_space<semaphore_mem>>
    %dma_start3A_62 = tpu.memref_squeeze %dma_start3A_61 : memref<1x!tpu.dma_semaphore, #tpu.memory_space<semaphore_mem>> -> memref<!tpu.dma_semaphore, #tpu.memory_space<semaphore_mem>>
    tpu.enqueue_indirect_dma source(%dma_start3A_60 : memref<10000x128xf32, #tpu.memory_space<hbm>>) target(%dma_start3A_54 : memref<128x128xf32, #tpu.memory_space<vmem>>) offsets(%dma_start3A_57 : memref<128xi32, #tpu.memory_space<vmem>>) semaphore(%dma_start3A_62 : memref<!tpu.dma_semaphore, #tpu.memory_space<semaphore_mem>>)
    %dma_start3A_63 = arith.constant 1 : i32
    %dma_start3A_64 = arith.constant 1 : i32
    %dma_start3A_65 = arith.constant 1 : i32
    %dma_start3A_66 = arith.constant 0 : i32
    %dma_start3A_67 = arith.constant 0 : i32
    %dma_start3A_68 = tpu.memref_slice %arg14[%dma_start3A_64, %dma_start3A_66, %dma_start3A_67] : memref<2x128x128xf32, #tpu.memory_space<vmem>> -> memref<1x128x128xf32, #tpu.memory_space<vmem>>
    %dma_start3A_69 = tpu.memref_squeeze %dma_start3A_68 : memref<1x128x128xf32, #tpu.memory_space<vmem>> -> memref<128x128xf32, #tpu.memory_space<vmem>>
    %dma_start3A_70 = arith.constant 0 : i32
    %dma_start3A_71 = tpu.memref_slice %arg12[%dma_start3A_63, %dma_start3A_70] : memref<40x128xi32, #tpu.memory_space<vmem>> -> memref<1x128xi32, #tpu.memory_space<vmem>>
    %dma_start3A_72 = tpu.memref_squeeze %dma_start3A_71 : memref<1x128xi32, #tpu.memory_space<vmem>> -> memref<128xi32, #tpu.memory_space<vmem>>
    %dma_start3A_73 = arith.constant 0 : i32
    %dma_start3A_74 = arith.constant 0 : i32
    %dma_start3A_75 = tpu.memref_slice %arg2[%dma_start3A_73, %dma_start3A_74] : memref<10000x128xf32, #tpu.memory_space<hbm>> -> memref<10000x128xf32, #tpu.memory_space<hbm>>
    %dma_start3A_76 = tpu.memref_slice %arg16[%dma_start3A_65] : memref<2x!tpu.dma_semaphore, #tpu.memory_space<semaphore_mem>> -> memref<1x!tpu.dma_semaphore, #tpu.memory_space<semaphore_mem>>
    %dma_start3A_77 = tpu.memref_squeeze %dma_start3A_76 : memref<1x!tpu.dma_semaphore, #tpu.memory_space<semaphore_mem>> -> memref<!tpu.dma_semaphore, #tpu.memory_space<semaphore_mem>>
    tpu.enqueue_indirect_dma source(%dma_start3A_75 : memref<10000x128xf32, #tpu.memory_space<hbm>>) target(%dma_start3A_69 : memref<128x128xf32, #tpu.memory_space<vmem>>) offsets(%dma_start3A_72 : memref<128xi32, #tpu.memory_space<vmem>>) semaphore(%dma_start3A_77 : memref<!tpu.dma_semaphore, #tpu.memory_space<semaphore_mem>>)
    %scan3A = arith.constant 0 : i32
    %scan3A_78 = arith.constant 0 : i32
    %scan3A_79 = arith.constant 19 : i32
    %scan3A_80 = arith.addi %scan3A_78, %scan3A_79 : i32
    %scan3A_81 = arith.constant 1 : i32
    scf.for %scan3A_378 = %scan3A_78 to %scan3A_80 step %scan3A_81  : i32 {
      %dma_wait3A_379 = arith.constant 0 : i32
      %dma_wait3A_380 = arith.constant 0 : i32
      %dma_wait3A_381 = arith.constant 0 : i32
      %dma_wait3A_382 = arith.constant 0 : i32
      %dma_wait3A_383 = arith.constant 0 : i32
      %dma_wait3A_384 = tpu.memref_slice %arg14[%dma_wait3A_380, %dma_wait3A_382, %dma_wait3A_383] : memref<2x128x128xf32, #tpu.memory_space<vmem>> -> memref<1x128x128xf32, #tpu.memory_space<vmem>>
      %dma_wait3A_385 = tpu.memref_squeeze %dma_wait3A_384 : memref<1x128x128xf32, #tpu.memory_space<vmem>> -> memref<128x128xf32, #tpu.memory_space<vmem>>
      %dma_wait3A_386 = arith.constant 0 : i32
      %dma_wait3A_387 = tpu.memref_slice %arg12[%dma_wait3A_379, %dma_wait3A_386] : memref<40x128xi32, #tpu.memory_space<vmem>> -> memref<1x128xi32, #tpu.memory_space<vmem>>
      %dma_wait3A_388 = tpu.memref_squeeze %dma_wait3A_387 : memref<1x128xi32, #tpu.memory_space<vmem>> -> memref<128xi32, #tpu.memory_space<vmem>>
      %dma_wait3A_389 = arith.constant 0 : i32
      %dma_wait3A_390 = arith.constant 0 : i32
      %dma_wait3A_391 = tpu.memref_slice %arg2[%dma_wait3A_389, %dma_wait3A_390] : memref<10000x128xf32, #tpu.memory_space<hbm>> -> memref<10000x128xf32, #tpu.memory_space<hbm>>
      %dma_wait3A_392 = tpu.memref_slice %arg16[%dma_wait3A_381] : memref<2x!tpu.dma_semaphore, #tpu.memory_space<semaphore_mem>> -> memref<1x!tpu.dma_semaphore, #tpu.memory_space<semaphore_mem>>
      %dma_wait3A_393 = tpu.memref_squeeze %dma_wait3A_392 : memref<1x!tpu.dma_semaphore, #tpu.memory_space<semaphore_mem>> -> memref<!tpu.dma_semaphore, #tpu.memory_space<semaphore_mem>>
      tpu.wait_indirect_dma semaphore(%dma_wait3A_393 : memref<!tpu.dma_semaphore, #tpu.memory_space<semaphore_mem>>) src(%dma_wait3A_391 : memref<10000x128xf32, #tpu.memory_space<hbm>>) dst(%dma_wait3A_385 : memref<128x128xf32, #tpu.memory_space<vmem>>)
      %mul3A_394 = arith.constant 2 : i32
      %mul3A_395 = arith.muli %scan3A_378, %mul3A_394 : i32
      %add3A_396 = arith.constant 0 : i32
      %add3A_397 = arith.addi %mul3A_395, %add3A_396 : i32
      %dma_start3A_398 = arith.constant 0 : i32
      %dma_start3A_399 = arith.constant 0 : i32
      %dma_start3A_400 = arith.constant 0 : i32
      %dma_start3A_401 = arith.constant 0 : i32
      %dma_start3A_402 = tpu.memref_slice %arg14[%dma_start3A_398, %dma_start3A_400, %dma_start3A_401] : memref<2x128x128xf32, #tpu.memory_space<vmem>> -> memref<1x128x128xf32, #tpu.memory_space<vmem>>
      %dma_start3A_403 = tpu.memref_squeeze %dma_start3A_402 : memref<1x128x128xf32, #tpu.memory_space<vmem>> -> memref<128x128xf32, #tpu.memory_space<vmem>>
      %dma_start3A_404 = arith.constant 0 : i32
      %dma_start3A_405 = tpu.memref_slice %arg13[%add3A_397, %dma_start3A_404] : memref<40x128xi32, #tpu.memory_space<vmem>> -> memref<1x128xi32, #tpu.memory_space<vmem>>
      %dma_start3A_406 = tpu.memref_squeeze %dma_start3A_405 : memref<1x128xi32, #tpu.memory_space<vmem>> -> memref<128xi32, #tpu.memory_space<vmem>>
      %dma_start3A_407 = arith.constant 0 : i32
      %dma_start3A_408 = arith.constant 0 : i32
      %dma_start3A_409 = tpu.memref_slice %arg10[%dma_start3A_407, %dma_start3A_408] : memref<10240x128xf32, #tpu.memory_space<vmem_shared>> -> memref<10240x128xf32, #tpu.memory_space<vmem_shared>>
      %dma_start3A_410 = tpu.memref_slice %arg17[%dma_start3A_399] : memref<2x!tpu.dma_semaphore, #tpu.memory_space<semaphore_mem>> -> memref<1x!tpu.dma_semaphore, #tpu.memory_space<semaphore_mem>>
      %dma_start3A_411 = tpu.memref_squeeze %dma_start3A_410 : memref<1x!tpu.dma_semaphore, #tpu.memory_space<semaphore_mem>> -> memref<!tpu.dma_semaphore, #tpu.memory_space<semaphore_mem>>
      tpu.enqueue_indirect_dma source(%dma_start3A_403 : memref<128x128xf32, #tpu.memory_space<vmem>>) target(%dma_start3A_409 : memref<10240x128xf32, #tpu.memory_space<vmem_shared>>) offsets(%dma_start3A_406 : memref<128xi32, #tpu.memory_space<vmem>>) semaphore(%dma_start3A_411 : memref<!tpu.dma_semaphore, #tpu.memory_space<semaphore_mem>>) {add = true}
      %dma_start3A_412 = arith.constant 0 : i32
      %dma_start3A_413 = arith.constant 0 : i32
      %dma_start3A_414 = tpu.memref_slice %arg13[%add3A_397, %dma_start3A_413] : memref<40x128xi32, #tpu.memory_space<vmem>> -> memref<1x128xi32, #tpu.memory_space<vmem>>
      %dma_start3A_415 = tpu.memref_squeeze %dma_start3A_414 : memref<1x128xi32, #tpu.memory_space<vmem>> -> memref<128xi32, #tpu.memory_space<vmem>>
      %dma_start3A_416 = arith.constant 0 : i32
      %dma_start3A_417 = tpu.memref_slice %arg11[%dma_start3A_416] : memref<10240xf32, #tpu.memory_space<vmem_shared>> -> memref<10240xf32, #tpu.memory_space<vmem_shared>>
      %dma_start3A_418 = tpu.memref_slice %arg18[%dma_start3A_412] : memref<2x!tpu.dma_semaphore, #tpu.memory_space<semaphore_mem>> -> memref<1x!tpu.dma_semaphore, #tpu.memory_space<semaphore_mem>>
      %dma_start3A_419 = tpu.memref_squeeze %dma_start3A_418 : memref<1x!tpu.dma_semaphore, #tpu.memory_space<semaphore_mem>> -> memref<!tpu.dma_semaphore, #tpu.memory_space<semaphore_mem>>
      tpu.enqueue_indirect_dma source(%arg15 : memref<128xf32, #tpu.memory_space<vmem>>) target(%dma_start3A_417 : memref<10240xf32, #tpu.memory_space<vmem_shared>>) offsets(%dma_start3A_415 : memref<128xi32, #tpu.memory_space<vmem>>) semaphore(%dma_start3A_419 : memref<!tpu.dma_semaphore, #tpu.memory_space<semaphore_mem>>) {add = true}
      %dma_wait3A_420 = arith.constant 0 : i32
      %dma_wait3A_421 = arith.constant 1 : i32
      %dma_wait3A_422 = arith.constant 1 : i32
      %dma_wait3A_423 = arith.constant 0 : i32
      %dma_wait3A_424 = arith.constant 0 : i32
      %dma_wait3A_425 = tpu.memref_slice %arg14[%dma_wait3A_421, %dma_wait3A_423, %dma_wait3A_424] : memref<2x128x128xf32, #tpu.memory_space<vmem>> -> memref<1x128x128xf32, #tpu.memory_space<vmem>>
      %dma_wait3A_426 = tpu.memref_squeeze %dma_wait3A_425 : memref<1x128x128xf32, #tpu.memory_space<vmem>> -> memref<128x128xf32, #tpu.memory_space<vmem>>
      %dma_wait3A_427 = arith.constant 0 : i32
      %dma_wait3A_428 = tpu.memref_slice %arg12[%dma_wait3A_420, %dma_wait3A_427] : memref<40x128xi32, #tpu.memory_space<vmem>> -> memref<1x128xi32, #tpu.memory_space<vmem>>
      %dma_wait3A_429 = tpu.memref_squeeze %dma_wait3A_428 : memref<1x128xi32, #tpu.memory_space<vmem>> -> memref<128xi32, #tpu.memory_space<vmem>>
      %dma_wait3A_430 = arith.constant 0 : i32
      %dma_wait3A_431 = arith.constant 0 : i32
      %dma_wait3A_432 = tpu.memref_slice %arg2[%dma_wait3A_430, %dma_wait3A_431] : memref<10000x128xf32, #tpu.memory_space<hbm>> -> memref<10000x128xf32, #tpu.memory_space<hbm>>
      %dma_wait3A_433 = tpu.memref_slice %arg16[%dma_wait3A_422] : memref<2x!tpu.dma_semaphore, #tpu.memory_space<semaphore_mem>> -> memref<1x!tpu.dma_semaphore, #tpu.memory_space<semaphore_mem>>
      %dma_wait3A_434 = tpu.memref_squeeze %dma_wait3A_433 : memref<1x!tpu.dma_semaphore, #tpu.memory_space<semaphore_mem>> -> memref<!tpu.dma_semaphore, #tpu.memory_space<semaphore_mem>>
      tpu.wait_indirect_dma semaphore(%dma_wait3A_434 : memref<!tpu.dma_semaphore, #tpu.memory_space<semaphore_mem>>) src(%dma_wait3A_432 : memref<10000x128xf32, #tpu.memory_space<hbm>>) dst(%dma_wait3A_426 : memref<128x128xf32, #tpu.memory_space<vmem>>)
      %mul3A_435 = arith.constant 2 : i32
      %mul3A_436 = arith.muli %scan3A_378, %mul3A_435 : i32
      %add3A_437 = arith.constant 1 : i32
      %add3A_438 = arith.addi %mul3A_436, %add3A_437 : i32
      %dma_start3A_439 = arith.constant 1 : i32
      %dma_start3A_440 = arith.constant 1 : i32
      %dma_start3A_441 = arith.constant 0 : i32
      %dma_start3A_442 = arith.constant 0 : i32
      %dma_start3A_443 = tpu.memref_slice %arg14[%dma_start3A_439, %dma_start3A_441, %dma_start3A_442] : memref<2x128x128xf32, #tpu.memory_space<vmem>> -> memref<1x128x128xf32, #tpu.memory_space<vmem>>
      %dma_start3A_444 = tpu.memref_squeeze %dma_start3A_443 : memref<1x128x128xf32, #tpu.memory_space<vmem>> -> memref<128x128xf32, #tpu.memory_space<vmem>>
      %dma_start3A_445 = arith.constant 0 : i32
      %dma_start3A_446 = tpu.memref_slice %arg13[%add3A_438, %dma_start3A_445] : memref<40x128xi32, #tpu.memory_space<vmem>> -> memref<1x128xi32, #tpu.memory_space<vmem>>
      %dma_start3A_447 = tpu.memref_squeeze %dma_start3A_446 : memref<1x128xi32, #tpu.memory_space<vmem>> -> memref<128xi32, #tpu.memory_space<vmem>>
      %dma_start3A_448 = arith.constant 0 : i32
      %dma_start3A_449 = arith.constant 0 : i32
      %dma_start3A_450 = tpu.memref_slice %arg10[%dma_start3A_448, %dma_start3A_449] : memref<10240x128xf32, #tpu.memory_space<vmem_shared>> -> memref<10240x128xf32, #tpu.memory_space<vmem_shared>>
      %dma_start3A_451 = tpu.memref_slice %arg17[%dma_start3A_440] : memref<2x!tpu.dma_semaphore, #tpu.memory_space<semaphore_mem>> -> memref<1x!tpu.dma_semaphore, #tpu.memory_space<semaphore_mem>>
      %dma_start3A_452 = tpu.memref_squeeze %dma_start3A_451 : memref<1x!tpu.dma_semaphore, #tpu.memory_space<semaphore_mem>> -> memref<!tpu.dma_semaphore, #tpu.memory_space<semaphore_mem>>
      tpu.enqueue_indirect_dma source(%dma_start3A_444 : memref<128x128xf32, #tpu.memory_space<vmem>>) target(%dma_start3A_450 : memref<10240x128xf32, #tpu.memory_space<vmem_shared>>) offsets(%dma_start3A_447 : memref<128xi32, #tpu.memory_space<vmem>>) semaphore(%dma_start3A_452 : memref<!tpu.dma_semaphore, #tpu.memory_space<semaphore_mem>>) {add = true}
      %dma_start3A_453 = arith.constant 1 : i32
      %dma_start3A_454 = arith.constant 0 : i32
      %dma_start3A_455 = tpu.memref_slice %arg13[%add3A_438, %dma_start3A_454] : memref<40x128xi32, #tpu.memory_space<vmem>> -> memref<1x128xi32, #tpu.memory_space<vmem>>
      %dma_start3A_456 = tpu.memref_squeeze %dma_start3A_455 : memref<1x128xi32, #tpu.memory_space<vmem>> -> memref<128xi32, #tpu.memory_space<vmem>>
      %dma_start3A_457 = arith.constant 0 : i32
      %dma_start3A_458 = tpu.memref_slice %arg11[%dma_start3A_457] : memref<10240xf32, #tpu.memory_space<vmem_shared>> -> memref<10240xf32, #tpu.memory_space<vmem_shared>>
      %dma_start3A_459 = tpu.memref_slice %arg18[%dma_start3A_453] : memref<2x!tpu.dma_semaphore, #tpu.memory_space<semaphore_mem>> -> memref<1x!tpu.dma_semaphore, #tpu.memory_space<semaphore_mem>>
      %dma_start3A_460 = tpu.memref_squeeze %dma_start3A_459 : memref<1x!tpu.dma_semaphore, #tpu.memory_space<semaphore_mem>> -> memref<!tpu.dma_semaphore, #tpu.memory_space<semaphore_mem>>
      tpu.enqueue_indirect_dma source(%arg15 : memref<128xf32, #tpu.memory_space<vmem>>) target(%dma_start3A_458 : memref<10240xf32, #tpu.memory_space<vmem_shared>>) offsets(%dma_start3A_456 : memref<128xi32, #tpu.memory_space<vmem>>) semaphore(%dma_start3A_460 : memref<!tpu.dma_semaphore, #tpu.memory_space<semaphore_mem>>) {add = true}
      %dma_wait3A_461 = arith.constant 0 : i32
      %dma_wait3A_462 = arith.constant 0 : i32
      %dma_wait3A_463 = arith.constant 0 : i32
      %dma_wait3A_464 = arith.constant 0 : i32
      %dma_wait3A_465 = arith.constant 0 : i32
      %dma_wait3A_466 = tpu.memref_slice %arg14[%dma_wait3A_461, %dma_wait3A_464, %dma_wait3A_465] : memref<2x128x128xf32, #tpu.memory_space<vmem>> -> memref<1x128x128xf32, #tpu.memory_space<vmem>>
      %dma_wait3A_467 = tpu.memref_squeeze %dma_wait3A_466 : memref<1x128x128xf32, #tpu.memory_space<vmem>> -> memref<128x128xf32, #tpu.memory_space<vmem>>
      %dma_wait3A_468 = arith.constant 0 : i32
      %dma_wait3A_469 = tpu.memref_slice %arg13[%dma_wait3A_462, %dma_wait3A_468] : memref<40x128xi32, #tpu.memory_space<vmem>> -> memref<1x128xi32, #tpu.memory_space<vmem>>
      %dma_wait3A_470 = tpu.memref_squeeze %dma_wait3A_469 : memref<1x128xi32, #tpu.memory_space<vmem>> -> memref<128xi32, #tpu.memory_space<vmem>>
      %dma_wait3A_471 = arith.constant 0 : i32
      %dma_wait3A_472 = arith.constant 0 : i32
      %dma_wait3A_473 = tpu.memref_slice %arg10[%dma_wait3A_471, %dma_wait3A_472] : memref<10240x128xf32, #tpu.memory_space<vmem_shared>> -> memref<10240x128xf32, #tpu.memory_space<vmem_shared>>
      %dma_wait3A_474 = tpu.memref_slice %arg17[%dma_wait3A_463] : memref<2x!tpu.dma_semaphore, #tpu.memory_space<semaphore_mem>> -> memref<1x!tpu.dma_semaphore, #tpu.memory_space<semaphore_mem>>
      %dma_wait3A_475 = tpu.memref_squeeze %dma_wait3A_474 : memref<1x!tpu.dma_semaphore, #tpu.memory_space<semaphore_mem>> -> memref<!tpu.dma_semaphore, #tpu.memory_space<semaphore_mem>>
      tpu.wait_indirect_dma semaphore(%dma_wait3A_475 : memref<!tpu.dma_semaphore, #tpu.memory_space<semaphore_mem>>) src(%dma_wait3A_467 : memref<128x128xf32, #tpu.memory_space<vmem>>) dst(%dma_wait3A_473 : memref<10240x128xf32, #tpu.memory_space<vmem_shared>>)
      %dma_wait3A_476 = arith.constant 0 : i32
      %dma_wait3A_477 = arith.constant 0 : i32
      %dma_wait3A_478 = arith.constant 0 : i32
      %dma_wait3A_479 = tpu.memref_slice %arg13[%dma_wait3A_476, %dma_wait3A_478] : memref<40x128xi32, #tpu.memory_space<vmem>> -> memref<1x128xi32, #tpu.memory_space<vmem>>
      %dma_wait3A_480 = tpu.memref_squeeze %dma_wait3A_479 : memref<1x128xi32, #tpu.memory_space<vmem>> -> memref<128xi32, #tpu.memory_space<vmem>>
      %dma_wait3A_481 = arith.constant 0 : i32
      %dma_wait3A_482 = tpu.memref_slice %arg11[%dma_wait3A_481] : memref<10240xf32, #tpu.memory_space<vmem_shared>> -> memref<10240xf32, #tpu.memory_space<vmem_shared>>
      %dma_wait3A_483 = tpu.memref_slice %arg18[%dma_wait3A_477] : memref<2x!tpu.dma_semaphore, #tpu.memory_space<semaphore_mem>> -> memref<1x!tpu.dma_semaphore, #tpu.memory_space<semaphore_mem>>
      %dma_wait3A_484 = tpu.memref_squeeze %dma_wait3A_483 : memref<1x!tpu.dma_semaphore, #tpu.memory_space<semaphore_mem>> -> memref<!tpu.dma_semaphore, #tpu.memory_space<semaphore_mem>>
      tpu.wait_indirect_dma semaphore(%dma_wait3A_484 : memref<!tpu.dma_semaphore, #tpu.memory_space<semaphore_mem>>) src(%arg15 : memref<128xf32, #tpu.memory_space<vmem>>) dst(%dma_wait3A_482 : memref<10240xf32, #tpu.memory_space<vmem_shared>>)
      %add3A_485 = arith.constant 1 : i32
      %add3A_486 = arith.addi %scan3A_378, %add3A_485 : i32
      %mul3A_487 = arith.constant 2 : i32
      %mul3A_488 = arith.muli %add3A_486, %mul3A_487 : i32
      %add3A_489 = arith.constant 0 : i32
      %add3A_490 = arith.addi %mul3A_488, %add3A_489 : i32
      %dma_start3A_491 = arith.constant 0 : i32
      %dma_start3A_492 = arith.constant 0 : i32
      %dma_start3A_493 = arith.constant 0 : i32
      %dma_start3A_494 = arith.constant 0 : i32
      %dma_start3A_495 = tpu.memref_slice %arg14[%dma_start3A_491, %dma_start3A_493, %dma_start3A_494] : memref<2x128x128xf32, #tpu.memory_space<vmem>> -> memref<1x128x128xf32, #tpu.memory_space<vmem>>
      %dma_start3A_496 = tpu.memref_squeeze %dma_start3A_495 : memref<1x128x128xf32, #tpu.memory_space<vmem>> -> memref<128x128xf32, #tpu.memory_space<vmem>>
      %dma_start3A_497 = arith.constant 0 : i32
      %dma_start3A_498 = tpu.memref_slice %arg12[%add3A_490, %dma_start3A_497] : memref<40x128xi32, #tpu.memory_space<vmem>> -> memref<1x128xi32, #tpu.memory_space<vmem>>
      %dma_start3A_499 = tpu.memref_squeeze %dma_start3A_498 : memref<1x128xi32, #tpu.memory_space<vmem>> -> memref<128xi32, #tpu.memory_space<vmem>>
      %dma_start3A_500 = arith.constant 0 : i32
      %dma_start3A_501 = arith.constant 0 : i32
      %dma_start3A_502 = tpu.memref_slice %arg2[%dma_start3A_500, %dma_start3A_501] : memref<10000x128xf32, #tpu.memory_space<hbm>> -> memref<10000x128xf32, #tpu.memory_space<hbm>>
      %dma_start3A_503 = tpu.memref_slice %arg16[%dma_start3A_492] : memref<2x!tpu.dma_semaphore, #tpu.memory_space<semaphore_mem>> -> memref<1x!tpu.dma_semaphore, #tpu.memory_space<semaphore_mem>>
      %dma_start3A_504 = tpu.memref_squeeze %dma_start3A_503 : memref<1x!tpu.dma_semaphore, #tpu.memory_space<semaphore_mem>> -> memref<!tpu.dma_semaphore, #tpu.memory_space<semaphore_mem>>
      tpu.enqueue_indirect_dma source(%dma_start3A_502 : memref<10000x128xf32, #tpu.memory_space<hbm>>) target(%dma_start3A_496 : memref<128x128xf32, #tpu.memory_space<vmem>>) offsets(%dma_start3A_499 : memref<128xi32, #tpu.memory_space<vmem>>) semaphore(%dma_start3A_504 : memref<!tpu.dma_semaphore, #tpu.memory_space<semaphore_mem>>)
      %dma_wait3A_505 = arith.constant 1 : i32
      %dma_wait3A_506 = arith.constant 0 : i32
      %dma_wait3A_507 = arith.constant 1 : i32
      %dma_wait3A_508 = arith.constant 0 : i32
      %dma_wait3A_509 = arith.constant 0 : i32
      %dma_wait3A_510 = tpu.memref_slice %arg14[%dma_wait3A_505, %dma_wait3A_508, %dma_wait3A_509] : memref<2x128x128xf32, #tpu.memory_space<vmem>> -> memref<1x128x128xf32, #tpu.memory_space<vmem>>
      %dma_wait3A_511 = tpu.memref_squeeze %dma_wait3A_510 : memref<1x128x128xf32, #tpu.memory_space<vmem>> -> memref<128x128xf32, #tpu.memory_space<vmem>>
      %dma_wait3A_512 = arith.constant 0 : i32
      %dma_wait3A_513 = tpu.memref_slice %arg13[%dma_wait3A_506, %dma_wait3A_512] : memref<40x128xi32, #tpu.memory_space<vmem>> -> memref<1x128xi32, #tpu.memory_space<vmem>>
      %dma_wait3A_514 = tpu.memref_squeeze %dma_wait3A_513 : memref<1x128xi32, #tpu.memory_space<vmem>> -> memref<128xi32, #tpu.memory_space<vmem>>
      %dma_wait3A_515 = arith.constant 0 : i32
      %dma_wait3A_516 = arith.constant 0 : i32
      %dma_wait3A_517 = tpu.memref_slice %arg10[%dma_wait3A_515, %dma_wait3A_516] : memref<10240x128xf32, #tpu.memory_space<vmem_shared>> -> memref<10240x128xf32, #tpu.memory_space<vmem_shared>>
      %dma_wait3A_518 = tpu.memref_slice %arg17[%dma_wait3A_507] : memref<2x!tpu.dma_semaphore, #tpu.memory_space<semaphore_mem>> -> memref<1x!tpu.dma_semaphore, #tpu.memory_space<semaphore_mem>>
      %dma_wait3A_519 = tpu.memref_squeeze %dma_wait3A_518 : memref<1x!tpu.dma_semaphore, #tpu.memory_space<semaphore_mem>> -> memref<!tpu.dma_semaphore, #tpu.memory_space<semaphore_mem>>
      tpu.wait_indirect_dma semaphore(%dma_wait3A_519 : memref<!tpu.dma_semaphore, #tpu.memory_space<semaphore_mem>>) src(%dma_wait3A_511 : memref<128x128xf32, #tpu.memory_space<vmem>>) dst(%dma_wait3A_517 : memref<10240x128xf32, #tpu.memory_space<vmem_shared>>)
      %dma_wait3A_520 = arith.constant 0 : i32
      %dma_wait3A_521 = arith.constant 1 : i32
      %dma_wait3A_522 = arith.constant 0 : i32
      %dma_wait3A_523 = tpu.memref_slice %arg13[%dma_wait3A_520, %dma_wait3A_522] : memref<40x128xi32, #tpu.memory_space<vmem>> -> memref<1x128xi32, #tpu.memory_space<vmem>>
      %dma_wait3A_524 = tpu.memref_squeeze %dma_wait3A_523 : memref<1x128xi32, #tpu.memory_space<vmem>> -> memref<128xi32, #tpu.memory_space<vmem>>
      %dma_wait3A_525 = arith.constant 0 : i32
      %dma_wait3A_526 = tpu.memref_slice %arg11[%dma_wait3A_525] : memref<10240xf32, #tpu.memory_space<vmem_shared>> -> memref<10240xf32, #tpu.memory_space<vmem_shared>>
      %dma_wait3A_527 = tpu.memref_slice %arg18[%dma_wait3A_521] : memref<2x!tpu.dma_semaphore, #tpu.memory_space<semaphore_mem>> -> memref<1x!tpu.dma_semaphore, #tpu.memory_space<semaphore_mem>>
      %dma_wait3A_528 = tpu.memref_squeeze %dma_wait3A_527 : memref<1x!tpu.dma_semaphore, #tpu.memory_space<semaphore_mem>> -> memref<!tpu.dma_semaphore, #tpu.memory_space<semaphore_mem>>
      tpu.wait_indirect_dma semaphore(%dma_wait3A_528 : memref<!tpu.dma_semaphore, #tpu.memory_space<semaphore_mem>>) src(%arg15 : memref<128xf32, #tpu.memory_space<vmem>>) dst(%dma_wait3A_526 : memref<10240xf32, #tpu.memory_space<vmem_shared>>)
      %add3A_529 = arith.constant 1 : i32
      %add3A_530 = arith.addi %scan3A_378, %add3A_529 : i32
      %mul3A_531 = arith.constant 2 : i32
      %mul3A_532 = arith.muli %add3A_530, %mul3A_531 : i32
      %add3A_533 = arith.constant 1 : i32
      %add3A_534 = arith.addi %mul3A_532, %add3A_533 : i32
      %dma_start3A_535 = arith.constant 1 : i32
      %dma_start3A_536 = arith.constant 1 : i32
      %dma_start3A_537 = arith.constant 0 : i32
      %dma_start3A_538 = arith.constant 0 : i32
      %dma_start3A_539 = tpu.memref_slice %arg14[%dma_start3A_535, %dma_start3A_537, %dma_start3A_538] : memref<2x128x128xf32, #tpu.memory_space<vmem>> -> memref<1x128x128xf32, #tpu.memory_space<vmem>>
      %dma_start3A_540 = tpu.memref_squeeze %dma_start3A_539 : memref<1x128x128xf32, #tpu.memory_space<vmem>> -> memref<128x128xf32, #tpu.memory_space<vmem>>
      %dma_start3A_541 = arith.constant 0 : i32
      %dma_start3A_542 = tpu.memref_slice %arg12[%add3A_534, %dma_start3A_541] : memref<40x128xi32, #tpu.memory_space<vmem>> -> memref<1x128xi32, #tpu.memory_space<vmem>>
      %dma_start3A_543 = tpu.memref_squeeze %dma_start3A_542 : memref<1x128xi32, #tpu.memory_space<vmem>> -> memref<128xi32, #tpu.memory_space<vmem>>
      %dma_start3A_544 = arith.constant 0 : i32
      %dma_start3A_545 = arith.constant 0 : i32
      %dma_start3A_546 = tpu.memref_slice %arg2[%dma_start3A_544, %dma_start3A_545] : memref<10000x128xf32, #tpu.memory_space<hbm>> -> memref<10000x128xf32, #tpu.memory_space<hbm>>
      %dma_start3A_547 = tpu.memref_slice %arg16[%dma_start3A_536] : memref<2x!tpu.dma_semaphore, #tpu.memory_space<semaphore_mem>> -> memref<1x!tpu.dma_semaphore, #tpu.memory_space<semaphore_mem>>
      %dma_start3A_548 = tpu.memref_squeeze %dma_start3A_547 : memref<1x!tpu.dma_semaphore, #tpu.memory_space<semaphore_mem>> -> memref<!tpu.dma_semaphore, #tpu.memory_space<semaphore_mem>>
      tpu.enqueue_indirect_dma source(%dma_start3A_546 : memref<10000x128xf32, #tpu.memory_space<hbm>>) target(%dma_start3A_540 : memref<128x128xf32, #tpu.memory_space<vmem>>) offsets(%dma_start3A_543 : memref<128xi32, #tpu.memory_space<vmem>>) semaphore(%dma_start3A_548 : memref<!tpu.dma_semaphore, #tpu.memory_space<semaphore_mem>>)
    }
    %scan3A_82 = arith.constant 19 : i32
    %dma_wait3A = arith.constant 0 : i32
    %dma_wait3A_83 = arith.constant 0 : i32
    %dma_wait3A_84 = arith.constant 0 : i32
    %dma_wait3A_85 = arith.constant 0 : i32
    %dma_wait3A_86 = arith.constant 0 : i32
    %dma_wait3A_87 = tpu.memref_slice %arg14[%dma_wait3A_83, %dma_wait3A_85, %dma_wait3A_86] : memref<2x128x128xf32, #tpu.memory_space<vmem>> -> memref<1x128x128xf32, #tpu.memory_space<vmem>>
    %dma_wait3A_88 = tpu.memref_squeeze %dma_wait3A_87 : memref<1x128x128xf32, #tpu.memory_space<vmem>> -> memref<128x128xf32, #tpu.memory_space<vmem>>
    %dma_wait3A_89 = arith.constant 0 : i32
    %dma_wait3A_90 = tpu.memref_slice %arg12[%dma_wait3A, %dma_wait3A_89] : memref<40x128xi32, #tpu.memory_space<vmem>> -> memref<1x128xi32, #tpu.memory_space<vmem>>
    %dma_wait3A_91 = tpu.memref_squeeze %dma_wait3A_90 : memref<1x128xi32, #tpu.memory_space<vmem>> -> memref<128xi32, #tpu.memory_space<vmem>>
    %dma_wait3A_92 = arith.constant 0 : i32
    %dma_wait3A_93 = arith.constant 0 : i32
    %dma_wait3A_94 = tpu.memref_slice %arg2[%dma_wait3A_92, %dma_wait3A_93] : memref<10000x128xf32, #tpu.memory_space<hbm>> -> memref<10000x128xf32, #tpu.memory_space<hbm>>
    %dma_wait3A_95 = tpu.memref_slice %arg16[%dma_wait3A_84] : memref<2x!tpu.dma_semaphore, #tpu.memory_space<semaphore_mem>> -> memref<1x!tpu.dma_semaphore, #tpu.memory_space<semaphore_mem>>
    %dma_wait3A_96 = tpu.memref_squeeze %dma_wait3A_95 : memref<1x!tpu.dma_semaphore, #tpu.memory_space<semaphore_mem>> -> memref<!tpu.dma_semaphore, #tpu.memory_space<semaphore_mem>>
    tpu.wait_indirect_dma semaphore(%dma_wait3A_96 : memref<!tpu.dma_semaphore, #tpu.memory_space<semaphore_mem>>) src(%dma_wait3A_94 : memref<10000x128xf32, #tpu.memory_space<hbm>>) dst(%dma_wait3A_88 : memref<128x128xf32, #tpu.memory_space<vmem>>)
    %dma_start3A_97 = arith.constant 0 : i32
    %dma_start3A_98 = arith.constant 38 : i32
    %dma_start3A_99 = arith.constant 0 : i32
    %dma_start3A_100 = arith.constant 0 : i32
    %dma_start3A_101 = arith.constant 0 : i32
    %dma_start3A_102 = tpu.memref_slice %arg14[%dma_start3A_97, %dma_start3A_100, %dma_start3A_101] : memref<2x128x128xf32, #tpu.memory_space<vmem>> -> memref<1x128x128xf32, #tpu.memory_space<vmem>>
    %dma_start3A_103 = tpu.memref_squeeze %dma_start3A_102 : memref<1x128x128xf32, #tpu.memory_space<vmem>> -> memref<128x128xf32, #tpu.memory_space<vmem>>
    %dma_start3A_104 = arith.constant 0 : i32
    %dma_start3A_105 = tpu.memref_slice %arg13[%dma_start3A_98, %dma_start3A_104] : memref<40x128xi32, #tpu.memory_space<vmem>> -> memref<1x128xi32, #tpu.memory_space<vmem>>
    %dma_start3A_106 = tpu.memref_squeeze %dma_start3A_105 : memref<1x128xi32, #tpu.memory_space<vmem>> -> memref<128xi32, #tpu.memory_space<vmem>>
    %dma_start3A_107 = arith.constant 0 : i32
    %dma_start3A_108 = arith.constant 0 : i32
    %dma_start3A_109 = tpu.memref_slice %arg10[%dma_start3A_107, %dma_start3A_108] : memref<10240x128xf32, #tpu.memory_space<vmem_shared>> -> memref<10240x128xf32, #tpu.memory_space<vmem_shared>>
    %dma_start3A_110 = tpu.memref_slice %arg17[%dma_start3A_99] : memref<2x!tpu.dma_semaphore, #tpu.memory_space<semaphore_mem>> -> memref<1x!tpu.dma_semaphore, #tpu.memory_space<semaphore_mem>>
    %dma_start3A_111 = tpu.memref_squeeze %dma_start3A_110 : memref<1x!tpu.dma_semaphore, #tpu.memory_space<semaphore_mem>> -> memref<!tpu.dma_semaphore, #tpu.memory_space<semaphore_mem>>
    tpu.enqueue_indirect_dma source(%dma_start3A_103 : memref<128x128xf32, #tpu.memory_space<vmem>>) target(%dma_start3A_109 : memref<10240x128xf32, #tpu.memory_space<vmem_shared>>) offsets(%dma_start3A_106 : memref<128xi32, #tpu.memory_space<vmem>>) semaphore(%dma_start3A_111 : memref<!tpu.dma_semaphore, #tpu.memory_space<semaphore_mem>>) {add = true}
    %dma_start3A_112 = arith.constant 38 : i32
    %dma_start3A_113 = arith.constant 0 : i32
    %dma_start3A_114 = arith.constant 0 : i32
    %dma_start3A_115 = tpu.memref_slice %arg13[%dma_start3A_112, %dma_start3A_114] : memref<40x128xi32, #tpu.memory_space<vmem>> -> memref<1x128xi32, #tpu.memory_space<vmem>>
    %dma_start3A_116 = tpu.memref_squeeze %dma_start3A_115 : memref<1x128xi32, #tpu.memory_space<vmem>> -> memref<128xi32, #tpu.memory_space<vmem>>
    %dma_start3A_117 = arith.constant 0 : i32
    %dma_start3A_118 = tpu.memref_slice %arg11[%dma_start3A_117] : memref<10240xf32, #tpu.memory_space<vmem_shared>> -> memref<10240xf32, #tpu.memory_space<vmem_shared>>
    %dma_start3A_119 = tpu.memref_slice %arg18[%dma_start3A_113] : memref<2x!tpu.dma_semaphore, #tpu.memory_space<semaphore_mem>> -> memref<1x!tpu.dma_semaphore, #tpu.memory_space<semaphore_mem>>
    %dma_start3A_120 = tpu.memref_squeeze %dma_start3A_119 : memref<1x!tpu.dma_semaphore, #tpu.memory_space<semaphore_mem>> -> memref<!tpu.dma_semaphore, #tpu.memory_space<semaphore_mem>>
    tpu.enqueue_indirect_dma source(%arg15 : memref<128xf32, #tpu.memory_space<vmem>>) target(%dma_start3A_118 : memref<10240xf32, #tpu.memory_space<vmem_shared>>) offsets(%dma_start3A_116 : memref<128xi32, #tpu.memory_space<vmem>>) semaphore(%dma_start3A_120 : memref<!tpu.dma_semaphore, #tpu.memory_space<semaphore_mem>>) {add = true}
    %dma_wait3A_121 = arith.constant 0 : i32
    %dma_wait3A_122 = arith.constant 1 : i32
    %dma_wait3A_123 = arith.constant 1 : i32
    %dma_wait3A_124 = arith.constant 0 : i32
    %dma_wait3A_125 = arith.constant 0 : i32
    %dma_wait3A_126 = tpu.memref_slice %arg14[%dma_wait3A_122, %dma_wait3A_124, %dma_wait3A_125] : memref<2x128x128xf32, #tpu.memory_space<vmem>> -> memref<1x128x128xf32, #tpu.memory_space<vmem>>
    %dma_wait3A_127 = tpu.memref_squeeze %dma_wait3A_126 : memref<1x128x128xf32, #tpu.memory_space<vmem>> -> memref<128x128xf32, #tpu.memory_space<vmem>>
    %dma_wait3A_128 = arith.constant 0 : i32
    %dma_wait3A_129 = tpu.memref_slice %arg12[%dma_wait3A_121, %dma_wait3A_128] : memref<40x128xi32, #tpu.memory_space<vmem>> -> memref<1x128xi32, #tpu.memory_space<vmem>>
    %dma_wait3A_130 = tpu.memref_squeeze %dma_wait3A_129 : memref<1x128xi32, #tpu.memory_space<vmem>> -> memref<128xi32, #tpu.memory_space<vmem>>
    %dma_wait3A_131 = arith.constant 0 : i32
    %dma_wait3A_132 = arith.constant 0 : i32
    %dma_wait3A_133 = tpu.memref_slice %arg2[%dma_wait3A_131, %dma_wait3A_132] : memref<10000x128xf32, #tpu.memory_space<hbm>> -> memref<10000x128xf32, #tpu.memory_space<hbm>>
    %dma_wait3A_134 = tpu.memref_slice %arg16[%dma_wait3A_123] : memref<2x!tpu.dma_semaphore, #tpu.memory_space<semaphore_mem>> -> memref<1x!tpu.dma_semaphore, #tpu.memory_space<semaphore_mem>>
    %dma_wait3A_135 = tpu.memref_squeeze %dma_wait3A_134 : memref<1x!tpu.dma_semaphore, #tpu.memory_space<semaphore_mem>> -> memref<!tpu.dma_semaphore, #tpu.memory_space<semaphore_mem>>
    tpu.wait_indirect_dma semaphore(%dma_wait3A_135 : memref<!tpu.dma_semaphore, #tpu.memory_space<semaphore_mem>>) src(%dma_wait3A_133 : memref<10000x128xf32, #tpu.memory_space<hbm>>) dst(%dma_wait3A_127 : memref<128x128xf32, #tpu.memory_space<vmem>>)
    %dma_start3A_136 = arith.constant 1 : i32
    %dma_start3A_137 = arith.constant 39 : i32
    %dma_start3A_138 = arith.constant 1 : i32
    %dma_start3A_139 = arith.constant 0 : i32
    %dma_start3A_140 = arith.constant 0 : i32
    %dma_start3A_141 = tpu.memref_slice %arg14[%dma_start3A_136, %dma_start3A_139, %dma_start3A_140] : memref<2x128x128xf32, #tpu.memory_space<vmem>> -> memref<1x128x128xf32, #tpu.memory_space<vmem>>
    %dma_start3A_142 = tpu.memref_squeeze %dma_start3A_141 : memref<1x128x128xf32, #tpu.memory_space<vmem>> -> memref<128x128xf32, #tpu.memory_space<vmem>>
    %dma_start3A_143 = arith.constant 0 : i32
    %dma_start3A_144 = tpu.memref_slice %arg13[%dma_start3A_137, %dma_start3A_143] : memref<40x128xi32, #tpu.memory_space<vmem>> -> memref<1x128xi32, #tpu.memory_space<vmem>>
    %dma_start3A_145 = tpu.memref_squeeze %dma_start3A_144 : memref<1x128xi32, #tpu.memory_space<vmem>> -> memref<128xi32, #tpu.memory_space<vmem>>
    %dma_start3A_146 = arith.constant 0 : i32
    %dma_start3A_147 = arith.constant 0 : i32
    %dma_start3A_148 = tpu.memref_slice %arg10[%dma_start3A_146, %dma_start3A_147] : memref<10240x128xf32, #tpu.memory_space<vmem_shared>> -> memref<10240x128xf32, #tpu.memory_space<vmem_shared>>
    %dma_start3A_149 = tpu.memref_slice %arg17[%dma_start3A_138] : memref<2x!tpu.dma_semaphore, #tpu.memory_space<semaphore_mem>> -> memref<1x!tpu.dma_semaphore, #tpu.memory_space<semaphore_mem>>
    %dma_start3A_150 = tpu.memref_squeeze %dma_start3A_149 : memref<1x!tpu.dma_semaphore, #tpu.memory_space<semaphore_mem>> -> memref<!tpu.dma_semaphore, #tpu.memory_space<semaphore_mem>>
    tpu.enqueue_indirect_dma source(%dma_start3A_142 : memref<128x128xf32, #tpu.memory_space<vmem>>) target(%dma_start3A_148 : memref<10240x128xf32, #tpu.memory_space<vmem_shared>>) offsets(%dma_start3A_145 : memref<128xi32, #tpu.memory_space<vmem>>) semaphore(%dma_start3A_150 : memref<!tpu.dma_semaphore, #tpu.memory_space<semaphore_mem>>) {add = true}
    %dma_start3A_151 = arith.constant 39 : i32
    %dma_start3A_152 = arith.constant 1 : i32
    %dma_start3A_153 = arith.constant 0 : i32
    %dma_start3A_154 = tpu.memref_slice %arg13[%dma_start3A_151, %dma_start3A_153] : memref<40x128xi32, #tpu.memory_space<vmem>> -> memref<1x128xi32, #tpu.memory_space<vmem>>
    %dma_start3A_155 = tpu.memref_squeeze %dma_start3A_154 : memref<1x128xi32, #tpu.memory_space<vmem>> -> memref<128xi32, #tpu.memory_space<vmem>>
    %dma_start3A_156 = arith.constant 0 : i32
    %dma_start3A_157 = tpu.memref_slice %arg11[%dma_start3A_156] : memref<10240xf32, #tpu.memory_space<vmem_shared>> -> memref<10240xf32, #tpu.memory_space<vmem_shared>>
    %dma_start3A_158 = tpu.memref_slice %arg18[%dma_start3A_152] : memref<2x!tpu.dma_semaphore, #tpu.memory_space<semaphore_mem>> -> memref<1x!tpu.dma_semaphore, #tpu.memory_space<semaphore_mem>>
    %dma_start3A_159 = tpu.memref_squeeze %dma_start3A_158 : memref<1x!tpu.dma_semaphore, #tpu.memory_space<semaphore_mem>> -> memref<!tpu.dma_semaphore, #tpu.memory_space<semaphore_mem>>
    tpu.enqueue_indirect_dma source(%arg15 : memref<128xf32, #tpu.memory_space<vmem>>) target(%dma_start3A_157 : memref<10240xf32, #tpu.memory_space<vmem_shared>>) offsets(%dma_start3A_155 : memref<128xi32, #tpu.memory_space<vmem>>) semaphore(%dma_start3A_159 : memref<!tpu.dma_semaphore, #tpu.memory_space<semaphore_mem>>) {add = true}
    %dma_wait3A_160 = arith.constant 0 : i32
    %dma_wait3A_161 = arith.constant 0 : i32
    %dma_wait3A_162 = arith.constant 0 : i32
    %dma_wait3A_163 = arith.constant 0 : i32
    %dma_wait3A_164 = arith.constant 0 : i32
    %dma_wait3A_165 = tpu.memref_slice %arg14[%dma_wait3A_160, %dma_wait3A_163, %dma_wait3A_164] : memref<2x128x128xf32, #tpu.memory_space<vmem>> -> memref<1x128x128xf32, #tpu.memory_space<vmem>>
    %dma_wait3A_166 = tpu.memref_squeeze %dma_wait3A_165 : memref<1x128x128xf32, #tpu.memory_space<vmem>> -> memref<128x128xf32, #tpu.memory_space<vmem>>
    %dma_wait3A_167 = arith.constant 0 : i32
    %dma_wait3A_168 = tpu.memref_slice %arg13[%dma_wait3A_161, %dma_wait3A_167] : memref<40x128xi32, #tpu.memory_space<vmem>> -> memref<1x128xi32, #tpu.memory_space<vmem>>
    %dma_wait3A_169 = tpu.memref_squeeze %dma_wait3A_168 : memref<1x128xi32, #tpu.memory_space<vmem>> -> memref<128xi32, #tpu.memory_space<vmem>>
    %dma_wait3A_170 = arith.constant 0 : i32
    %dma_wait3A_171 = arith.constant 0 : i32
    %dma_wait3A_172 = tpu.memref_slice %arg10[%dma_wait3A_170, %dma_wait3A_171] : memref<10240x128xf32, #tpu.memory_space<vmem_shared>> -> memref<10240x128xf32, #tpu.memory_space<vmem_shared>>
    %dma_wait3A_173 = tpu.memref_slice %arg17[%dma_wait3A_162] : memref<2x!tpu.dma_semaphore, #tpu.memory_space<semaphore_mem>> -> memref<1x!tpu.dma_semaphore, #tpu.memory_space<semaphore_mem>>
    %dma_wait3A_174 = tpu.memref_squeeze %dma_wait3A_173 : memref<1x!tpu.dma_semaphore, #tpu.memory_space<semaphore_mem>> -> memref<!tpu.dma_semaphore, #tpu.memory_space<semaphore_mem>>
    tpu.wait_indirect_dma semaphore(%dma_wait3A_174 : memref<!tpu.dma_semaphore, #tpu.memory_space<semaphore_mem>>) src(%dma_wait3A_166 : memref<128x128xf32, #tpu.memory_space<vmem>>) dst(%dma_wait3A_172 : memref<10240x128xf32, #tpu.memory_space<vmem_shared>>)
    %dma_wait3A_175 = arith.constant 0 : i32
    %dma_wait3A_176 = arith.constant 0 : i32
    %dma_wait3A_177 = arith.constant 0 : i32
    %dma_wait3A_178 = tpu.memref_slice %arg13[%dma_wait3A_175, %dma_wait3A_177] : memref<40x128xi32, #tpu.memory_space<vmem>> -> memref<1x128xi32, #tpu.memory_space<vmem>>
    %dma_wait3A_179 = tpu.memref_squeeze %dma_wait3A_178 : memref<1x128xi32, #tpu.memory_space<vmem>> -> memref<128xi32, #tpu.memory_space<vmem>>
    %dma_wait3A_180 = arith.constant 0 : i32
    %dma_wait3A_181 = tpu.memref_slice %arg11[%dma_wait3A_180] : memref<10240xf32, #tpu.memory_space<vmem_shared>> -> memref<10240xf32, #tpu.memory_space<vmem_shared>>
    %dma_wait3A_182 = tpu.memref_slice %arg18[%dma_wait3A_176] : memref<2x!tpu.dma_semaphore, #tpu.memory_space<semaphore_mem>> -> memref<1x!tpu.dma_semaphore, #tpu.memory_space<semaphore_mem>>
    %dma_wait3A_183 = tpu.memref_squeeze %dma_wait3A_182 : memref<1x!tpu.dma_semaphore, #tpu.memory_space<semaphore_mem>> -> memref<!tpu.dma_semaphore, #tpu.memory_space<semaphore_mem>>
    tpu.wait_indirect_dma semaphore(%dma_wait3A_183 : memref<!tpu.dma_semaphore, #tpu.memory_space<semaphore_mem>>) src(%arg15 : memref<128xf32, #tpu.memory_space<vmem>>) dst(%dma_wait3A_181 : memref<10240xf32, #tpu.memory_space<vmem_shared>>)
    %dma_wait3A_184 = arith.constant 1 : i32
    %dma_wait3A_185 = arith.constant 0 : i32
    %dma_wait3A_186 = arith.constant 1 : i32
    %dma_wait3A_187 = arith.constant 0 : i32
    %dma_wait3A_188 = arith.constant 0 : i32
    %dma_wait3A_189 = tpu.memref_slice %arg14[%dma_wait3A_184, %dma_wait3A_187, %dma_wait3A_188] : memref<2x128x128xf32, #tpu.memory_space<vmem>> -> memref<1x128x128xf32, #tpu.memory_space<vmem>>
    %dma_wait3A_190 = tpu.memref_squeeze %dma_wait3A_189 : memref<1x128x128xf32, #tpu.memory_space<vmem>> -> memref<128x128xf32, #tpu.memory_space<vmem>>
    %dma_wait3A_191 = arith.constant 0 : i32
    %dma_wait3A_192 = tpu.memref_slice %arg13[%dma_wait3A_185, %dma_wait3A_191] : memref<40x128xi32, #tpu.memory_space<vmem>> -> memref<1x128xi32, #tpu.memory_space<vmem>>
    %dma_wait3A_193 = tpu.memref_squeeze %dma_wait3A_192 : memref<1x128xi32, #tpu.memory_space<vmem>> -> memref<128xi32, #tpu.memory_space<vmem>>
    %dma_wait3A_194 = arith.constant 0 : i32
    %dma_wait3A_195 = arith.constant 0 : i32
    %dma_wait3A_196 = tpu.memref_slice %arg10[%dma_wait3A_194, %dma_wait3A_195] : memref<10240x128xf32, #tpu.memory_space<vmem_shared>> -> memref<10240x128xf32, #tpu.memory_space<vmem_shared>>
    %dma_wait3A_197 = tpu.memref_slice %arg17[%dma_wait3A_186] : memref<2x!tpu.dma_semaphore, #tpu.memory_space<semaphore_mem>> -> memref<1x!tpu.dma_semaphore, #tpu.memory_space<semaphore_mem>>
    %dma_wait3A_198 = tpu.memref_squeeze %dma_wait3A_197 : memref<1x!tpu.dma_semaphore, #tpu.memory_space<semaphore_mem>> -> memref<!tpu.dma_semaphore, #tpu.memory_space<semaphore_mem>>
    tpu.wait_indirect_dma semaphore(%dma_wait3A_198 : memref<!tpu.dma_semaphore, #tpu.memory_space<semaphore_mem>>) src(%dma_wait3A_190 : memref<128x128xf32, #tpu.memory_space<vmem>>) dst(%dma_wait3A_196 : memref<10240x128xf32, #tpu.memory_space<vmem_shared>>)
    %dma_wait3A_199 = arith.constant 0 : i32
    %dma_wait3A_200 = arith.constant 1 : i32
    %dma_wait3A_201 = arith.constant 0 : i32
    %dma_wait3A_202 = tpu.memref_slice %arg13[%dma_wait3A_199, %dma_wait3A_201] : memref<40x128xi32, #tpu.memory_space<vmem>> -> memref<1x128xi32, #tpu.memory_space<vmem>>
    %dma_wait3A_203 = tpu.memref_squeeze %dma_wait3A_202 : memref<1x128xi32, #tpu.memory_space<vmem>> -> memref<128xi32, #tpu.memory_space<vmem>>
    %dma_wait3A_204 = arith.constant 0 : i32
    %dma_wait3A_205 = tpu.memref_slice %arg11[%dma_wait3A_204] : memref<10240xf32, #tpu.memory_space<vmem_shared>> -> memref<10240xf32, #tpu.memory_space<vmem_shared>>
    %dma_wait3A_206 = tpu.memref_slice %arg18[%dma_wait3A_200] : memref<2x!tpu.dma_semaphore, #tpu.memory_space<semaphore_mem>> -> memref<1x!tpu.dma_semaphore, #tpu.memory_space<semaphore_mem>>
    %dma_wait3A_207 = tpu.memref_squeeze %dma_wait3A_206 : memref<1x!tpu.dma_semaphore, #tpu.memory_space<semaphore_mem>> -> memref<!tpu.dma_semaphore, #tpu.memory_space<semaphore_mem>>
    tpu.wait_indirect_dma semaphore(%dma_wait3A_207 : memref<!tpu.dma_semaphore, #tpu.memory_space<semaphore_mem>>) src(%arg15 : memref<128xf32, #tpu.memory_space<vmem>>) dst(%dma_wait3A_205 : memref<10240xf32, #tpu.memory_space<vmem_shared>>)
    "tpu.region"() ({
      %run_scoped3A = tpu.sem_alloc : memref<!tpu.dma_semaphore, #tpu.memory_space<semaphore_mem>>
      %dma_start3A_378 = arith.constant 40 : i32
      %dma_start3A_379 = arith.constant 0 : i32
      %dma_start3A_380 = tpu.memref_slice %arg3[%add3A, %dma_start3A_378, %dma_start3A_379] : memref<32x80x128xi32, #tpu.memory_space<hbm>> -> memref<1x40x128xi32, #tpu.memory_space<hbm>>
      %dma_start3A_381 = tpu.memref_squeeze %dma_start3A_380 : memref<1x40x128xi32, #tpu.memory_space<hbm>> -> memref<40x128xi32, #tpu.memory_space<hbm>>
      %dma_start3A_382 = arith.constant 40 : i32
      %dma_start3A_383 = arith.constant 0 : i32
      %dma_start3A_384 = tpu.memref_slice %arg3[%add3A, %dma_start3A_382, %dma_start3A_383] : memref<32x80x128xi32, #tpu.memory_space<hbm>> -> memref<1x40x128xi32, #tpu.memory_space<hbm>>
      %dma_start3A_385 = tpu.memref_squeeze %dma_start3A_384 : memref<1x40x128xi32, #tpu.memory_space<hbm>> -> memref<40x128xi32, #tpu.memory_space<hbm>>
      tpu.enqueue_dma source(%dma_start3A_385 : memref<40x128xi32, #tpu.memory_space<hbm>>) target(%arg12 : memref<40x128xi32, #tpu.memory_space<vmem>>) target_semaphore(%run_scoped3A : memref<!tpu.dma_semaphore, #tpu.memory_space<semaphore_mem>>)
      %dma_wait3A_386 = arith.constant 40 : i32
      %dma_wait3A_387 = arith.constant 0 : i32
      %dma_wait3A_388 = tpu.memref_slice %arg3[%add3A, %dma_wait3A_386, %dma_wait3A_387] : memref<32x80x128xi32, #tpu.memory_space<hbm>> -> memref<1x40x128xi32, #tpu.memory_space<hbm>>
      %dma_wait3A_389 = tpu.memref_squeeze %dma_wait3A_388 : memref<1x40x128xi32, #tpu.memory_space<hbm>> -> memref<40x128xi32, #tpu.memory_space<hbm>>
      %dma_wait3A_390 = arith.constant 40 : i32
      %dma_wait3A_391 = arith.constant 0 : i32
      %dma_wait3A_392 = tpu.memref_slice %arg3[%add3A, %dma_wait3A_390, %dma_wait3A_391] : memref<32x80x128xi32, #tpu.memory_space<hbm>> -> memref<1x40x128xi32, #tpu.memory_space<hbm>>
      %dma_wait3A_393 = tpu.memref_squeeze %dma_wait3A_392 : memref<1x40x128xi32, #tpu.memory_space<hbm>> -> memref<40x128xi32, #tpu.memory_space<hbm>>
      tpu.wait_dma2 semaphore(%run_scoped3A : memref<!tpu.dma_semaphore, #tpu.memory_space<semaphore_mem>>) src(%dma_wait3A_393 : memref<40x128xi32, #tpu.memory_space<hbm>>) dst(%arg12 : memref<40x128xi32, #tpu.memory_space<vmem>>)
      tpu.yield
    }) : () -> ()
    "tpu.region"() ({
      %run_scoped3A = tpu.sem_alloc : memref<!tpu.dma_semaphore, #tpu.memory_space<semaphore_mem>>
      %dma_start3A_378 = arith.constant 40 : i32
      %dma_start3A_379 = arith.constant 0 : i32
      %dma_start3A_380 = tpu.memref_slice %arg4[%add3A, %dma_start3A_378, %dma_start3A_379] : memref<32x80x128xi32, #tpu.memory_space<hbm>> -> memref<1x40x128xi32, #tpu.memory_space<hbm>>
      %dma_start3A_381 = tpu.memref_squeeze %dma_start3A_380 : memref<1x40x128xi32, #tpu.memory_space<hbm>> -> memref<40x128xi32, #tpu.memory_space<hbm>>
      %dma_start3A_382 = arith.constant 40 : i32
      %dma_start3A_383 = arith.constant 0 : i32
      %dma_start3A_384 = tpu.memref_slice %arg4[%add3A, %dma_start3A_382, %dma_start3A_383] : memref<32x80x128xi32, #tpu.memory_space<hbm>> -> memref<1x40x128xi32, #tpu.memory_space<hbm>>
      %dma_start3A_385 = tpu.memref_squeeze %dma_start3A_384 : memref<1x40x128xi32, #tpu.memory_space<hbm>> -> memref<40x128xi32, #tpu.memory_space<hbm>>
      tpu.enqueue_dma source(%dma_start3A_385 : memref<40x128xi32, #tpu.memory_space<hbm>>) target(%arg13 : memref<40x128xi32, #tpu.memory_space<vmem>>) target_semaphore(%run_scoped3A : memref<!tpu.dma_semaphore, #tpu.memory_space<semaphore_mem>>)
      %dma_wait3A_386 = arith.constant 40 : i32
      %dma_wait3A_387 = arith.constant 0 : i32
      %dma_wait3A_388 = tpu.memref_slice %arg4[%add3A, %dma_wait3A_386, %dma_wait3A_387] : memref<32x80x128xi32, #tpu.memory_space<hbm>> -> memref<1x40x128xi32, #tpu.memory_space<hbm>>
      %dma_wait3A_389 = tpu.memref_squeeze %dma_wait3A_388 : memref<1x40x128xi32, #tpu.memory_space<hbm>> -> memref<40x128xi32, #tpu.memory_space<hbm>>
      %dma_wait3A_390 = arith.constant 40 : i32
      %dma_wait3A_391 = arith.constant 0 : i32
      %dma_wait3A_392 = tpu.memref_slice %arg4[%add3A, %dma_wait3A_390, %dma_wait3A_391] : memref<32x80x128xi32, #tpu.memory_space<hbm>> -> memref<1x40x128xi32, #tpu.memory_space<hbm>>
      %dma_wait3A_393 = tpu.memref_squeeze %dma_wait3A_392 : memref<1x40x128xi32, #tpu.memory_space<hbm>> -> memref<40x128xi32, #tpu.memory_space<hbm>>
      tpu.wait_dma2 semaphore(%run_scoped3A : memref<!tpu.dma_semaphore, #tpu.memory_space<semaphore_mem>>) src(%dma_wait3A_393 : memref<40x128xi32, #tpu.memory_space<hbm>>) dst(%arg13 : memref<40x128xi32, #tpu.memory_space<vmem>>)
      tpu.yield
    }) : () -> ()
    %dma_start3A_208 = arith.constant 0 : i32
    %dma_start3A_209 = arith.constant 0 : i32
    %dma_start3A_210 = arith.constant 0 : i32
    %dma_start3A_211 = arith.constant 0 : i32
    %dma_start3A_212 = arith.constant 0 : i32
    %dma_start3A_213 = tpu.memref_slice %arg14[%dma_start3A_209, %dma_start3A_211, %dma_start3A_212] : memref<2x128x128xf32, #tpu.memory_space<vmem>> -> memref<1x128x128xf32, #tpu.memory_space<vmem>>
    %dma_start3A_214 = tpu.memref_squeeze %dma_start3A_213 : memref<1x128x128xf32, #tpu.memory_space<vmem>> -> memref<128x128xf32, #tpu.memory_space<vmem>>
    %dma_start3A_215 = arith.constant 0 : i32
    %dma_start3A_216 = tpu.memref_slice %arg12[%dma_start3A_208, %dma_start3A_215] : memref<40x128xi32, #tpu.memory_space<vmem>> -> memref<1x128xi32, #tpu.memory_space<vmem>>
    %dma_start3A_217 = tpu.memref_squeeze %dma_start3A_216 : memref<1x128xi32, #tpu.memory_space<vmem>> -> memref<128xi32, #tpu.memory_space<vmem>>
    %dma_start3A_218 = arith.constant 0 : i32
    %dma_start3A_219 = arith.constant 0 : i32
    %dma_start3A_220 = tpu.memref_slice %arg2[%dma_start3A_218, %dma_start3A_219] : memref<10000x128xf32, #tpu.memory_space<hbm>> -> memref<10000x128xf32, #tpu.memory_space<hbm>>
    %dma_start3A_221 = tpu.memref_slice %arg16[%dma_start3A_210] : memref<2x!tpu.dma_semaphore, #tpu.memory_space<semaphore_mem>> -> memref<1x!tpu.dma_semaphore, #tpu.memory_space<semaphore_mem>>
    %dma_start3A_222 = tpu.memref_squeeze %dma_start3A_221 : memref<1x!tpu.dma_semaphore, #tpu.memory_space<semaphore_mem>> -> memref<!tpu.dma_semaphore, #tpu.memory_space<semaphore_mem>>
    tpu.enqueue_indirect_dma source(%dma_start3A_220 : memref<10000x128xf32, #tpu.memory_space<hbm>>) target(%dma_start3A_214 : memref<128x128xf32, #tpu.memory_space<vmem>>) offsets(%dma_start3A_217 : memref<128xi32, #tpu.memory_space<vmem>>) semaphore(%dma_start3A_222 : memref<!tpu.dma_semaphore, #tpu.memory_space<semaphore_mem>>)
    %dma_start3A_223 = arith.constant 1 : i32
    %dma_start3A_224 = arith.constant 1 : i32
    %dma_start3A_225 = arith.constant 1 : i32
    %dma_start3A_226 = arith.constant 0 : i32
    %dma_start3A_227 = arith.constant 0 : i32
    %dma_start3A_228 = tpu.memref_slice %arg14[%dma_start3A_224, %dma_start3A_226, %dma_start3A_227] : memref<2x128x128xf32, #tpu.memory_space<vmem>> -> memref<1x128x128xf32, #tpu.memory_space<vmem>>
    %dma_start3A_229 = tpu.memref_squeeze %dma_start3A_228 : memref<1x128x128xf32, #tpu.memory_space<vmem>> -> memref<128x128xf32, #tpu.memory_space<vmem>>
    %dma_start3A_230 = arith.constant 0 : i32
    %dma_start3A_231 = tpu.memref_slice %arg12[%dma_start3A_223, %dma_start3A_230] : memref<40x128xi32, #tpu.memory_space<vmem>> -> memref<1x128xi32, #tpu.memory_space<vmem>>
    %dma_start3A_232 = tpu.memref_squeeze %dma_start3A_231 : memref<1x128xi32, #tpu.memory_space<vmem>> -> memref<128xi32, #tpu.memory_space<vmem>>
    %dma_start3A_233 = arith.constant 0 : i32
    %dma_start3A_234 = arith.constant 0 : i32
    %dma_start3A_235 = tpu.memref_slice %arg2[%dma_start3A_233, %dma_start3A_234] : memref<10000x128xf32, #tpu.memory_space<hbm>> -> memref<10000x128xf32, #tpu.memory_space<hbm>>
    %dma_start3A_236 = tpu.memref_slice %arg16[%dma_start3A_225] : memref<2x!tpu.dma_semaphore, #tpu.memory_space<semaphore_mem>> -> memref<1x!tpu.dma_semaphore, #tpu.memory_space<semaphore_mem>>
    %dma_start3A_237 = tpu.memref_squeeze %dma_start3A_236 : memref<1x!tpu.dma_semaphore, #tpu.memory_space<semaphore_mem>> -> memref<!tpu.dma_semaphore, #tpu.memory_space<semaphore_mem>>
    tpu.enqueue_indirect_dma source(%dma_start3A_235 : memref<10000x128xf32, #tpu.memory_space<hbm>>) target(%dma_start3A_229 : memref<128x128xf32, #tpu.memory_space<vmem>>) offsets(%dma_start3A_232 : memref<128xi32, #tpu.memory_space<vmem>>) semaphore(%dma_start3A_237 : memref<!tpu.dma_semaphore, #tpu.memory_space<semaphore_mem>>)
    %scan3A_238 = arith.constant 0 : i32
    %scan3A_239 = arith.constant 0 : i32
    %scan3A_240 = arith.constant 19 : i32
    %scan3A_241 = arith.addi %scan3A_239, %scan3A_240 : i32
    %scan3A_242 = arith.constant 1 : i32
    scf.for %scan3A_378 = %scan3A_239 to %scan3A_241 step %scan3A_242  : i32 {
      %dma_wait3A_379 = arith.constant 0 : i32
      %dma_wait3A_380 = arith.constant 0 : i32
      %dma_wait3A_381 = arith.constant 0 : i32
      %dma_wait3A_382 = arith.constant 0 : i32
      %dma_wait3A_383 = arith.constant 0 : i32
      %dma_wait3A_384 = tpu.memref_slice %arg14[%dma_wait3A_380, %dma_wait3A_382, %dma_wait3A_383] : memref<2x128x128xf32, #tpu.memory_space<vmem>> -> memref<1x128x128xf32, #tpu.memory_space<vmem>>
      %dma_wait3A_385 = tpu.memref_squeeze %dma_wait3A_384 : memref<1x128x128xf32, #tpu.memory_space<vmem>> -> memref<128x128xf32, #tpu.memory_space<vmem>>
      %dma_wait3A_386 = arith.constant 0 : i32
      %dma_wait3A_387 = tpu.memref_slice %arg12[%dma_wait3A_379, %dma_wait3A_386] : memref<40x128xi32, #tpu.memory_space<vmem>> -> memref<1x128xi32, #tpu.memory_space<vmem>>
      %dma_wait3A_388 = tpu.memref_squeeze %dma_wait3A_387 : memref<1x128xi32, #tpu.memory_space<vmem>> -> memref<128xi32, #tpu.memory_space<vmem>>
      %dma_wait3A_389 = arith.constant 0 : i32
      %dma_wait3A_390 = arith.constant 0 : i32
      %dma_wait3A_391 = tpu.memref_slice %arg2[%dma_wait3A_389, %dma_wait3A_390] : memref<10000x128xf32, #tpu.memory_space<hbm>> -> memref<10000x128xf32, #tpu.memory_space<hbm>>
      %dma_wait3A_392 = tpu.memref_slice %arg16[%dma_wait3A_381] : memref<2x!tpu.dma_semaphore, #tpu.memory_space<semaphore_mem>> -> memref<1x!tpu.dma_semaphore, #tpu.memory_space<semaphore_mem>>
      %dma_wait3A_393 = tpu.memref_squeeze %dma_wait3A_392 : memref<1x!tpu.dma_semaphore, #tpu.memory_space<semaphore_mem>> -> memref<!tpu.dma_semaphore, #tpu.memory_space<semaphore_mem>>
      tpu.wait_indirect_dma semaphore(%dma_wait3A_393 : memref<!tpu.dma_semaphore, #tpu.memory_space<semaphore_mem>>) src(%dma_wait3A_391 : memref<10000x128xf32, #tpu.memory_space<hbm>>) dst(%dma_wait3A_385 : memref<128x128xf32, #tpu.memory_space<vmem>>)
      %mul3A_394 = arith.constant 2 : i32
      %mul3A_395 = arith.muli %scan3A_378, %mul3A_394 : i32
      %add3A_396 = arith.constant 0 : i32
      %add3A_397 = arith.addi %mul3A_395, %add3A_396 : i32
      %dma_start3A_398 = arith.constant 0 : i32
      %dma_start3A_399 = arith.constant 0 : i32
      %dma_start3A_400 = arith.constant 0 : i32
      %dma_start3A_401 = arith.constant 0 : i32
      %dma_start3A_402 = tpu.memref_slice %arg14[%dma_start3A_398, %dma_start3A_400, %dma_start3A_401] : memref<2x128x128xf32, #tpu.memory_space<vmem>> -> memref<1x128x128xf32, #tpu.memory_space<vmem>>
      %dma_start3A_403 = tpu.memref_squeeze %dma_start3A_402 : memref<1x128x128xf32, #tpu.memory_space<vmem>> -> memref<128x128xf32, #tpu.memory_space<vmem>>
      %dma_start3A_404 = arith.constant 0 : i32
      %dma_start3A_405 = tpu.memref_slice %arg13[%add3A_397, %dma_start3A_404] : memref<40x128xi32, #tpu.memory_space<vmem>> -> memref<1x128xi32, #tpu.memory_space<vmem>>
      %dma_start3A_406 = tpu.memref_squeeze %dma_start3A_405 : memref<1x128xi32, #tpu.memory_space<vmem>> -> memref<128xi32, #tpu.memory_space<vmem>>
      %dma_start3A_407 = arith.constant 0 : i32
      %dma_start3A_408 = arith.constant 0 : i32
      %dma_start3A_409 = tpu.memref_slice %arg10[%dma_start3A_407, %dma_start3A_408] : memref<10240x128xf32, #tpu.memory_space<vmem_shared>> -> memref<10240x128xf32, #tpu.memory_space<vmem_shared>>
      %dma_start3A_410 = tpu.memref_slice %arg17[%dma_start3A_399] : memref<2x!tpu.dma_semaphore, #tpu.memory_space<semaphore_mem>> -> memref<1x!tpu.dma_semaphore, #tpu.memory_space<semaphore_mem>>
      %dma_start3A_411 = tpu.memref_squeeze %dma_start3A_410 : memref<1x!tpu.dma_semaphore, #tpu.memory_space<semaphore_mem>> -> memref<!tpu.dma_semaphore, #tpu.memory_space<semaphore_mem>>
      tpu.enqueue_indirect_dma source(%dma_start3A_403 : memref<128x128xf32, #tpu.memory_space<vmem>>) target(%dma_start3A_409 : memref<10240x128xf32, #tpu.memory_space<vmem_shared>>) offsets(%dma_start3A_406 : memref<128xi32, #tpu.memory_space<vmem>>) semaphore(%dma_start3A_411 : memref<!tpu.dma_semaphore, #tpu.memory_space<semaphore_mem>>) {add = true}
      %dma_start3A_412 = arith.constant 0 : i32
      %dma_start3A_413 = arith.constant 0 : i32
      %dma_start3A_414 = tpu.memref_slice %arg13[%add3A_397, %dma_start3A_413] : memref<40x128xi32, #tpu.memory_space<vmem>> -> memref<1x128xi32, #tpu.memory_space<vmem>>
      %dma_start3A_415 = tpu.memref_squeeze %dma_start3A_414 : memref<1x128xi32, #tpu.memory_space<vmem>> -> memref<128xi32, #tpu.memory_space<vmem>>
      %dma_start3A_416 = arith.constant 0 : i32
      %dma_start3A_417 = tpu.memref_slice %arg11[%dma_start3A_416] : memref<10240xf32, #tpu.memory_space<vmem_shared>> -> memref<10240xf32, #tpu.memory_space<vmem_shared>>
      %dma_start3A_418 = tpu.memref_slice %arg18[%dma_start3A_412] : memref<2x!tpu.dma_semaphore, #tpu.memory_space<semaphore_mem>> -> memref<1x!tpu.dma_semaphore, #tpu.memory_space<semaphore_mem>>
      %dma_start3A_419 = tpu.memref_squeeze %dma_start3A_418 : memref<1x!tpu.dma_semaphore, #tpu.memory_space<semaphore_mem>> -> memref<!tpu.dma_semaphore, #tpu.memory_space<semaphore_mem>>
      tpu.enqueue_indirect_dma source(%arg15 : memref<128xf32, #tpu.memory_space<vmem>>) target(%dma_start3A_417 : memref<10240xf32, #tpu.memory_space<vmem_shared>>) offsets(%dma_start3A_415 : memref<128xi32, #tpu.memory_space<vmem>>) semaphore(%dma_start3A_419 : memref<!tpu.dma_semaphore, #tpu.memory_space<semaphore_mem>>) {add = true}
      %dma_wait3A_420 = arith.constant 0 : i32
      %dma_wait3A_421 = arith.constant 1 : i32
      %dma_wait3A_422 = arith.constant 1 : i32
      %dma_wait3A_423 = arith.constant 0 : i32
      %dma_wait3A_424 = arith.constant 0 : i32
      %dma_wait3A_425 = tpu.memref_slice %arg14[%dma_wait3A_421, %dma_wait3A_423, %dma_wait3A_424] : memref<2x128x128xf32, #tpu.memory_space<vmem>> -> memref<1x128x128xf32, #tpu.memory_space<vmem>>
      %dma_wait3A_426 = tpu.memref_squeeze %dma_wait3A_425 : memref<1x128x128xf32, #tpu.memory_space<vmem>> -> memref<128x128xf32, #tpu.memory_space<vmem>>
      %dma_wait3A_427 = arith.constant 0 : i32
      %dma_wait3A_428 = tpu.memref_slice %arg12[%dma_wait3A_420, %dma_wait3A_427] : memref<40x128xi32, #tpu.memory_space<vmem>> -> memref<1x128xi32, #tpu.memory_space<vmem>>
      %dma_wait3A_429 = tpu.memref_squeeze %dma_wait3A_428 : memref<1x128xi32, #tpu.memory_space<vmem>> -> memref<128xi32, #tpu.memory_space<vmem>>
      %dma_wait3A_430 = arith.constant 0 : i32
      %dma_wait3A_431 = arith.constant 0 : i32
      %dma_wait3A_432 = tpu.memref_slice %arg2[%dma_wait3A_430, %dma_wait3A_431] : memref<10000x128xf32, #tpu.memory_space<hbm>> -> memref<10000x128xf32, #tpu.memory_space<hbm>>
      %dma_wait3A_433 = tpu.memref_slice %arg16[%dma_wait3A_422] : memref<2x!tpu.dma_semaphore, #tpu.memory_space<semaphore_mem>> -> memref<1x!tpu.dma_semaphore, #tpu.memory_space<semaphore_mem>>
      %dma_wait3A_434 = tpu.memref_squeeze %dma_wait3A_433 : memref<1x!tpu.dma_semaphore, #tpu.memory_space<semaphore_mem>> -> memref<!tpu.dma_semaphore, #tpu.memory_space<semaphore_mem>>
      tpu.wait_indirect_dma semaphore(%dma_wait3A_434 : memref<!tpu.dma_semaphore, #tpu.memory_space<semaphore_mem>>) src(%dma_wait3A_432 : memref<10000x128xf32, #tpu.memory_space<hbm>>) dst(%dma_wait3A_426 : memref<128x128xf32, #tpu.memory_space<vmem>>)
      %mul3A_435 = arith.constant 2 : i32
      %mul3A_436 = arith.muli %scan3A_378, %mul3A_435 : i32
      %add3A_437 = arith.constant 1 : i32
      %add3A_438 = arith.addi %mul3A_436, %add3A_437 : i32
      %dma_start3A_439 = arith.constant 1 : i32
      %dma_start3A_440 = arith.constant 1 : i32
      %dma_start3A_441 = arith.constant 0 : i32
      %dma_start3A_442 = arith.constant 0 : i32
      %dma_start3A_443 = tpu.memref_slice %arg14[%dma_start3A_439, %dma_start3A_441, %dma_start3A_442] : memref<2x128x128xf32, #tpu.memory_space<vmem>> -> memref<1x128x128xf32, #tpu.memory_space<vmem>>
      %dma_start3A_444 = tpu.memref_squeeze %dma_start3A_443 : memref<1x128x128xf32, #tpu.memory_space<vmem>> -> memref<128x128xf32, #tpu.memory_space<vmem>>
      %dma_start3A_445 = arith.constant 0 : i32
      %dma_start3A_446 = tpu.memref_slice %arg13[%add3A_438, %dma_start3A_445] : memref<40x128xi32, #tpu.memory_space<vmem>> -> memref<1x128xi32, #tpu.memory_space<vmem>>
      %dma_start3A_447 = tpu.memref_squeeze %dma_start3A_446 : memref<1x128xi32, #tpu.memory_space<vmem>> -> memref<128xi32, #tpu.memory_space<vmem>>
      %dma_start3A_448 = arith.constant 0 : i32
      %dma_start3A_449 = arith.constant 0 : i32
      %dma_start3A_450 = tpu.memref_slice %arg10[%dma_start3A_448, %dma_start3A_449] : memref<10240x128xf32, #tpu.memory_space<vmem_shared>> -> memref<10240x128xf32, #tpu.memory_space<vmem_shared>>
      %dma_start3A_451 = tpu.memref_slice %arg17[%dma_start3A_440] : memref<2x!tpu.dma_semaphore, #tpu.memory_space<semaphore_mem>> -> memref<1x!tpu.dma_semaphore, #tpu.memory_space<semaphore_mem>>
      %dma_start3A_452 = tpu.memref_squeeze %dma_start3A_451 : memref<1x!tpu.dma_semaphore, #tpu.memory_space<semaphore_mem>> -> memref<!tpu.dma_semaphore, #tpu.memory_space<semaphore_mem>>
      tpu.enqueue_indirect_dma source(%dma_start3A_444 : memref<128x128xf32, #tpu.memory_space<vmem>>) target(%dma_start3A_450 : memref<10240x128xf32, #tpu.memory_space<vmem_shared>>) offsets(%dma_start3A_447 : memref<128xi32, #tpu.memory_space<vmem>>) semaphore(%dma_start3A_452 : memref<!tpu.dma_semaphore, #tpu.memory_space<semaphore_mem>>) {add = true}
      %dma_start3A_453 = arith.constant 1 : i32
      %dma_start3A_454 = arith.constant 0 : i32
      %dma_start3A_455 = tpu.memref_slice %arg13[%add3A_438, %dma_start3A_454] : memref<40x128xi32, #tpu.memory_space<vmem>> -> memref<1x128xi32, #tpu.memory_space<vmem>>
      %dma_start3A_456 = tpu.memref_squeeze %dma_start3A_455 : memref<1x128xi32, #tpu.memory_space<vmem>> -> memref<128xi32, #tpu.memory_space<vmem>>
      %dma_start3A_457 = arith.constant 0 : i32
      %dma_start3A_458 = tpu.memref_slice %arg11[%dma_start3A_457] : memref<10240xf32, #tpu.memory_space<vmem_shared>> -> memref<10240xf32, #tpu.memory_space<vmem_shared>>
      %dma_start3A_459 = tpu.memref_slice %arg18[%dma_start3A_453] : memref<2x!tpu.dma_semaphore, #tpu.memory_space<semaphore_mem>> -> memref<1x!tpu.dma_semaphore, #tpu.memory_space<semaphore_mem>>
      %dma_start3A_460 = tpu.memref_squeeze %dma_start3A_459 : memref<1x!tpu.dma_semaphore, #tpu.memory_space<semaphore_mem>> -> memref<!tpu.dma_semaphore, #tpu.memory_space<semaphore_mem>>
      tpu.enqueue_indirect_dma source(%arg15 : memref<128xf32, #tpu.memory_space<vmem>>) target(%dma_start3A_458 : memref<10240xf32, #tpu.memory_space<vmem_shared>>) offsets(%dma_start3A_456 : memref<128xi32, #tpu.memory_space<vmem>>) semaphore(%dma_start3A_460 : memref<!tpu.dma_semaphore, #tpu.memory_space<semaphore_mem>>) {add = true}
      %dma_wait3A_461 = arith.constant 0 : i32
      %dma_wait3A_462 = arith.constant 0 : i32
      %dma_wait3A_463 = arith.constant 0 : i32
      %dma_wait3A_464 = arith.constant 0 : i32
      %dma_wait3A_465 = arith.constant 0 : i32
      %dma_wait3A_466 = tpu.memref_slice %arg14[%dma_wait3A_461, %dma_wait3A_464, %dma_wait3A_465] : memref<2x128x128xf32, #tpu.memory_space<vmem>> -> memref<1x128x128xf32, #tpu.memory_space<vmem>>
      %dma_wait3A_467 = tpu.memref_squeeze %dma_wait3A_466 : memref<1x128x128xf32, #tpu.memory_space<vmem>> -> memref<128x128xf32, #tpu.memory_space<vmem>>
      %dma_wait3A_468 = arith.constant 0 : i32
      %dma_wait3A_469 = tpu.memref_slice %arg13[%dma_wait3A_462, %dma_wait3A_468] : memref<40x128xi32, #tpu.memory_space<vmem>> -> memref<1x128xi32, #tpu.memory_space<vmem>>
      %dma_wait3A_470 = tpu.memref_squeeze %dma_wait3A_469 : memref<1x128xi32, #tpu.memory_space<vmem>> -> memref<128xi32, #tpu.memory_space<vmem>>
      %dma_wait3A_471 = arith.constant 0 : i32
      %dma_wait3A_472 = arith.constant 0 : i32
      %dma_wait3A_473 = tpu.memref_slice %arg10[%dma_wait3A_471, %dma_wait3A_472] : memref<10240x128xf32, #tpu.memory_space<vmem_shared>> -> memref<10240x128xf32, #tpu.memory_space<vmem_shared>>
      %dma_wait3A_474 = tpu.memref_slice %arg17[%dma_wait3A_463] : memref<2x!tpu.dma_semaphore, #tpu.memory_space<semaphore_mem>> -> memref<1x!tpu.dma_semaphore, #tpu.memory_space<semaphore_mem>>
      %dma_wait3A_475 = tpu.memref_squeeze %dma_wait3A_474 : memref<1x!tpu.dma_semaphore, #tpu.memory_space<semaphore_mem>> -> memref<!tpu.dma_semaphore, #tpu.memory_space<semaphore_mem>>
      tpu.wait_indirect_dma semaphore(%dma_wait3A_475 : memref<!tpu.dma_semaphore, #tpu.memory_space<semaphore_mem>>) src(%dma_wait3A_467 : memref<128x128xf32, #tpu.memory_space<vmem>>) dst(%dma_wait3A_473 : memref<10240x128xf32, #tpu.memory_space<vmem_shared>>)
      %dma_wait3A_476 = arith.constant 0 : i32
      %dma_wait3A_477 = arith.constant 0 : i32
      %dma_wait3A_478 = arith.constant 0 : i32
      %dma_wait3A_479 = tpu.memref_slice %arg13[%dma_wait3A_476, %dma_wait3A_478] : memref<40x128xi32, #tpu.memory_space<vmem>> -> memref<1x128xi32, #tpu.memory_space<vmem>>
      %dma_wait3A_480 = tpu.memref_squeeze %dma_wait3A_479 : memref<1x128xi32, #tpu.memory_space<vmem>> -> memref<128xi32, #tpu.memory_space<vmem>>
      %dma_wait3A_481 = arith.constant 0 : i32
      %dma_wait3A_482 = tpu.memref_slice %arg11[%dma_wait3A_481] : memref<10240xf32, #tpu.memory_space<vmem_shared>> -> memref<10240xf32, #tpu.memory_space<vmem_shared>>
      %dma_wait3A_483 = tpu.memref_slice %arg18[%dma_wait3A_477] : memref<2x!tpu.dma_semaphore, #tpu.memory_space<semaphore_mem>> -> memref<1x!tpu.dma_semaphore, #tpu.memory_space<semaphore_mem>>
      %dma_wait3A_484 = tpu.memref_squeeze %dma_wait3A_483 : memref<1x!tpu.dma_semaphore, #tpu.memory_space<semaphore_mem>> -> memref<!tpu.dma_semaphore, #tpu.memory_space<semaphore_mem>>
      tpu.wait_indirect_dma semaphore(%dma_wait3A_484 : memref<!tpu.dma_semaphore, #tpu.memory_space<semaphore_mem>>) src(%arg15 : memref<128xf32, #tpu.memory_space<vmem>>) dst(%dma_wait3A_482 : memref<10240xf32, #tpu.memory_space<vmem_shared>>)
      %add3A_485 = arith.constant 1 : i32
      %add3A_486 = arith.addi %scan3A_378, %add3A_485 : i32
      %mul3A_487 = arith.constant 2 : i32
      %mul3A_488 = arith.muli %add3A_486, %mul3A_487 : i32
      %add3A_489 = arith.constant 0 : i32
      %add3A_490 = arith.addi %mul3A_488, %add3A_489 : i32
      %dma_start3A_491 = arith.constant 0 : i32
      %dma_start3A_492 = arith.constant 0 : i32
      %dma_start3A_493 = arith.constant 0 : i32
      %dma_start3A_494 = arith.constant 0 : i32
      %dma_start3A_495 = tpu.memref_slice %arg14[%dma_start3A_491, %dma_start3A_493, %dma_start3A_494] : memref<2x128x128xf32, #tpu.memory_space<vmem>> -> memref<1x128x128xf32, #tpu.memory_space<vmem>>
      %dma_start3A_496 = tpu.memref_squeeze %dma_start3A_495 : memref<1x128x128xf32, #tpu.memory_space<vmem>> -> memref<128x128xf32, #tpu.memory_space<vmem>>
      %dma_start3A_497 = arith.constant 0 : i32
      %dma_start3A_498 = tpu.memref_slice %arg12[%add3A_490, %dma_start3A_497] : memref<40x128xi32, #tpu.memory_space<vmem>> -> memref<1x128xi32, #tpu.memory_space<vmem>>
      %dma_start3A_499 = tpu.memref_squeeze %dma_start3A_498 : memref<1x128xi32, #tpu.memory_space<vmem>> -> memref<128xi32, #tpu.memory_space<vmem>>
      %dma_start3A_500 = arith.constant 0 : i32
      %dma_start3A_501 = arith.constant 0 : i32
      %dma_start3A_502 = tpu.memref_slice %arg2[%dma_start3A_500, %dma_start3A_501] : memref<10000x128xf32, #tpu.memory_space<hbm>> -> memref<10000x128xf32, #tpu.memory_space<hbm>>
      %dma_start3A_503 = tpu.memref_slice %arg16[%dma_start3A_492] : memref<2x!tpu.dma_semaphore, #tpu.memory_space<semaphore_mem>> -> memref<1x!tpu.dma_semaphore, #tpu.memory_space<semaphore_mem>>
      %dma_start3A_504 = tpu.memref_squeeze %dma_start3A_503 : memref<1x!tpu.dma_semaphore, #tpu.memory_space<semaphore_mem>> -> memref<!tpu.dma_semaphore, #tpu.memory_space<semaphore_mem>>
      tpu.enqueue_indirect_dma source(%dma_start3A_502 : memref<10000x128xf32, #tpu.memory_space<hbm>>) target(%dma_start3A_496 : memref<128x128xf32, #tpu.memory_space<vmem>>) offsets(%dma_start3A_499 : memref<128xi32, #tpu.memory_space<vmem>>) semaphore(%dma_start3A_504 : memref<!tpu.dma_semaphore, #tpu.memory_space<semaphore_mem>>)
      %dma_wait3A_505 = arith.constant 1 : i32
      %dma_wait3A_506 = arith.constant 0 : i32
      %dma_wait3A_507 = arith.constant 1 : i32
      %dma_wait3A_508 = arith.constant 0 : i32
      %dma_wait3A_509 = arith.constant 0 : i32
      %dma_wait3A_510 = tpu.memref_slice %arg14[%dma_wait3A_505, %dma_wait3A_508, %dma_wait3A_509] : memref<2x128x128xf32, #tpu.memory_space<vmem>> -> memref<1x128x128xf32, #tpu.memory_space<vmem>>
      %dma_wait3A_511 = tpu.memref_squeeze %dma_wait3A_510 : memref<1x128x128xf32, #tpu.memory_space<vmem>> -> memref<128x128xf32, #tpu.memory_space<vmem>>
      %dma_wait3A_512 = arith.constant 0 : i32
      %dma_wait3A_513 = tpu.memref_slice %arg13[%dma_wait3A_506, %dma_wait3A_512] : memref<40x128xi32, #tpu.memory_space<vmem>> -> memref<1x128xi32, #tpu.memory_space<vmem>>
      %dma_wait3A_514 = tpu.memref_squeeze %dma_wait3A_513 : memref<1x128xi32, #tpu.memory_space<vmem>> -> memref<128xi32, #tpu.memory_space<vmem>>
      %dma_wait3A_515 = arith.constant 0 : i32
      %dma_wait3A_516 = arith.constant 0 : i32
      %dma_wait3A_517 = tpu.memref_slice %arg10[%dma_wait3A_515, %dma_wait3A_516] : memref<10240x128xf32, #tpu.memory_space<vmem_shared>> -> memref<10240x128xf32, #tpu.memory_space<vmem_shared>>
      %dma_wait3A_518 = tpu.memref_slice %arg17[%dma_wait3A_507] : memref<2x!tpu.dma_semaphore, #tpu.memory_space<semaphore_mem>> -> memref<1x!tpu.dma_semaphore, #tpu.memory_space<semaphore_mem>>
      %dma_wait3A_519 = tpu.memref_squeeze %dma_wait3A_518 : memref<1x!tpu.dma_semaphore, #tpu.memory_space<semaphore_mem>> -> memref<!tpu.dma_semaphore, #tpu.memory_space<semaphore_mem>>
      tpu.wait_indirect_dma semaphore(%dma_wait3A_519 : memref<!tpu.dma_semaphore, #tpu.memory_space<semaphore_mem>>) src(%dma_wait3A_511 : memref<128x128xf32, #tpu.memory_space<vmem>>) dst(%dma_wait3A_517 : memref<10240x128xf32, #tpu.memory_space<vmem_shared>>)
      %dma_wait3A_520 = arith.constant 0 : i32
      %dma_wait3A_521 = arith.constant 1 : i32
      %dma_wait3A_522 = arith.constant 0 : i32
      %dma_wait3A_523 = tpu.memref_slice %arg13[%dma_wait3A_520, %dma_wait3A_522] : memref<40x128xi32, #tpu.memory_space<vmem>> -> memref<1x128xi32, #tpu.memory_space<vmem>>
      %dma_wait3A_524 = tpu.memref_squeeze %dma_wait3A_523 : memref<1x128xi32, #tpu.memory_space<vmem>> -> memref<128xi32, #tpu.memory_space<vmem>>
      %dma_wait3A_525 = arith.constant 0 : i32
      %dma_wait3A_526 = tpu.memref_slice %arg11[%dma_wait3A_525] : memref<10240xf32, #tpu.memory_space<vmem_shared>> -> memref<10240xf32, #tpu.memory_space<vmem_shared>>
      %dma_wait3A_527 = tpu.memref_slice %arg18[%dma_wait3A_521] : memref<2x!tpu.dma_semaphore, #tpu.memory_space<semaphore_mem>> -> memref<1x!tpu.dma_semaphore, #tpu.memory_space<semaphore_mem>>
      %dma_wait3A_528 = tpu.memref_squeeze %dma_wait3A_527 : memref<1x!tpu.dma_semaphore, #tpu.memory_space<semaphore_mem>> -> memref<!tpu.dma_semaphore, #tpu.memory_space<semaphore_mem>>
      tpu.wait_indirect_dma semaphore(%dma_wait3A_528 : memref<!tpu.dma_semaphore, #tpu.memory_space<semaphore_mem>>) src(%arg15 : memref<128xf32, #tpu.memory_space<vmem>>) dst(%dma_wait3A_526 : memref<10240xf32, #tpu.memory_space<vmem_shared>>)
      %add3A_529 = arith.constant 1 : i32
      %add3A_530 = arith.addi %scan3A_378, %add3A_529 : i32
      %mul3A_531 = arith.constant 2 : i32
      %mul3A_532 = arith.muli %add3A_530, %mul3A_531 : i32
      %add3A_533 = arith.constant 1 : i32
      %add3A_534 = arith.addi %mul3A_532, %add3A_533 : i32
      %dma_start3A_535 = arith.constant 1 : i32
      %dma_start3A_536 = arith.constant 1 : i32
      %dma_start3A_537 = arith.constant 0 : i32
      %dma_start3A_538 = arith.constant 0 : i32
      %dma_start3A_539 = tpu.memref_slice %arg14[%dma_start3A_535, %dma_start3A_537, %dma_start3A_538] : memref<2x128x128xf32, #tpu.memory_space<vmem>> -> memref<1x128x128xf32, #tpu.memory_space<vmem>>
      %dma_start3A_540 = tpu.memref_squeeze %dma_start3A_539 : memref<1x128x128xf32, #tpu.memory_space<vmem>> -> memref<128x128xf32, #tpu.memory_space<vmem>>
      %dma_start3A_541 = arith.constant 0 : i32
      %dma_start3A_542 = tpu.memref_slice %arg12[%add3A_534, %dma_start3A_541] : memref<40x128xi32, #tpu.memory_space<vmem>> -> memref<1x128xi32, #tpu.memory_space<vmem>>
      %dma_start3A_543 = tpu.memref_squeeze %dma_start3A_542 : memref<1x128xi32, #tpu.memory_space<vmem>> -> memref<128xi32, #tpu.memory_space<vmem>>
      %dma_start3A_544 = arith.constant 0 : i32
      %dma_start3A_545 = arith.constant 0 : i32
      %dma_start3A_546 = tpu.memref_slice %arg2[%dma_start3A_544, %dma_start3A_545] : memref<10000x128xf32, #tpu.memory_space<hbm>> -> memref<10000x128xf32, #tpu.memory_space<hbm>>
      %dma_start3A_547 = tpu.memref_slice %arg16[%dma_start3A_536] : memref<2x!tpu.dma_semaphore, #tpu.memory_space<semaphore_mem>> -> memref<1x!tpu.dma_semaphore, #tpu.memory_space<semaphore_mem>>
      %dma_start3A_548 = tpu.memref_squeeze %dma_start3A_547 : memref<1x!tpu.dma_semaphore, #tpu.memory_space<semaphore_mem>> -> memref<!tpu.dma_semaphore, #tpu.memory_space<semaphore_mem>>
      tpu.enqueue_indirect_dma source(%dma_start3A_546 : memref<10000x128xf32, #tpu.memory_space<hbm>>) target(%dma_start3A_540 : memref<128x128xf32, #tpu.memory_space<vmem>>) offsets(%dma_start3A_543 : memref<128xi32, #tpu.memory_space<vmem>>) semaphore(%dma_start3A_548 : memref<!tpu.dma_semaphore, #tpu.memory_space<semaphore_mem>>)
    }
    %scan3A_243 = arith.constant 19 : i32
    %dma_wait3A_244 = arith.constant 0 : i32
    %dma_wait3A_245 = arith.constant 0 : i32
    %dma_wait3A_246 = arith.constant 0 : i32
    %dma_wait3A_247 = arith.constant 0 : i32
    %dma_wait3A_248 = arith.constant 0 : i32
    %dma_wait3A_249 = tpu.memref_slice %arg14[%dma_wait3A_245, %dma_wait3A_247, %dma_wait3A_248] : memref<2x128x128xf32, #tpu.memory_space<vmem>> -> memref<1x128x128xf32, #tpu.memory_space<vmem>>
    %dma_wait3A_250 = tpu.memref_squeeze %dma_wait3A_249 : memref<1x128x128xf32, #tpu.memory_space<vmem>> -> memref<128x128xf32, #tpu.memory_space<vmem>>
    %dma_wait3A_251 = arith.constant 0 : i32
    %dma_wait3A_252 = tpu.memref_slice %arg12[%dma_wait3A_244, %dma_wait3A_251] : memref<40x128xi32, #tpu.memory_space<vmem>> -> memref<1x128xi32, #tpu.memory_space<vmem>>
    %dma_wait3A_253 = tpu.memref_squeeze %dma_wait3A_252 : memref<1x128xi32, #tpu.memory_space<vmem>> -> memref<128xi32, #tpu.memory_space<vmem>>
    %dma_wait3A_254 = arith.constant 0 : i32
    %dma_wait3A_255 = arith.constant 0 : i32
    %dma_wait3A_256 = tpu.memref_slice %arg2[%dma_wait3A_254, %dma_wait3A_255] : memref<10000x128xf32, #tpu.memory_space<hbm>> -> memref<10000x128xf32, #tpu.memory_space<hbm>>
    %dma_wait3A_257 = tpu.memref_slice %arg16[%dma_wait3A_246] : memref<2x!tpu.dma_semaphore, #tpu.memory_space<semaphore_mem>> -> memref<1x!tpu.dma_semaphore, #tpu.memory_space<semaphore_mem>>
    %dma_wait3A_258 = tpu.memref_squeeze %dma_wait3A_257 : memref<1x!tpu.dma_semaphore, #tpu.memory_space<semaphore_mem>> -> memref<!tpu.dma_semaphore, #tpu.memory_space<semaphore_mem>>
    tpu.wait_indirect_dma semaphore(%dma_wait3A_258 : memref<!tpu.dma_semaphore, #tpu.memory_space<semaphore_mem>>) src(%dma_wait3A_256 : memref<10000x128xf32, #tpu.memory_space<hbm>>) dst(%dma_wait3A_250 : memref<128x128xf32, #tpu.memory_space<vmem>>)
    %dma_start3A_259 = arith.constant 0 : i32
    %dma_start3A_260 = arith.constant 38 : i32
    %dma_start3A_261 = arith.constant 0 : i32
    %dma_start3A_262 = arith.constant 0 : i32
    %dma_start3A_263 = arith.constant 0 : i32
    %dma_start3A_264 = tpu.memref_slice %arg14[%dma_start3A_259, %dma_start3A_262, %dma_start3A_263] : memref<2x128x128xf32, #tpu.memory_space<vmem>> -> memref<1x128x128xf32, #tpu.memory_space<vmem>>
    %dma_start3A_265 = tpu.memref_squeeze %dma_start3A_264 : memref<1x128x128xf32, #tpu.memory_space<vmem>> -> memref<128x128xf32, #tpu.memory_space<vmem>>
    %dma_start3A_266 = arith.constant 0 : i32
    %dma_start3A_267 = tpu.memref_slice %arg13[%dma_start3A_260, %dma_start3A_266] : memref<40x128xi32, #tpu.memory_space<vmem>> -> memref<1x128xi32, #tpu.memory_space<vmem>>
    %dma_start3A_268 = tpu.memref_squeeze %dma_start3A_267 : memref<1x128xi32, #tpu.memory_space<vmem>> -> memref<128xi32, #tpu.memory_space<vmem>>
    %dma_start3A_269 = arith.constant 0 : i32
    %dma_start3A_270 = arith.constant 0 : i32
    %dma_start3A_271 = tpu.memref_slice %arg10[%dma_start3A_269, %dma_start3A_270] : memref<10240x128xf32, #tpu.memory_space<vmem_shared>> -> memref<10240x128xf32, #tpu.memory_space<vmem_shared>>
    %dma_start3A_272 = tpu.memref_slice %arg17[%dma_start3A_261] : memref<2x!tpu.dma_semaphore, #tpu.memory_space<semaphore_mem>> -> memref<1x!tpu.dma_semaphore, #tpu.memory_space<semaphore_mem>>
    %dma_start3A_273 = tpu.memref_squeeze %dma_start3A_272 : memref<1x!tpu.dma_semaphore, #tpu.memory_space<semaphore_mem>> -> memref<!tpu.dma_semaphore, #tpu.memory_space<semaphore_mem>>
    tpu.enqueue_indirect_dma source(%dma_start3A_265 : memref<128x128xf32, #tpu.memory_space<vmem>>) target(%dma_start3A_271 : memref<10240x128xf32, #tpu.memory_space<vmem_shared>>) offsets(%dma_start3A_268 : memref<128xi32, #tpu.memory_space<vmem>>) semaphore(%dma_start3A_273 : memref<!tpu.dma_semaphore, #tpu.memory_space<semaphore_mem>>) {add = true}
    %dma_start3A_274 = arith.constant 38 : i32
    %dma_start3A_275 = arith.constant 0 : i32
    %dma_start3A_276 = arith.constant 0 : i32
    %dma_start3A_277 = tpu.memref_slice %arg13[%dma_start3A_274, %dma_start3A_276] : memref<40x128xi32, #tpu.memory_space<vmem>> -> memref<1x128xi32, #tpu.memory_space<vmem>>
    %dma_start3A_278 = tpu.memref_squeeze %dma_start3A_277 : memref<1x128xi32, #tpu.memory_space<vmem>> -> memref<128xi32, #tpu.memory_space<vmem>>
    %dma_start3A_279 = arith.constant 0 : i32
    %dma_start3A_280 = tpu.memref_slice %arg11[%dma_start3A_279] : memref<10240xf32, #tpu.memory_space<vmem_shared>> -> memref<10240xf32, #tpu.memory_space<vmem_shared>>
    %dma_start3A_281 = tpu.memref_slice %arg18[%dma_start3A_275] : memref<2x!tpu.dma_semaphore, #tpu.memory_space<semaphore_mem>> -> memref<1x!tpu.dma_semaphore, #tpu.memory_space<semaphore_mem>>
    %dma_start3A_282 = tpu.memref_squeeze %dma_start3A_281 : memref<1x!tpu.dma_semaphore, #tpu.memory_space<semaphore_mem>> -> memref<!tpu.dma_semaphore, #tpu.memory_space<semaphore_mem>>
    tpu.enqueue_indirect_dma source(%arg15 : memref<128xf32, #tpu.memory_space<vmem>>) target(%dma_start3A_280 : memref<10240xf32, #tpu.memory_space<vmem_shared>>) offsets(%dma_start3A_278 : memref<128xi32, #tpu.memory_space<vmem>>) semaphore(%dma_start3A_282 : memref<!tpu.dma_semaphore, #tpu.memory_space<semaphore_mem>>) {add = true}
    %dma_wait3A_283 = arith.constant 0 : i32
    %dma_wait3A_284 = arith.constant 1 : i32
    %dma_wait3A_285 = arith.constant 1 : i32
    %dma_wait3A_286 = arith.constant 0 : i32
    %dma_wait3A_287 = arith.constant 0 : i32
    %dma_wait3A_288 = tpu.memref_slice %arg14[%dma_wait3A_284, %dma_wait3A_286, %dma_wait3A_287] : memref<2x128x128xf32, #tpu.memory_space<vmem>> -> memref<1x128x128xf32, #tpu.memory_space<vmem>>
    %dma_wait3A_289 = tpu.memref_squeeze %dma_wait3A_288 : memref<1x128x128xf32, #tpu.memory_space<vmem>> -> memref<128x128xf32, #tpu.memory_space<vmem>>
    %dma_wait3A_290 = arith.constant 0 : i32
    %dma_wait3A_291 = tpu.memref_slice %arg12[%dma_wait3A_283, %dma_wait3A_290] : memref<40x128xi32, #tpu.memory_space<vmem>> -> memref<1x128xi32, #tpu.memory_space<vmem>>
    %dma_wait3A_292 = tpu.memref_squeeze %dma_wait3A_291 : memref<1x128xi32, #tpu.memory_space<vmem>> -> memref<128xi32, #tpu.memory_space<vmem>>
    %dma_wait3A_293 = arith.constant 0 : i32
    %dma_wait3A_294 = arith.constant 0 : i32
    %dma_wait3A_295 = tpu.memref_slice %arg2[%dma_wait3A_293, %dma_wait3A_294] : memref<10000x128xf32, #tpu.memory_space<hbm>> -> memref<10000x128xf32, #tpu.memory_space<hbm>>
    %dma_wait3A_296 = tpu.memref_slice %arg16[%dma_wait3A_285] : memref<2x!tpu.dma_semaphore, #tpu.memory_space<semaphore_mem>> -> memref<1x!tpu.dma_semaphore, #tpu.memory_space<semaphore_mem>>
    %dma_wait3A_297 = tpu.memref_squeeze %dma_wait3A_296 : memref<1x!tpu.dma_semaphore, #tpu.memory_space<semaphore_mem>> -> memref<!tpu.dma_semaphore, #tpu.memory_space<semaphore_mem>>
    tpu.wait_indirect_dma semaphore(%dma_wait3A_297 : memref<!tpu.dma_semaphore, #tpu.memory_space<semaphore_mem>>) src(%dma_wait3A_295 : memref<10000x128xf32, #tpu.memory_space<hbm>>) dst(%dma_wait3A_289 : memref<128x128xf32, #tpu.memory_space<vmem>>)
    %dma_start3A_298 = arith.constant 1 : i32
    %dma_start3A_299 = arith.constant 39 : i32
    %dma_start3A_300 = arith.constant 1 : i32
    %dma_start3A_301 = arith.constant 0 : i32
    %dma_start3A_302 = arith.constant 0 : i32
    %dma_start3A_303 = tpu.memref_slice %arg14[%dma_start3A_298, %dma_start3A_301, %dma_start3A_302] : memref<2x128x128xf32, #tpu.memory_space<vmem>> -> memref<1x128x128xf32, #tpu.memory_space<vmem>>
    %dma_start3A_304 = tpu.memref_squeeze %dma_start3A_303 : memref<1x128x128xf32, #tpu.memory_space<vmem>> -> memref<128x128xf32, #tpu.memory_space<vmem>>
    %dma_start3A_305 = arith.constant 0 : i32
    %dma_start3A_306 = tpu.memref_slice %arg13[%dma_start3A_299, %dma_start3A_305] : memref<40x128xi32, #tpu.memory_space<vmem>> -> memref<1x128xi32, #tpu.memory_space<vmem>>
    %dma_start3A_307 = tpu.memref_squeeze %dma_start3A_306 : memref<1x128xi32, #tpu.memory_space<vmem>> -> memref<128xi32, #tpu.memory_space<vmem>>
    %dma_start3A_308 = arith.constant 0 : i32
    %dma_start3A_309 = arith.constant 0 : i32
    %dma_start3A_310 = tpu.memref_slice %arg10[%dma_start3A_308, %dma_start3A_309] : memref<10240x128xf32, #tpu.memory_space<vmem_shared>> -> memref<10240x128xf32, #tpu.memory_space<vmem_shared>>
    %dma_start3A_311 = tpu.memref_slice %arg17[%dma_start3A_300] : memref<2x!tpu.dma_semaphore, #tpu.memory_space<semaphore_mem>> -> memref<1x!tpu.dma_semaphore, #tpu.memory_space<semaphore_mem>>
    %dma_start3A_312 = tpu.memref_squeeze %dma_start3A_311 : memref<1x!tpu.dma_semaphore, #tpu.memory_space<semaphore_mem>> -> memref<!tpu.dma_semaphore, #tpu.memory_space<semaphore_mem>>
    tpu.enqueue_indirect_dma source(%dma_start3A_304 : memref<128x128xf32, #tpu.memory_space<vmem>>) target(%dma_start3A_310 : memref<10240x128xf32, #tpu.memory_space<vmem_shared>>) offsets(%dma_start3A_307 : memref<128xi32, #tpu.memory_space<vmem>>) semaphore(%dma_start3A_312 : memref<!tpu.dma_semaphore, #tpu.memory_space<semaphore_mem>>) {add = true}
    %dma_start3A_313 = arith.constant 39 : i32
    %dma_start3A_314 = arith.constant 1 : i32
    %dma_start3A_315 = arith.constant 0 : i32
    %dma_start3A_316 = tpu.memref_slice %arg13[%dma_start3A_313, %dma_start3A_315] : memref<40x128xi32, #tpu.memory_space<vmem>> -> memref<1x128xi32, #tpu.memory_space<vmem>>
    %dma_start3A_317 = tpu.memref_squeeze %dma_start3A_316 : memref<1x128xi32, #tpu.memory_space<vmem>> -> memref<128xi32, #tpu.memory_space<vmem>>
    %dma_start3A_318 = arith.constant 0 : i32
    %dma_start3A_319 = tpu.memref_slice %arg11[%dma_start3A_318] : memref<10240xf32, #tpu.memory_space<vmem_shared>> -> memref<10240xf32, #tpu.memory_space<vmem_shared>>
    %dma_start3A_320 = tpu.memref_slice %arg18[%dma_start3A_314] : memref<2x!tpu.dma_semaphore, #tpu.memory_space<semaphore_mem>> -> memref<1x!tpu.dma_semaphore, #tpu.memory_space<semaphore_mem>>
    %dma_start3A_321 = tpu.memref_squeeze %dma_start3A_320 : memref<1x!tpu.dma_semaphore, #tpu.memory_space<semaphore_mem>> -> memref<!tpu.dma_semaphore, #tpu.memory_space<semaphore_mem>>
    tpu.enqueue_indirect_dma source(%arg15 : memref<128xf32, #tpu.memory_space<vmem>>) target(%dma_start3A_319 : memref<10240xf32, #tpu.memory_space<vmem_shared>>) offsets(%dma_start3A_317 : memref<128xi32, #tpu.memory_space<vmem>>) semaphore(%dma_start3A_321 : memref<!tpu.dma_semaphore, #tpu.memory_space<semaphore_mem>>) {add = true}
    %dma_wait3A_322 = arith.constant 0 : i32
    %dma_wait3A_323 = arith.constant 0 : i32
    %dma_wait3A_324 = arith.constant 0 : i32
    %dma_wait3A_325 = arith.constant 0 : i32
    %dma_wait3A_326 = arith.constant 0 : i32
    %dma_wait3A_327 = tpu.memref_slice %arg14[%dma_wait3A_322, %dma_wait3A_325, %dma_wait3A_326] : memref<2x128x128xf32, #tpu.memory_space<vmem>> -> memref<1x128x128xf32, #tpu.memory_space<vmem>>
    %dma_wait3A_328 = tpu.memref_squeeze %dma_wait3A_327 : memref<1x128x128xf32, #tpu.memory_space<vmem>> -> memref<128x128xf32, #tpu.memory_space<vmem>>
    %dma_wait3A_329 = arith.constant 0 : i32
    %dma_wait3A_330 = tpu.memref_slice %arg13[%dma_wait3A_323, %dma_wait3A_329] : memref<40x128xi32, #tpu.memory_space<vmem>> -> memref<1x128xi32, #tpu.memory_space<vmem>>
    %dma_wait3A_331 = tpu.memref_squeeze %dma_wait3A_330 : memref<1x128xi32, #tpu.memory_space<vmem>> -> memref<128xi32, #tpu.memory_space<vmem>>
    %dma_wait3A_332 = arith.constant 0 : i32
    %dma_wait3A_333 = arith.constant 0 : i32
    %dma_wait3A_334 = tpu.memref_slice %arg10[%dma_wait3A_332, %dma_wait3A_333] : memref<10240x128xf32, #tpu.memory_space<vmem_shared>> -> memref<10240x128xf32, #tpu.memory_space<vmem_shared>>
    %dma_wait3A_335 = tpu.memref_slice %arg17[%dma_wait3A_324] : memref<2x!tpu.dma_semaphore, #tpu.memory_space<semaphore_mem>> -> memref<1x!tpu.dma_semaphore, #tpu.memory_space<semaphore_mem>>
    %dma_wait3A_336 = tpu.memref_squeeze %dma_wait3A_335 : memref<1x!tpu.dma_semaphore, #tpu.memory_space<semaphore_mem>> -> memref<!tpu.dma_semaphore, #tpu.memory_space<semaphore_mem>>
    tpu.wait_indirect_dma semaphore(%dma_wait3A_336 : memref<!tpu.dma_semaphore, #tpu.memory_space<semaphore_mem>>) src(%dma_wait3A_328 : memref<128x128xf32, #tpu.memory_space<vmem>>) dst(%dma_wait3A_334 : memref<10240x128xf32, #tpu.memory_space<vmem_shared>>)
    %dma_wait3A_337 = arith.constant 0 : i32
    %dma_wait3A_338 = arith.constant 0 : i32
    %dma_wait3A_339 = arith.constant 0 : i32
    %dma_wait3A_340 = tpu.memref_slice %arg13[%dma_wait3A_337, %dma_wait3A_339] : memref<40x128xi32, #tpu.memory_space<vmem>> -> memref<1x128xi32, #tpu.memory_space<vmem>>
    %dma_wait3A_341 = tpu.memref_squeeze %dma_wait3A_340 : memref<1x128xi32, #tpu.memory_space<vmem>> -> memref<128xi32, #tpu.memory_space<vmem>>
    %dma_wait3A_342 = arith.constant 0 : i32
    %dma_wait3A_343 = tpu.memref_slice %arg11[%dma_wait3A_342] : memref<10240xf32, #tpu.memory_space<vmem_shared>> -> memref<10240xf32, #tpu.memory_space<vmem_shared>>
    %dma_wait3A_344 = tpu.memref_slice %arg18[%dma_wait3A_338] : memref<2x!tpu.dma_semaphore, #tpu.memory_space<semaphore_mem>> -> memref<1x!tpu.dma_semaphore, #tpu.memory_space<semaphore_mem>>
    %dma_wait3A_345 = tpu.memref_squeeze %dma_wait3A_344 : memref<1x!tpu.dma_semaphore, #tpu.memory_space<semaphore_mem>> -> memref<!tpu.dma_semaphore, #tpu.memory_space<semaphore_mem>>
    tpu.wait_indirect_dma semaphore(%dma_wait3A_345 : memref<!tpu.dma_semaphore, #tpu.memory_space<semaphore_mem>>) src(%arg15 : memref<128xf32, #tpu.memory_space<vmem>>) dst(%dma_wait3A_343 : memref<10240xf32, #tpu.memory_space<vmem_shared>>)
    %dma_wait3A_346 = arith.constant 1 : i32
    %dma_wait3A_347 = arith.constant 0 : i32
    %dma_wait3A_348 = arith.constant 1 : i32
    %dma_wait3A_349 = arith.constant 0 : i32
    %dma_wait3A_350 = arith.constant 0 : i32
    %dma_wait3A_351 = tpu.memref_slice %arg14[%dma_wait3A_346, %dma_wait3A_349, %dma_wait3A_350] : memref<2x128x128xf32, #tpu.memory_space<vmem>> -> memref<1x128x128xf32, #tpu.memory_space<vmem>>
    %dma_wait3A_352 = tpu.memref_squeeze %dma_wait3A_351 : memref<1x128x128xf32, #tpu.memory_space<vmem>> -> memref<128x128xf32, #tpu.memory_space<vmem>>
    %dma_wait3A_353 = arith.constant 0 : i32
    %dma_wait3A_354 = tpu.memref_slice %arg13[%dma_wait3A_347, %dma_wait3A_353] : memref<40x128xi32, #tpu.memory_space<vmem>> -> memref<1x128xi32, #tpu.memory_space<vmem>>
    %dma_wait3A_355 = tpu.memref_squeeze %dma_wait3A_354 : memref<1x128xi32, #tpu.memory_space<vmem>> -> memref<128xi32, #tpu.memory_space<vmem>>
    %dma_wait3A_356 = arith.constant 0 : i32
    %dma_wait3A_357 = arith.constant 0 : i32
    %dma_wait3A_358 = tpu.memref_slice %arg10[%dma_wait3A_356, %dma_wait3A_357] : memref<10240x128xf32, #tpu.memory_space<vmem_shared>> -> memref<10240x128xf32, #tpu.memory_space<vmem_shared>>
    %dma_wait3A_359 = tpu.memref_slice %arg17[%dma_wait3A_348] : memref<2x!tpu.dma_semaphore, #tpu.memory_space<semaphore_mem>> -> memref<1x!tpu.dma_semaphore, #tpu.memory_space<semaphore_mem>>
    %dma_wait3A_360 = tpu.memref_squeeze %dma_wait3A_359 : memref<1x!tpu.dma_semaphore, #tpu.memory_space<semaphore_mem>> -> memref<!tpu.dma_semaphore, #tpu.memory_space<semaphore_mem>>
    tpu.wait_indirect_dma semaphore(%dma_wait3A_360 : memref<!tpu.dma_semaphore, #tpu.memory_space<semaphore_mem>>) src(%dma_wait3A_352 : memref<128x128xf32, #tpu.memory_space<vmem>>) dst(%dma_wait3A_358 : memref<10240x128xf32, #tpu.memory_space<vmem_shared>>)
    %dma_wait3A_361 = arith.constant 0 : i32
    %dma_wait3A_362 = arith.constant 1 : i32
    %dma_wait3A_363 = arith.constant 0 : i32
    %dma_wait3A_364 = tpu.memref_slice %arg13[%dma_wait3A_361, %dma_wait3A_363] : memref<40x128xi32, #tpu.memory_space<vmem>> -> memref<1x128xi32, #tpu.memory_space<vmem>>
    %dma_wait3A_365 = tpu.memref_squeeze %dma_wait3A_364 : memref<1x128xi32, #tpu.memory_space<vmem>> -> memref<128xi32, #tpu.memory_space<vmem>>
    %dma_wait3A_366 = arith.constant 0 : i32
    %dma_wait3A_367 = tpu.memref_slice %arg11[%dma_wait3A_366] : memref<10240xf32, #tpu.memory_space<vmem_shared>> -> memref<10240xf32, #tpu.memory_space<vmem_shared>>
    %dma_wait3A_368 = tpu.memref_slice %arg18[%dma_wait3A_362] : memref<2x!tpu.dma_semaphore, #tpu.memory_space<semaphore_mem>> -> memref<1x!tpu.dma_semaphore, #tpu.memory_space<semaphore_mem>>
    %dma_wait3A_369 = tpu.memref_squeeze %dma_wait3A_368 : memref<1x!tpu.dma_semaphore, #tpu.memory_space<semaphore_mem>> -> memref<!tpu.dma_semaphore, #tpu.memory_space<semaphore_mem>>
    tpu.wait_indirect_dma semaphore(%dma_wait3A_369 : memref<!tpu.dma_semaphore, #tpu.memory_space<semaphore_mem>>) src(%arg15 : memref<128xf32, #tpu.memory_space<vmem>>) dst(%dma_wait3A_367 : memref<10240xf32, #tpu.memory_space<vmem_shared>>)
    %barrier3A_370 = arith.constant 0 : index
    tpu.barrier barrier_id(%barrier3A_370)
    "tpu.region"() ({
      %run_scoped3A = tpu.sem_alloc : memref<!tpu.dma_semaphore, #tpu.memory_space<semaphore_mem>>
      %dma_start3A_378 = arith.constant 0 : i32
      %dma_start3A_379 = tpu.memref_slice %arg7[%arg0, %mul3A_2, %dma_start3A_378] : memref<2x10240x128xf32, #tpu.memory_space<hbm>> -> memref<1x640x128xf32, #tpu.memory_space<hbm>>
      %dma_start3A_380 = tpu.memref_squeeze %dma_start3A_379 : memref<1x640x128xf32, #tpu.memory_space<hbm>> -> memref<640x128xf32, #tpu.memory_space<hbm>>
      %dma_start3A_381 = arith.constant 0 : i32
      %dma_start3A_382 = tpu.memref_slice %arg10[%mul3A_2, %dma_start3A_381] : memref<10240x128xf32, #tpu.memory_space<vmem_shared>> -> memref<640x128xf32, #tpu.memory_space<vmem_shared>>
      tpu.enqueue_dma source(%dma_start3A_382 : memref<640x128xf32, #tpu.memory_space<vmem_shared>>) target(%dma_start3A_380 : memref<640x128xf32, #tpu.memory_space<hbm>>) target_semaphore(%run_scoped3A : memref<!tpu.dma_semaphore, #tpu.memory_space<semaphore_mem>>)
      %dma_wait3A_383 = arith.constant 0 : i32
      %dma_wait3A_384 = tpu.memref_slice %arg7[%arg0, %mul3A_2, %dma_wait3A_383] : memref<2x10240x128xf32, #tpu.memory_space<hbm>> -> memref<1x640x128xf32, #tpu.memory_space<hbm>>
      %dma_wait3A_385 = tpu.memref_squeeze %dma_wait3A_384 : memref<1x640x128xf32, #tpu.memory_space<hbm>> -> memref<640x128xf32, #tpu.memory_space<hbm>>
      %dma_wait3A_386 = arith.constant 0 : i32
      %dma_wait3A_387 = tpu.memref_slice %arg10[%mul3A_2, %dma_wait3A_386] : memref<10240x128xf32, #tpu.memory_space<vmem_shared>> -> memref<640x128xf32, #tpu.memory_space<vmem_shared>>
      tpu.wait_dma2 semaphore(%run_scoped3A : memref<!tpu.dma_semaphore, #tpu.memory_space<semaphore_mem>>) src(%dma_wait3A_387 : memref<640x128xf32, #tpu.memory_space<vmem_shared>>) dst(%dma_wait3A_385 : memref<640x128xf32, #tpu.memory_space<hbm>>)
      tpu.yield
    }) : () -> ()
    %eq3A = arith.constant 0 : i32
    %eq3A_371 = arith.cmpi eq, %arg0, %eq3A : i32
    %convert_element_type3A = arith.extui %eq3A_371 : i1 to i32
    %cond3A = arith.constant 0 : i32
    %cond3A_372 = arith.cmpi ne, %convert_element_type3A, %cond3A : i32
    scf.if %cond3A_372 {
      "tpu.region"() ({
        %run_scoped3A = tpu.sem_alloc : memref<!tpu.dma_semaphore, #tpu.memory_space<semaphore_mem>>
        %dma_start3A_378 = tpu.memref_slice %arg8[%mul3A_2] : memref<10240xf32, #tpu.memory_space<hbm>> -> memref<640xf32, #tpu.memory_space<hbm>>
        %dma_start3A_379 = tpu.memref_slice %arg11[%mul3A_2] : memref<10240xf32, #tpu.memory_space<vmem_shared>> -> memref<640xf32, #tpu.memory_space<vmem_shared>>
        tpu.enqueue_dma source(%dma_start3A_379 : memref<640xf32, #tpu.memory_space<vmem_shared>>) target(%dma_start3A_378 : memref<640xf32, #tpu.memory_space<hbm>>) target_semaphore(%run_scoped3A : memref<!tpu.dma_semaphore, #tpu.memory_space<semaphore_mem>>)
        %dma_wait3A_380 = tpu.memref_slice %arg8[%mul3A_2] : memref<10240xf32, #tpu.memory_space<hbm>> -> memref<640xf32, #tpu.memory_space<hbm>>
        %dma_wait3A_381 = tpu.memref_slice %arg11[%mul3A_2] : memref<10240xf32, #tpu.memory_space<vmem_shared>> -> memref<640xf32, #tpu.memory_space<vmem_shared>>
        tpu.wait_dma2 semaphore(%run_scoped3A : memref<!tpu.dma_semaphore, #tpu.memory_space<semaphore_mem>>) src(%dma_wait3A_381 : memref<640xf32, #tpu.memory_space<vmem_shared>>) dst(%dma_wait3A_380 : memref<640xf32, #tpu.memory_space<hbm>>)
        tpu.yield
      }) : () -> ()
    } else {
    }
    %eq3A_373 = arith.constant 1 : i32
    %eq3A_374 = arith.cmpi eq, %arg0, %eq3A_373 : i32
    %convert_element_type3A_375 = arith.extui %eq3A_374 : i1 to i32
    %cond3A_376 = arith.constant 0 : i32
    %cond3A_377 = arith.cmpi ne, %convert_element_type3A_375, %cond3A_376 : i32
    scf.if %cond3A_377 {
      "tpu.region"() ({
        %run_scoped3A = tpu.sem_alloc : memref<!tpu.dma_semaphore, #tpu.memory_space<semaphore_mem>>
        %dma_start3A_378 = tpu.memref_slice %arg9[%mul3A_2] : memref<10240xf32, #tpu.memory_space<hbm>> -> memref<640xf32, #tpu.memory_space<hbm>>
        %dma_start3A_379 = tpu.memref_slice %arg11[%mul3A_2] : memref<10240xf32, #tpu.memory_space<vmem_shared>> -> memref<640xf32, #tpu.memory_space<vmem_shared>>
        tpu.enqueue_dma source(%dma_start3A_379 : memref<640xf32, #tpu.memory_space<vmem_shared>>) target(%dma_start3A_378 : memref<640xf32, #tpu.memory_space<hbm>>) target_semaphore(%run_scoped3A : memref<!tpu.dma_semaphore, #tpu.memory_space<semaphore_mem>>)
        %dma_wait3A_380 = tpu.memref_slice %arg9[%mul3A_2] : memref<10240xf32, #tpu.memory_space<hbm>> -> memref<640xf32, #tpu.memory_space<hbm>>
        %dma_wait3A_381 = tpu.memref_slice %arg11[%mul3A_2] : memref<10240xf32, #tpu.memory_space<vmem_shared>> -> memref<640xf32, #tpu.memory_space<vmem_shared>>
        tpu.wait_dma2 semaphore(%run_scoped3A : memref<!tpu.dma_semaphore, #tpu.memory_space<semaphore_mem>>) src(%dma_wait3A_381 : memref<640xf32, #tpu.memory_space<vmem_shared>>) dst(%dma_wait3A_380 : memref<640xf32, #tpu.memory_space<hbm>>)
        tpu.yield
      }) : () -> ()
    } else {
    }
    return
  }
}

#map = affine_map<(d0, d1) -> (0, 0)>
#map1 = affine_map<(d0, d1) -> (0, 0, 0)>
module attributes {stable_mosaic.version = 14 : i64} {
  func.func @_sc_agg_body(%arg0: i32, %arg1: i32, %arg2: memref<10240x128xf32, #tpu.memory_space<hbm>>, %arg3: memref<32x80x128xi32, #tpu.memory_space<hbm>>, %arg4: memref<32x80x128xi32, #tpu.memory_space<hbm>>, %arg5: memref<640x128xf32, #tpu.memory_space<hbm>>, %arg6: memref<2x10240x128xf32, #tpu.memory_space<hbm>>, %arg7: memref<10240x128xf32, #tpu.memory_space<vmem_shared>>, %arg8: memref<40x128xi32, #tpu.memory_space<vmem>>, %arg9: memref<40x128xi32, #tpu.memory_space<vmem>>, %arg10: memref<2x128x128xf32, #tpu.memory_space<vmem>>, %arg11: memref<2x!tpu.dma_semaphore, #tpu.memory_space<semaphore_mem>>, %arg12: memref<2x!tpu.dma_semaphore, #tpu.memory_space<semaphore_mem>>) attributes {dimension_semantics = [#tpu.dimension_semantics<core_parallel>, #tpu.dimension_semantics<subcore_parallel>], iteration_bounds = array<i64: 2, 16>, scalar_prefetch = 0 : i64, scratch_operands = 6 : i64, tpu.core_type = #tpu.core_type<sc_vector_subcore>, window_params = [{transform_indices = #map}, {transform_indices = #map1}, {transform_indices = #map1}, {transform_indices = #map}, {transform_indices = #map1}]} {
    %mul3A = arith.constant 2 : i32
    %mul3A_0 = arith.muli %arg1, %mul3A : i32
    %add3A = arith.addi %mul3A_0, %arg0 : i32
    %mul3A_1 = arith.constant 640 : i32
    %mul3A_2 = arith.muli %arg1, %mul3A_1 : i32
    "tpu.region"() ({
      %run_scoped3A = tpu.sem_alloc : memref<!tpu.dma_semaphore, #tpu.memory_space<semaphore_mem>>
      %dma_start3A_253 = arith.constant 0 : i32
      %dma_start3A_254 = tpu.memref_slice %arg7[%mul3A_2, %dma_start3A_253] : memref<10240x128xf32, #tpu.memory_space<vmem_shared>> -> memref<640x128xf32, #tpu.memory_space<vmem_shared>>
      tpu.enqueue_dma source(%arg5 : memref<640x128xf32, #tpu.memory_space<hbm>>) target(%dma_start3A_254 : memref<640x128xf32, #tpu.memory_space<vmem_shared>>) target_semaphore(%run_scoped3A : memref<!tpu.dma_semaphore, #tpu.memory_space<semaphore_mem>>)
      %dma_wait3A_255 = arith.constant 0 : i32
      %dma_wait3A_256 = tpu.memref_slice %arg7[%mul3A_2, %dma_wait3A_255] : memref<10240x128xf32, #tpu.memory_space<vmem_shared>> -> memref<640x128xf32, #tpu.memory_space<vmem_shared>>
      tpu.wait_dma2 semaphore(%run_scoped3A : memref<!tpu.dma_semaphore, #tpu.memory_space<semaphore_mem>>) src(%arg5 : memref<640x128xf32, #tpu.memory_space<hbm>>) dst(%dma_wait3A_256 : memref<640x128xf32, #tpu.memory_space<vmem_shared>>)
      tpu.yield
    }) : () -> ()
    %barrier3A = arith.constant 0 : index
    tpu.barrier barrier_id(%barrier3A)
    "tpu.region"() ({
      %run_scoped3A = tpu.sem_alloc : memref<!tpu.dma_semaphore, #tpu.memory_space<semaphore_mem>>
      %dma_start3A_253 = arith.constant 0 : i32
      %dma_start3A_254 = arith.constant 0 : i32
      %dma_start3A_255 = tpu.memref_slice %arg3[%add3A, %dma_start3A_253, %dma_start3A_254] : memref<32x80x128xi32, #tpu.memory_space<hbm>> -> memref<1x40x128xi32, #tpu.memory_space<hbm>>
      %dma_start3A_256 = tpu.memref_squeeze %dma_start3A_255 : memref<1x40x128xi32, #tpu.memory_space<hbm>> -> memref<40x128xi32, #tpu.memory_space<hbm>>
      %dma_start3A_257 = arith.constant 0 : i32
      %dma_start3A_258 = arith.constant 0 : i32
      %dma_start3A_259 = tpu.memref_slice %arg3[%add3A, %dma_start3A_257, %dma_start3A_258] : memref<32x80x128xi32, #tpu.memory_space<hbm>> -> memref<1x40x128xi32, #tpu.memory_space<hbm>>
      %dma_start3A_260 = tpu.memref_squeeze %dma_start3A_259 : memref<1x40x128xi32, #tpu.memory_space<hbm>> -> memref<40x128xi32, #tpu.memory_space<hbm>>
      tpu.enqueue_dma source(%dma_start3A_260 : memref<40x128xi32, #tpu.memory_space<hbm>>) target(%arg8 : memref<40x128xi32, #tpu.memory_space<vmem>>) target_semaphore(%run_scoped3A : memref<!tpu.dma_semaphore, #tpu.memory_space<semaphore_mem>>)
      %dma_wait3A_261 = arith.constant 0 : i32
      %dma_wait3A_262 = arith.constant 0 : i32
      %dma_wait3A_263 = tpu.memref_slice %arg3[%add3A, %dma_wait3A_261, %dma_wait3A_262] : memref<32x80x128xi32, #tpu.memory_space<hbm>> -> memref<1x40x128xi32, #tpu.memory_space<hbm>>
      %dma_wait3A_264 = tpu.memref_squeeze %dma_wait3A_263 : memref<1x40x128xi32, #tpu.memory_space<hbm>> -> memref<40x128xi32, #tpu.memory_space<hbm>>
      %dma_wait3A_265 = arith.constant 0 : i32
      %dma_wait3A_266 = arith.constant 0 : i32
      %dma_wait3A_267 = tpu.memref_slice %arg3[%add3A, %dma_wait3A_265, %dma_wait3A_266] : memref<32x80x128xi32, #tpu.memory_space<hbm>> -> memref<1x40x128xi32, #tpu.memory_space<hbm>>
      %dma_wait3A_268 = tpu.memref_squeeze %dma_wait3A_267 : memref<1x40x128xi32, #tpu.memory_space<hbm>> -> memref<40x128xi32, #tpu.memory_space<hbm>>
      tpu.wait_dma2 semaphore(%run_scoped3A : memref<!tpu.dma_semaphore, #tpu.memory_space<semaphore_mem>>) src(%dma_wait3A_268 : memref<40x128xi32, #tpu.memory_space<hbm>>) dst(%arg8 : memref<40x128xi32, #tpu.memory_space<vmem>>)
      tpu.yield
    }) : () -> ()
    "tpu.region"() ({
      %run_scoped3A = tpu.sem_alloc : memref<!tpu.dma_semaphore, #tpu.memory_space<semaphore_mem>>
      %dma_start3A_253 = arith.constant 0 : i32
      %dma_start3A_254 = arith.constant 0 : i32
      %dma_start3A_255 = tpu.memref_slice %arg4[%add3A, %dma_start3A_253, %dma_start3A_254] : memref<32x80x128xi32, #tpu.memory_space<hbm>> -> memref<1x40x128xi32, #tpu.memory_space<hbm>>
      %dma_start3A_256 = tpu.memref_squeeze %dma_start3A_255 : memref<1x40x128xi32, #tpu.memory_space<hbm>> -> memref<40x128xi32, #tpu.memory_space<hbm>>
      %dma_start3A_257 = arith.constant 0 : i32
      %dma_start3A_258 = arith.constant 0 : i32
      %dma_start3A_259 = tpu.memref_slice %arg4[%add3A, %dma_start3A_257, %dma_start3A_258] : memref<32x80x128xi32, #tpu.memory_space<hbm>> -> memref<1x40x128xi32, #tpu.memory_space<hbm>>
      %dma_start3A_260 = tpu.memref_squeeze %dma_start3A_259 : memref<1x40x128xi32, #tpu.memory_space<hbm>> -> memref<40x128xi32, #tpu.memory_space<hbm>>
      tpu.enqueue_dma source(%dma_start3A_260 : memref<40x128xi32, #tpu.memory_space<hbm>>) target(%arg9 : memref<40x128xi32, #tpu.memory_space<vmem>>) target_semaphore(%run_scoped3A : memref<!tpu.dma_semaphore, #tpu.memory_space<semaphore_mem>>)
      %dma_wait3A_261 = arith.constant 0 : i32
      %dma_wait3A_262 = arith.constant 0 : i32
      %dma_wait3A_263 = tpu.memref_slice %arg4[%add3A, %dma_wait3A_261, %dma_wait3A_262] : memref<32x80x128xi32, #tpu.memory_space<hbm>> -> memref<1x40x128xi32, #tpu.memory_space<hbm>>
      %dma_wait3A_264 = tpu.memref_squeeze %dma_wait3A_263 : memref<1x40x128xi32, #tpu.memory_space<hbm>> -> memref<40x128xi32, #tpu.memory_space<hbm>>
      %dma_wait3A_265 = arith.constant 0 : i32
      %dma_wait3A_266 = arith.constant 0 : i32
      %dma_wait3A_267 = tpu.memref_slice %arg4[%add3A, %dma_wait3A_265, %dma_wait3A_266] : memref<32x80x128xi32, #tpu.memory_space<hbm>> -> memref<1x40x128xi32, #tpu.memory_space<hbm>>
      %dma_wait3A_268 = tpu.memref_squeeze %dma_wait3A_267 : memref<1x40x128xi32, #tpu.memory_space<hbm>> -> memref<40x128xi32, #tpu.memory_space<hbm>>
      tpu.wait_dma2 semaphore(%run_scoped3A : memref<!tpu.dma_semaphore, #tpu.memory_space<semaphore_mem>>) src(%dma_wait3A_268 : memref<40x128xi32, #tpu.memory_space<hbm>>) dst(%arg9 : memref<40x128xi32, #tpu.memory_space<vmem>>)
      tpu.yield
    }) : () -> ()
    %dma_start3A = arith.constant 0 : i32
    %dma_start3A_3 = arith.constant 0 : i32
    %dma_start3A_4 = arith.constant 0 : i32
    %dma_start3A_5 = arith.constant 0 : i32
    %dma_start3A_6 = arith.constant 0 : i32
    %dma_start3A_7 = tpu.memref_slice %arg10[%dma_start3A_3, %dma_start3A_5, %dma_start3A_6] : memref<2x128x128xf32, #tpu.memory_space<vmem>> -> memref<1x128x128xf32, #tpu.memory_space<vmem>>
    %dma_start3A_8 = tpu.memref_squeeze %dma_start3A_7 : memref<1x128x128xf32, #tpu.memory_space<vmem>> -> memref<128x128xf32, #tpu.memory_space<vmem>>
    %dma_start3A_9 = arith.constant 0 : i32
    %dma_start3A_10 = tpu.memref_slice %arg8[%dma_start3A, %dma_start3A_9] : memref<40x128xi32, #tpu.memory_space<vmem>> -> memref<1x128xi32, #tpu.memory_space<vmem>>
    %dma_start3A_11 = tpu.memref_squeeze %dma_start3A_10 : memref<1x128xi32, #tpu.memory_space<vmem>> -> memref<128xi32, #tpu.memory_space<vmem>>
    %dma_start3A_12 = arith.constant 0 : i32
    %dma_start3A_13 = arith.constant 0 : i32
    %dma_start3A_14 = tpu.memref_slice %arg2[%dma_start3A_12, %dma_start3A_13] : memref<10240x128xf32, #tpu.memory_space<hbm>> -> memref<10240x128xf32, #tpu.memory_space<hbm>>
    %dma_start3A_15 = tpu.memref_slice %arg11[%dma_start3A_4] : memref<2x!tpu.dma_semaphore, #tpu.memory_space<semaphore_mem>> -> memref<1x!tpu.dma_semaphore, #tpu.memory_space<semaphore_mem>>
    %dma_start3A_16 = tpu.memref_squeeze %dma_start3A_15 : memref<1x!tpu.dma_semaphore, #tpu.memory_space<semaphore_mem>> -> memref<!tpu.dma_semaphore, #tpu.memory_space<semaphore_mem>>
    tpu.enqueue_indirect_dma source(%dma_start3A_14 : memref<10240x128xf32, #tpu.memory_space<hbm>>) target(%dma_start3A_8 : memref<128x128xf32, #tpu.memory_space<vmem>>) offsets(%dma_start3A_11 : memref<128xi32, #tpu.memory_space<vmem>>) semaphore(%dma_start3A_16 : memref<!tpu.dma_semaphore, #tpu.memory_space<semaphore_mem>>)
    %dma_start3A_17 = arith.constant 1 : i32
    %dma_start3A_18 = arith.constant 1 : i32
    %dma_start3A_19 = arith.constant 1 : i32
    %dma_start3A_20 = arith.constant 0 : i32
    %dma_start3A_21 = arith.constant 0 : i32
    %dma_start3A_22 = tpu.memref_slice %arg10[%dma_start3A_18, %dma_start3A_20, %dma_start3A_21] : memref<2x128x128xf32, #tpu.memory_space<vmem>> -> memref<1x128x128xf32, #tpu.memory_space<vmem>>
    %dma_start3A_23 = tpu.memref_squeeze %dma_start3A_22 : memref<1x128x128xf32, #tpu.memory_space<vmem>> -> memref<128x128xf32, #tpu.memory_space<vmem>>
    %dma_start3A_24 = arith.constant 0 : i32
    %dma_start3A_25 = tpu.memref_slice %arg8[%dma_start3A_17, %dma_start3A_24] : memref<40x128xi32, #tpu.memory_space<vmem>> -> memref<1x128xi32, #tpu.memory_space<vmem>>
    %dma_start3A_26 = tpu.memref_squeeze %dma_start3A_25 : memref<1x128xi32, #tpu.memory_space<vmem>> -> memref<128xi32, #tpu.memory_space<vmem>>
    %dma_start3A_27 = arith.constant 0 : i32
    %dma_start3A_28 = arith.constant 0 : i32
    %dma_start3A_29 = tpu.memref_slice %arg2[%dma_start3A_27, %dma_start3A_28] : memref<10240x128xf32, #tpu.memory_space<hbm>> -> memref<10240x128xf32, #tpu.memory_space<hbm>>
    %dma_start3A_30 = tpu.memref_slice %arg11[%dma_start3A_19] : memref<2x!tpu.dma_semaphore, #tpu.memory_space<semaphore_mem>> -> memref<1x!tpu.dma_semaphore, #tpu.memory_space<semaphore_mem>>
    %dma_start3A_31 = tpu.memref_squeeze %dma_start3A_30 : memref<1x!tpu.dma_semaphore, #tpu.memory_space<semaphore_mem>> -> memref<!tpu.dma_semaphore, #tpu.memory_space<semaphore_mem>>
    tpu.enqueue_indirect_dma source(%dma_start3A_29 : memref<10240x128xf32, #tpu.memory_space<hbm>>) target(%dma_start3A_23 : memref<128x128xf32, #tpu.memory_space<vmem>>) offsets(%dma_start3A_26 : memref<128xi32, #tpu.memory_space<vmem>>) semaphore(%dma_start3A_31 : memref<!tpu.dma_semaphore, #tpu.memory_space<semaphore_mem>>)
    %scan3A = arith.constant 0 : i32
    %scan3A_32 = arith.constant 0 : i32
    %scan3A_33 = arith.constant 19 : i32
    %scan3A_34 = arith.addi %scan3A_32, %scan3A_33 : i32
    %scan3A_35 = arith.constant 1 : i32
    scf.for %scan3A_253 = %scan3A_32 to %scan3A_34 step %scan3A_35  : i32 {
      %dma_wait3A_254 = arith.constant 0 : i32
      %dma_wait3A_255 = arith.constant 0 : i32
      %dma_wait3A_256 = arith.constant 0 : i32
      %dma_wait3A_257 = arith.constant 0 : i32
      %dma_wait3A_258 = arith.constant 0 : i32
      %dma_wait3A_259 = tpu.memref_slice %arg10[%dma_wait3A_255, %dma_wait3A_257, %dma_wait3A_258] : memref<2x128x128xf32, #tpu.memory_space<vmem>> -> memref<1x128x128xf32, #tpu.memory_space<vmem>>
      %dma_wait3A_260 = tpu.memref_squeeze %dma_wait3A_259 : memref<1x128x128xf32, #tpu.memory_space<vmem>> -> memref<128x128xf32, #tpu.memory_space<vmem>>
      %dma_wait3A_261 = arith.constant 0 : i32
      %dma_wait3A_262 = tpu.memref_slice %arg8[%dma_wait3A_254, %dma_wait3A_261] : memref<40x128xi32, #tpu.memory_space<vmem>> -> memref<1x128xi32, #tpu.memory_space<vmem>>
      %dma_wait3A_263 = tpu.memref_squeeze %dma_wait3A_262 : memref<1x128xi32, #tpu.memory_space<vmem>> -> memref<128xi32, #tpu.memory_space<vmem>>
      %dma_wait3A_264 = arith.constant 0 : i32
      %dma_wait3A_265 = arith.constant 0 : i32
      %dma_wait3A_266 = tpu.memref_slice %arg2[%dma_wait3A_264, %dma_wait3A_265] : memref<10240x128xf32, #tpu.memory_space<hbm>> -> memref<10240x128xf32, #tpu.memory_space<hbm>>
      %dma_wait3A_267 = tpu.memref_slice %arg11[%dma_wait3A_256] : memref<2x!tpu.dma_semaphore, #tpu.memory_space<semaphore_mem>> -> memref<1x!tpu.dma_semaphore, #tpu.memory_space<semaphore_mem>>
      %dma_wait3A_268 = tpu.memref_squeeze %dma_wait3A_267 : memref<1x!tpu.dma_semaphore, #tpu.memory_space<semaphore_mem>> -> memref<!tpu.dma_semaphore, #tpu.memory_space<semaphore_mem>>
      tpu.wait_indirect_dma semaphore(%dma_wait3A_268 : memref<!tpu.dma_semaphore, #tpu.memory_space<semaphore_mem>>) src(%dma_wait3A_266 : memref<10240x128xf32, #tpu.memory_space<hbm>>) dst(%dma_wait3A_260 : memref<128x128xf32, #tpu.memory_space<vmem>>)
      %mul3A_269 = arith.constant 2 : i32
      %mul3A_270 = arith.muli %scan3A_253, %mul3A_269 : i32
      %add3A_271 = arith.constant 0 : i32
      %add3A_272 = arith.addi %mul3A_270, %add3A_271 : i32
      %dma_start3A_273 = arith.constant 0 : i32
      %dma_start3A_274 = arith.constant 0 : i32
      %dma_start3A_275 = arith.constant 0 : i32
      %dma_start3A_276 = arith.constant 0 : i32
      %dma_start3A_277 = tpu.memref_slice %arg10[%dma_start3A_273, %dma_start3A_275, %dma_start3A_276] : memref<2x128x128xf32, #tpu.memory_space<vmem>> -> memref<1x128x128xf32, #tpu.memory_space<vmem>>
      %dma_start3A_278 = tpu.memref_squeeze %dma_start3A_277 : memref<1x128x128xf32, #tpu.memory_space<vmem>> -> memref<128x128xf32, #tpu.memory_space<vmem>>
      %dma_start3A_279 = arith.constant 0 : i32
      %dma_start3A_280 = tpu.memref_slice %arg9[%add3A_272, %dma_start3A_279] : memref<40x128xi32, #tpu.memory_space<vmem>> -> memref<1x128xi32, #tpu.memory_space<vmem>>
      %dma_start3A_281 = tpu.memref_squeeze %dma_start3A_280 : memref<1x128xi32, #tpu.memory_space<vmem>> -> memref<128xi32, #tpu.memory_space<vmem>>
      %dma_start3A_282 = arith.constant 0 : i32
      %dma_start3A_283 = arith.constant 0 : i32
      %dma_start3A_284 = tpu.memref_slice %arg7[%dma_start3A_282, %dma_start3A_283] : memref<10240x128xf32, #tpu.memory_space<vmem_shared>> -> memref<10240x128xf32, #tpu.memory_space<vmem_shared>>
      %dma_start3A_285 = tpu.memref_slice %arg12[%dma_start3A_274] : memref<2x!tpu.dma_semaphore, #tpu.memory_space<semaphore_mem>> -> memref<1x!tpu.dma_semaphore, #tpu.memory_space<semaphore_mem>>
      %dma_start3A_286 = tpu.memref_squeeze %dma_start3A_285 : memref<1x!tpu.dma_semaphore, #tpu.memory_space<semaphore_mem>> -> memref<!tpu.dma_semaphore, #tpu.memory_space<semaphore_mem>>
      tpu.enqueue_indirect_dma source(%dma_start3A_278 : memref<128x128xf32, #tpu.memory_space<vmem>>) target(%dma_start3A_284 : memref<10240x128xf32, #tpu.memory_space<vmem_shared>>) offsets(%dma_start3A_281 : memref<128xi32, #tpu.memory_space<vmem>>) semaphore(%dma_start3A_286 : memref<!tpu.dma_semaphore, #tpu.memory_space<semaphore_mem>>) {add = true}
      %dma_wait3A_287 = arith.constant 0 : i32
      %dma_wait3A_288 = arith.constant 1 : i32
      %dma_wait3A_289 = arith.constant 1 : i32
      %dma_wait3A_290 = arith.constant 0 : i32
      %dma_wait3A_291 = arith.constant 0 : i32
      %dma_wait3A_292 = tpu.memref_slice %arg10[%dma_wait3A_288, %dma_wait3A_290, %dma_wait3A_291] : memref<2x128x128xf32, #tpu.memory_space<vmem>> -> memref<1x128x128xf32, #tpu.memory_space<vmem>>
      %dma_wait3A_293 = tpu.memref_squeeze %dma_wait3A_292 : memref<1x128x128xf32, #tpu.memory_space<vmem>> -> memref<128x128xf32, #tpu.memory_space<vmem>>
      %dma_wait3A_294 = arith.constant 0 : i32
      %dma_wait3A_295 = tpu.memref_slice %arg8[%dma_wait3A_287, %dma_wait3A_294] : memref<40x128xi32, #tpu.memory_space<vmem>> -> memref<1x128xi32, #tpu.memory_space<vmem>>
      %dma_wait3A_296 = tpu.memref_squeeze %dma_wait3A_295 : memref<1x128xi32, #tpu.memory_space<vmem>> -> memref<128xi32, #tpu.memory_space<vmem>>
      %dma_wait3A_297 = arith.constant 0 : i32
      %dma_wait3A_298 = arith.constant 0 : i32
      %dma_wait3A_299 = tpu.memref_slice %arg2[%dma_wait3A_297, %dma_wait3A_298] : memref<10240x128xf32, #tpu.memory_space<hbm>> -> memref<10240x128xf32, #tpu.memory_space<hbm>>
      %dma_wait3A_300 = tpu.memref_slice %arg11[%dma_wait3A_289] : memref<2x!tpu.dma_semaphore, #tpu.memory_space<semaphore_mem>> -> memref<1x!tpu.dma_semaphore, #tpu.memory_space<semaphore_mem>>
      %dma_wait3A_301 = tpu.memref_squeeze %dma_wait3A_300 : memref<1x!tpu.dma_semaphore, #tpu.memory_space<semaphore_mem>> -> memref<!tpu.dma_semaphore, #tpu.memory_space<semaphore_mem>>
      tpu.wait_indirect_dma semaphore(%dma_wait3A_301 : memref<!tpu.dma_semaphore, #tpu.memory_space<semaphore_mem>>) src(%dma_wait3A_299 : memref<10240x128xf32, #tpu.memory_space<hbm>>) dst(%dma_wait3A_293 : memref<128x128xf32, #tpu.memory_space<vmem>>)
      %mul3A_302 = arith.constant 2 : i32
      %mul3A_303 = arith.muli %scan3A_253, %mul3A_302 : i32
      %add3A_304 = arith.constant 1 : i32
      %add3A_305 = arith.addi %mul3A_303, %add3A_304 : i32
      %dma_start3A_306 = arith.constant 1 : i32
      %dma_start3A_307 = arith.constant 1 : i32
      %dma_start3A_308 = arith.constant 0 : i32
      %dma_start3A_309 = arith.constant 0 : i32
      %dma_start3A_310 = tpu.memref_slice %arg10[%dma_start3A_306, %dma_start3A_308, %dma_start3A_309] : memref<2x128x128xf32, #tpu.memory_space<vmem>> -> memref<1x128x128xf32, #tpu.memory_space<vmem>>
      %dma_start3A_311 = tpu.memref_squeeze %dma_start3A_310 : memref<1x128x128xf32, #tpu.memory_space<vmem>> -> memref<128x128xf32, #tpu.memory_space<vmem>>
      %dma_start3A_312 = arith.constant 0 : i32
      %dma_start3A_313 = tpu.memref_slice %arg9[%add3A_305, %dma_start3A_312] : memref<40x128xi32, #tpu.memory_space<vmem>> -> memref<1x128xi32, #tpu.memory_space<vmem>>
      %dma_start3A_314 = tpu.memref_squeeze %dma_start3A_313 : memref<1x128xi32, #tpu.memory_space<vmem>> -> memref<128xi32, #tpu.memory_space<vmem>>
      %dma_start3A_315 = arith.constant 0 : i32
      %dma_start3A_316 = arith.constant 0 : i32
      %dma_start3A_317 = tpu.memref_slice %arg7[%dma_start3A_315, %dma_start3A_316] : memref<10240x128xf32, #tpu.memory_space<vmem_shared>> -> memref<10240x128xf32, #tpu.memory_space<vmem_shared>>
      %dma_start3A_318 = tpu.memref_slice %arg12[%dma_start3A_307] : memref<2x!tpu.dma_semaphore, #tpu.memory_space<semaphore_mem>> -> memref<1x!tpu.dma_semaphore, #tpu.memory_space<semaphore_mem>>
      %dma_start3A_319 = tpu.memref_squeeze %dma_start3A_318 : memref<1x!tpu.dma_semaphore, #tpu.memory_space<semaphore_mem>> -> memref<!tpu.dma_semaphore, #tpu.memory_space<semaphore_mem>>
      tpu.enqueue_indirect_dma source(%dma_start3A_311 : memref<128x128xf32, #tpu.memory_space<vmem>>) target(%dma_start3A_317 : memref<10240x128xf32, #tpu.memory_space<vmem_shared>>) offsets(%dma_start3A_314 : memref<128xi32, #tpu.memory_space<vmem>>) semaphore(%dma_start3A_319 : memref<!tpu.dma_semaphore, #tpu.memory_space<semaphore_mem>>) {add = true}
      %dma_wait3A_320 = arith.constant 0 : i32
      %dma_wait3A_321 = arith.constant 0 : i32
      %dma_wait3A_322 = arith.constant 0 : i32
      %dma_wait3A_323 = arith.constant 0 : i32
      %dma_wait3A_324 = arith.constant 0 : i32
      %dma_wait3A_325 = tpu.memref_slice %arg10[%dma_wait3A_320, %dma_wait3A_323, %dma_wait3A_324] : memref<2x128x128xf32, #tpu.memory_space<vmem>> -> memref<1x128x128xf32, #tpu.memory_space<vmem>>
      %dma_wait3A_326 = tpu.memref_squeeze %dma_wait3A_325 : memref<1x128x128xf32, #tpu.memory_space<vmem>> -> memref<128x128xf32, #tpu.memory_space<vmem>>
      %dma_wait3A_327 = arith.constant 0 : i32
      %dma_wait3A_328 = tpu.memref_slice %arg9[%dma_wait3A_321, %dma_wait3A_327] : memref<40x128xi32, #tpu.memory_space<vmem>> -> memref<1x128xi32, #tpu.memory_space<vmem>>
      %dma_wait3A_329 = tpu.memref_squeeze %dma_wait3A_328 : memref<1x128xi32, #tpu.memory_space<vmem>> -> memref<128xi32, #tpu.memory_space<vmem>>
      %dma_wait3A_330 = arith.constant 0 : i32
      %dma_wait3A_331 = arith.constant 0 : i32
      %dma_wait3A_332 = tpu.memref_slice %arg7[%dma_wait3A_330, %dma_wait3A_331] : memref<10240x128xf32, #tpu.memory_space<vmem_shared>> -> memref<10240x128xf32, #tpu.memory_space<vmem_shared>>
      %dma_wait3A_333 = tpu.memref_slice %arg12[%dma_wait3A_322] : memref<2x!tpu.dma_semaphore, #tpu.memory_space<semaphore_mem>> -> memref<1x!tpu.dma_semaphore, #tpu.memory_space<semaphore_mem>>
      %dma_wait3A_334 = tpu.memref_squeeze %dma_wait3A_333 : memref<1x!tpu.dma_semaphore, #tpu.memory_space<semaphore_mem>> -> memref<!tpu.dma_semaphore, #tpu.memory_space<semaphore_mem>>
      tpu.wait_indirect_dma semaphore(%dma_wait3A_334 : memref<!tpu.dma_semaphore, #tpu.memory_space<semaphore_mem>>) src(%dma_wait3A_326 : memref<128x128xf32, #tpu.memory_space<vmem>>) dst(%dma_wait3A_332 : memref<10240x128xf32, #tpu.memory_space<vmem_shared>>)
      %add3A_335 = arith.constant 1 : i32
      %add3A_336 = arith.addi %scan3A_253, %add3A_335 : i32
      %mul3A_337 = arith.constant 2 : i32
      %mul3A_338 = arith.muli %add3A_336, %mul3A_337 : i32
      %add3A_339 = arith.constant 0 : i32
      %add3A_340 = arith.addi %mul3A_338, %add3A_339 : i32
      %dma_start3A_341 = arith.constant 0 : i32
      %dma_start3A_342 = arith.constant 0 : i32
      %dma_start3A_343 = arith.constant 0 : i32
      %dma_start3A_344 = arith.constant 0 : i32
      %dma_start3A_345 = tpu.memref_slice %arg10[%dma_start3A_341, %dma_start3A_343, %dma_start3A_344] : memref<2x128x128xf32, #tpu.memory_space<vmem>> -> memref<1x128x128xf32, #tpu.memory_space<vmem>>
      %dma_start3A_346 = tpu.memref_squeeze %dma_start3A_345 : memref<1x128x128xf32, #tpu.memory_space<vmem>> -> memref<128x128xf32, #tpu.memory_space<vmem>>
      %dma_start3A_347 = arith.constant 0 : i32
      %dma_start3A_348 = tpu.memref_slice %arg8[%add3A_340, %dma_start3A_347] : memref<40x128xi32, #tpu.memory_space<vmem>> -> memref<1x128xi32, #tpu.memory_space<vmem>>
      %dma_start3A_349 = tpu.memref_squeeze %dma_start3A_348 : memref<1x128xi32, #tpu.memory_space<vmem>> -> memref<128xi32, #tpu.memory_space<vmem>>
      %dma_start3A_350 = arith.constant 0 : i32
      %dma_start3A_351 = arith.constant 0 : i32
      %dma_start3A_352 = tpu.memref_slice %arg2[%dma_start3A_350, %dma_start3A_351] : memref<10240x128xf32, #tpu.memory_space<hbm>> -> memref<10240x128xf32, #tpu.memory_space<hbm>>
      %dma_start3A_353 = tpu.memref_slice %arg11[%dma_start3A_342] : memref<2x!tpu.dma_semaphore, #tpu.memory_space<semaphore_mem>> -> memref<1x!tpu.dma_semaphore, #tpu.memory_space<semaphore_mem>>
      %dma_start3A_354 = tpu.memref_squeeze %dma_start3A_353 : memref<1x!tpu.dma_semaphore, #tpu.memory_space<semaphore_mem>> -> memref<!tpu.dma_semaphore, #tpu.memory_space<semaphore_mem>>
      tpu.enqueue_indirect_dma source(%dma_start3A_352 : memref<10240x128xf32, #tpu.memory_space<hbm>>) target(%dma_start3A_346 : memref<128x128xf32, #tpu.memory_space<vmem>>) offsets(%dma_start3A_349 : memref<128xi32, #tpu.memory_space<vmem>>) semaphore(%dma_start3A_354 : memref<!tpu.dma_semaphore, #tpu.memory_space<semaphore_mem>>)
      %dma_wait3A_355 = arith.constant 1 : i32
      %dma_wait3A_356 = arith.constant 0 : i32
      %dma_wait3A_357 = arith.constant 1 : i32
      %dma_wait3A_358 = arith.constant 0 : i32
      %dma_wait3A_359 = arith.constant 0 : i32
      %dma_wait3A_360 = tpu.memref_slice %arg10[%dma_wait3A_355, %dma_wait3A_358, %dma_wait3A_359] : memref<2x128x128xf32, #tpu.memory_space<vmem>> -> memref<1x128x128xf32, #tpu.memory_space<vmem>>
      %dma_wait3A_361 = tpu.memref_squeeze %dma_wait3A_360 : memref<1x128x128xf32, #tpu.memory_space<vmem>> -> memref<128x128xf32, #tpu.memory_space<vmem>>
      %dma_wait3A_362 = arith.constant 0 : i32
      %dma_wait3A_363 = tpu.memref_slice %arg9[%dma_wait3A_356, %dma_wait3A_362] : memref<40x128xi32, #tpu.memory_space<vmem>> -> memref<1x128xi32, #tpu.memory_space<vmem>>
      %dma_wait3A_364 = tpu.memref_squeeze %dma_wait3A_363 : memref<1x128xi32, #tpu.memory_space<vmem>> -> memref<128xi32, #tpu.memory_space<vmem>>
      %dma_wait3A_365 = arith.constant 0 : i32
      %dma_wait3A_366 = arith.constant 0 : i32
      %dma_wait3A_367 = tpu.memref_slice %arg7[%dma_wait3A_365, %dma_wait3A_366] : memref<10240x128xf32, #tpu.memory_space<vmem_shared>> -> memref<10240x128xf32, #tpu.memory_space<vmem_shared>>
      %dma_wait3A_368 = tpu.memref_slice %arg12[%dma_wait3A_357] : memref<2x!tpu.dma_semaphore, #tpu.memory_space<semaphore_mem>> -> memref<1x!tpu.dma_semaphore, #tpu.memory_space<semaphore_mem>>
      %dma_wait3A_369 = tpu.memref_squeeze %dma_wait3A_368 : memref<1x!tpu.dma_semaphore, #tpu.memory_space<semaphore_mem>> -> memref<!tpu.dma_semaphore, #tpu.memory_space<semaphore_mem>>
      tpu.wait_indirect_dma semaphore(%dma_wait3A_369 : memref<!tpu.dma_semaphore, #tpu.memory_space<semaphore_mem>>) src(%dma_wait3A_361 : memref<128x128xf32, #tpu.memory_space<vmem>>) dst(%dma_wait3A_367 : memref<10240x128xf32, #tpu.memory_space<vmem_shared>>)
      %add3A_370 = arith.constant 1 : i32
      %add3A_371 = arith.addi %scan3A_253, %add3A_370 : i32
      %mul3A_372 = arith.constant 2 : i32
      %mul3A_373 = arith.muli %add3A_371, %mul3A_372 : i32
      %add3A_374 = arith.constant 1 : i32
      %add3A_375 = arith.addi %mul3A_373, %add3A_374 : i32
      %dma_start3A_376 = arith.constant 1 : i32
      %dma_start3A_377 = arith.constant 1 : i32
      %dma_start3A_378 = arith.constant 0 : i32
      %dma_start3A_379 = arith.constant 0 : i32
      %dma_start3A_380 = tpu.memref_slice %arg10[%dma_start3A_376, %dma_start3A_378, %dma_start3A_379] : memref<2x128x128xf32, #tpu.memory_space<vmem>> -> memref<1x128x128xf32, #tpu.memory_space<vmem>>
      %dma_start3A_381 = tpu.memref_squeeze %dma_start3A_380 : memref<1x128x128xf32, #tpu.memory_space<vmem>> -> memref<128x128xf32, #tpu.memory_space<vmem>>
      %dma_start3A_382 = arith.constant 0 : i32
      %dma_start3A_383 = tpu.memref_slice %arg8[%add3A_375, %dma_start3A_382] : memref<40x128xi32, #tpu.memory_space<vmem>> -> memref<1x128xi32, #tpu.memory_space<vmem>>
      %dma_start3A_384 = tpu.memref_squeeze %dma_start3A_383 : memref<1x128xi32, #tpu.memory_space<vmem>> -> memref<128xi32, #tpu.memory_space<vmem>>
      %dma_start3A_385 = arith.constant 0 : i32
      %dma_start3A_386 = arith.constant 0 : i32
      %dma_start3A_387 = tpu.memref_slice %arg2[%dma_start3A_385, %dma_start3A_386] : memref<10240x128xf32, #tpu.memory_space<hbm>> -> memref<10240x128xf32, #tpu.memory_space<hbm>>
      %dma_start3A_388 = tpu.memref_slice %arg11[%dma_start3A_377] : memref<2x!tpu.dma_semaphore, #tpu.memory_space<semaphore_mem>> -> memref<1x!tpu.dma_semaphore, #tpu.memory_space<semaphore_mem>>
      %dma_start3A_389 = tpu.memref_squeeze %dma_start3A_388 : memref<1x!tpu.dma_semaphore, #tpu.memory_space<semaphore_mem>> -> memref<!tpu.dma_semaphore, #tpu.memory_space<semaphore_mem>>
      tpu.enqueue_indirect_dma source(%dma_start3A_387 : memref<10240x128xf32, #tpu.memory_space<hbm>>) target(%dma_start3A_381 : memref<128x128xf32, #tpu.memory_space<vmem>>) offsets(%dma_start3A_384 : memref<128xi32, #tpu.memory_space<vmem>>) semaphore(%dma_start3A_389 : memref<!tpu.dma_semaphore, #tpu.memory_space<semaphore_mem>>)
    }
    %scan3A_36 = arith.constant 19 : i32
    %dma_wait3A = arith.constant 0 : i32
    %dma_wait3A_37 = arith.constant 0 : i32
    %dma_wait3A_38 = arith.constant 0 : i32
    %dma_wait3A_39 = arith.constant 0 : i32
    %dma_wait3A_40 = arith.constant 0 : i32
    %dma_wait3A_41 = tpu.memref_slice %arg10[%dma_wait3A_37, %dma_wait3A_39, %dma_wait3A_40] : memref<2x128x128xf32, #tpu.memory_space<vmem>> -> memref<1x128x128xf32, #tpu.memory_space<vmem>>
    %dma_wait3A_42 = tpu.memref_squeeze %dma_wait3A_41 : memref<1x128x128xf32, #tpu.memory_space<vmem>> -> memref<128x128xf32, #tpu.memory_space<vmem>>
    %dma_wait3A_43 = arith.constant 0 : i32
    %dma_wait3A_44 = tpu.memref_slice %arg8[%dma_wait3A, %dma_wait3A_43] : memref<40x128xi32, #tpu.memory_space<vmem>> -> memref<1x128xi32, #tpu.memory_space<vmem>>
    %dma_wait3A_45 = tpu.memref_squeeze %dma_wait3A_44 : memref<1x128xi32, #tpu.memory_space<vmem>> -> memref<128xi32, #tpu.memory_space<vmem>>
    %dma_wait3A_46 = arith.constant 0 : i32
    %dma_wait3A_47 = arith.constant 0 : i32
    %dma_wait3A_48 = tpu.memref_slice %arg2[%dma_wait3A_46, %dma_wait3A_47] : memref<10240x128xf32, #tpu.memory_space<hbm>> -> memref<10240x128xf32, #tpu.memory_space<hbm>>
    %dma_wait3A_49 = tpu.memref_slice %arg11[%dma_wait3A_38] : memref<2x!tpu.dma_semaphore, #tpu.memory_space<semaphore_mem>> -> memref<1x!tpu.dma_semaphore, #tpu.memory_space<semaphore_mem>>
    %dma_wait3A_50 = tpu.memref_squeeze %dma_wait3A_49 : memref<1x!tpu.dma_semaphore, #tpu.memory_space<semaphore_mem>> -> memref<!tpu.dma_semaphore, #tpu.memory_space<semaphore_mem>>
    tpu.wait_indirect_dma semaphore(%dma_wait3A_50 : memref<!tpu.dma_semaphore, #tpu.memory_space<semaphore_mem>>) src(%dma_wait3A_48 : memref<10240x128xf32, #tpu.memory_space<hbm>>) dst(%dma_wait3A_42 : memref<128x128xf32, #tpu.memory_space<vmem>>)
    %dma_start3A_51 = arith.constant 0 : i32
    %dma_start3A_52 = arith.constant 38 : i32
    %dma_start3A_53 = arith.constant 0 : i32
    %dma_start3A_54 = arith.constant 0 : i32
    %dma_start3A_55 = arith.constant 0 : i32
    %dma_start3A_56 = tpu.memref_slice %arg10[%dma_start3A_51, %dma_start3A_54, %dma_start3A_55] : memref<2x128x128xf32, #tpu.memory_space<vmem>> -> memref<1x128x128xf32, #tpu.memory_space<vmem>>
    %dma_start3A_57 = tpu.memref_squeeze %dma_start3A_56 : memref<1x128x128xf32, #tpu.memory_space<vmem>> -> memref<128x128xf32, #tpu.memory_space<vmem>>
    %dma_start3A_58 = arith.constant 0 : i32
    %dma_start3A_59 = tpu.memref_slice %arg9[%dma_start3A_52, %dma_start3A_58] : memref<40x128xi32, #tpu.memory_space<vmem>> -> memref<1x128xi32, #tpu.memory_space<vmem>>
    %dma_start3A_60 = tpu.memref_squeeze %dma_start3A_59 : memref<1x128xi32, #tpu.memory_space<vmem>> -> memref<128xi32, #tpu.memory_space<vmem>>
    %dma_start3A_61 = arith.constant 0 : i32
    %dma_start3A_62 = arith.constant 0 : i32
    %dma_start3A_63 = tpu.memref_slice %arg7[%dma_start3A_61, %dma_start3A_62] : memref<10240x128xf32, #tpu.memory_space<vmem_shared>> -> memref<10240x128xf32, #tpu.memory_space<vmem_shared>>
    %dma_start3A_64 = tpu.memref_slice %arg12[%dma_start3A_53] : memref<2x!tpu.dma_semaphore, #tpu.memory_space<semaphore_mem>> -> memref<1x!tpu.dma_semaphore, #tpu.memory_space<semaphore_mem>>
    %dma_start3A_65 = tpu.memref_squeeze %dma_start3A_64 : memref<1x!tpu.dma_semaphore, #tpu.memory_space<semaphore_mem>> -> memref<!tpu.dma_semaphore, #tpu.memory_space<semaphore_mem>>
    tpu.enqueue_indirect_dma source(%dma_start3A_57 : memref<128x128xf32, #tpu.memory_space<vmem>>) target(%dma_start3A_63 : memref<10240x128xf32, #tpu.memory_space<vmem_shared>>) offsets(%dma_start3A_60 : memref<128xi32, #tpu.memory_space<vmem>>) semaphore(%dma_start3A_65 : memref<!tpu.dma_semaphore, #tpu.memory_space<semaphore_mem>>) {add = true}
    %dma_wait3A_66 = arith.constant 0 : i32
    %dma_wait3A_67 = arith.constant 1 : i32
    %dma_wait3A_68 = arith.constant 1 : i32
    %dma_wait3A_69 = arith.constant 0 : i32
    %dma_wait3A_70 = arith.constant 0 : i32
    %dma_wait3A_71 = tpu.memref_slice %arg10[%dma_wait3A_67, %dma_wait3A_69, %dma_wait3A_70] : memref<2x128x128xf32, #tpu.memory_space<vmem>> -> memref<1x128x128xf32, #tpu.memory_space<vmem>>
    %dma_wait3A_72 = tpu.memref_squeeze %dma_wait3A_71 : memref<1x128x128xf32, #tpu.memory_space<vmem>> -> memref<128x128xf32, #tpu.memory_space<vmem>>
    %dma_wait3A_73 = arith.constant 0 : i32
    %dma_wait3A_74 = tpu.memref_slice %arg8[%dma_wait3A_66, %dma_wait3A_73] : memref<40x128xi32, #tpu.memory_space<vmem>> -> memref<1x128xi32, #tpu.memory_space<vmem>>
    %dma_wait3A_75 = tpu.memref_squeeze %dma_wait3A_74 : memref<1x128xi32, #tpu.memory_space<vmem>> -> memref<128xi32, #tpu.memory_space<vmem>>
    %dma_wait3A_76 = arith.constant 0 : i32
    %dma_wait3A_77 = arith.constant 0 : i32
    %dma_wait3A_78 = tpu.memref_slice %arg2[%dma_wait3A_76, %dma_wait3A_77] : memref<10240x128xf32, #tpu.memory_space<hbm>> -> memref<10240x128xf32, #tpu.memory_space<hbm>>
    %dma_wait3A_79 = tpu.memref_slice %arg11[%dma_wait3A_68] : memref<2x!tpu.dma_semaphore, #tpu.memory_space<semaphore_mem>> -> memref<1x!tpu.dma_semaphore, #tpu.memory_space<semaphore_mem>>
    %dma_wait3A_80 = tpu.memref_squeeze %dma_wait3A_79 : memref<1x!tpu.dma_semaphore, #tpu.memory_space<semaphore_mem>> -> memref<!tpu.dma_semaphore, #tpu.memory_space<semaphore_mem>>
    tpu.wait_indirect_dma semaphore(%dma_wait3A_80 : memref<!tpu.dma_semaphore, #tpu.memory_space<semaphore_mem>>) src(%dma_wait3A_78 : memref<10240x128xf32, #tpu.memory_space<hbm>>) dst(%dma_wait3A_72 : memref<128x128xf32, #tpu.memory_space<vmem>>)
    %dma_start3A_81 = arith.constant 1 : i32
    %dma_start3A_82 = arith.constant 39 : i32
    %dma_start3A_83 = arith.constant 1 : i32
    %dma_start3A_84 = arith.constant 0 : i32
    %dma_start3A_85 = arith.constant 0 : i32
    %dma_start3A_86 = tpu.memref_slice %arg10[%dma_start3A_81, %dma_start3A_84, %dma_start3A_85] : memref<2x128x128xf32, #tpu.memory_space<vmem>> -> memref<1x128x128xf32, #tpu.memory_space<vmem>>
    %dma_start3A_87 = tpu.memref_squeeze %dma_start3A_86 : memref<1x128x128xf32, #tpu.memory_space<vmem>> -> memref<128x128xf32, #tpu.memory_space<vmem>>
    %dma_start3A_88 = arith.constant 0 : i32
    %dma_start3A_89 = tpu.memref_slice %arg9[%dma_start3A_82, %dma_start3A_88] : memref<40x128xi32, #tpu.memory_space<vmem>> -> memref<1x128xi32, #tpu.memory_space<vmem>>
    %dma_start3A_90 = tpu.memref_squeeze %dma_start3A_89 : memref<1x128xi32, #tpu.memory_space<vmem>> -> memref<128xi32, #tpu.memory_space<vmem>>
    %dma_start3A_91 = arith.constant 0 : i32
    %dma_start3A_92 = arith.constant 0 : i32
    %dma_start3A_93 = tpu.memref_slice %arg7[%dma_start3A_91, %dma_start3A_92] : memref<10240x128xf32, #tpu.memory_space<vmem_shared>> -> memref<10240x128xf32, #tpu.memory_space<vmem_shared>>
    %dma_start3A_94 = tpu.memref_slice %arg12[%dma_start3A_83] : memref<2x!tpu.dma_semaphore, #tpu.memory_space<semaphore_mem>> -> memref<1x!tpu.dma_semaphore, #tpu.memory_space<semaphore_mem>>
    %dma_start3A_95 = tpu.memref_squeeze %dma_start3A_94 : memref<1x!tpu.dma_semaphore, #tpu.memory_space<semaphore_mem>> -> memref<!tpu.dma_semaphore, #tpu.memory_space<semaphore_mem>>
    tpu.enqueue_indirect_dma source(%dma_start3A_87 : memref<128x128xf32, #tpu.memory_space<vmem>>) target(%dma_start3A_93 : memref<10240x128xf32, #tpu.memory_space<vmem_shared>>) offsets(%dma_start3A_90 : memref<128xi32, #tpu.memory_space<vmem>>) semaphore(%dma_start3A_95 : memref<!tpu.dma_semaphore, #tpu.memory_space<semaphore_mem>>) {add = true}
    %dma_wait3A_96 = arith.constant 0 : i32
    %dma_wait3A_97 = arith.constant 0 : i32
    %dma_wait3A_98 = arith.constant 0 : i32
    %dma_wait3A_99 = arith.constant 0 : i32
    %dma_wait3A_100 = arith.constant 0 : i32
    %dma_wait3A_101 = tpu.memref_slice %arg10[%dma_wait3A_96, %dma_wait3A_99, %dma_wait3A_100] : memref<2x128x128xf32, #tpu.memory_space<vmem>> -> memref<1x128x128xf32, #tpu.memory_space<vmem>>
    %dma_wait3A_102 = tpu.memref_squeeze %dma_wait3A_101 : memref<1x128x128xf32, #tpu.memory_space<vmem>> -> memref<128x128xf32, #tpu.memory_space<vmem>>
    %dma_wait3A_103 = arith.constant 0 : i32
    %dma_wait3A_104 = tpu.memref_slice %arg9[%dma_wait3A_97, %dma_wait3A_103] : memref<40x128xi32, #tpu.memory_space<vmem>> -> memref<1x128xi32, #tpu.memory_space<vmem>>
    %dma_wait3A_105 = tpu.memref_squeeze %dma_wait3A_104 : memref<1x128xi32, #tpu.memory_space<vmem>> -> memref<128xi32, #tpu.memory_space<vmem>>
    %dma_wait3A_106 = arith.constant 0 : i32
    %dma_wait3A_107 = arith.constant 0 : i32
    %dma_wait3A_108 = tpu.memref_slice %arg7[%dma_wait3A_106, %dma_wait3A_107] : memref<10240x128xf32, #tpu.memory_space<vmem_shared>> -> memref<10240x128xf32, #tpu.memory_space<vmem_shared>>
    %dma_wait3A_109 = tpu.memref_slice %arg12[%dma_wait3A_98] : memref<2x!tpu.dma_semaphore, #tpu.memory_space<semaphore_mem>> -> memref<1x!tpu.dma_semaphore, #tpu.memory_space<semaphore_mem>>
    %dma_wait3A_110 = tpu.memref_squeeze %dma_wait3A_109 : memref<1x!tpu.dma_semaphore, #tpu.memory_space<semaphore_mem>> -> memref<!tpu.dma_semaphore, #tpu.memory_space<semaphore_mem>>
    tpu.wait_indirect_dma semaphore(%dma_wait3A_110 : memref<!tpu.dma_semaphore, #tpu.memory_space<semaphore_mem>>) src(%dma_wait3A_102 : memref<128x128xf32, #tpu.memory_space<vmem>>) dst(%dma_wait3A_108 : memref<10240x128xf32, #tpu.memory_space<vmem_shared>>)
    %dma_wait3A_111 = arith.constant 1 : i32
    %dma_wait3A_112 = arith.constant 0 : i32
    %dma_wait3A_113 = arith.constant 1 : i32
    %dma_wait3A_114 = arith.constant 0 : i32
    %dma_wait3A_115 = arith.constant 0 : i32
    %dma_wait3A_116 = tpu.memref_slice %arg10[%dma_wait3A_111, %dma_wait3A_114, %dma_wait3A_115] : memref<2x128x128xf32, #tpu.memory_space<vmem>> -> memref<1x128x128xf32, #tpu.memory_space<vmem>>
    %dma_wait3A_117 = tpu.memref_squeeze %dma_wait3A_116 : memref<1x128x128xf32, #tpu.memory_space<vmem>> -> memref<128x128xf32, #tpu.memory_space<vmem>>
    %dma_wait3A_118 = arith.constant 0 : i32
    %dma_wait3A_119 = tpu.memref_slice %arg9[%dma_wait3A_112, %dma_wait3A_118] : memref<40x128xi32, #tpu.memory_space<vmem>> -> memref<1x128xi32, #tpu.memory_space<vmem>>
    %dma_wait3A_120 = tpu.memref_squeeze %dma_wait3A_119 : memref<1x128xi32, #tpu.memory_space<vmem>> -> memref<128xi32, #tpu.memory_space<vmem>>
    %dma_wait3A_121 = arith.constant 0 : i32
    %dma_wait3A_122 = arith.constant 0 : i32
    %dma_wait3A_123 = tpu.memref_slice %arg7[%dma_wait3A_121, %dma_wait3A_122] : memref<10240x128xf32, #tpu.memory_space<vmem_shared>> -> memref<10240x128xf32, #tpu.memory_space<vmem_shared>>
    %dma_wait3A_124 = tpu.memref_slice %arg12[%dma_wait3A_113] : memref<2x!tpu.dma_semaphore, #tpu.memory_space<semaphore_mem>> -> memref<1x!tpu.dma_semaphore, #tpu.memory_space<semaphore_mem>>
    %dma_wait3A_125 = tpu.memref_squeeze %dma_wait3A_124 : memref<1x!tpu.dma_semaphore, #tpu.memory_space<semaphore_mem>> -> memref<!tpu.dma_semaphore, #tpu.memory_space<semaphore_mem>>
    tpu.wait_indirect_dma semaphore(%dma_wait3A_125 : memref<!tpu.dma_semaphore, #tpu.memory_space<semaphore_mem>>) src(%dma_wait3A_117 : memref<128x128xf32, #tpu.memory_space<vmem>>) dst(%dma_wait3A_123 : memref<10240x128xf32, #tpu.memory_space<vmem_shared>>)
    "tpu.region"() ({
      %run_scoped3A = tpu.sem_alloc : memref<!tpu.dma_semaphore, #tpu.memory_space<semaphore_mem>>
      %dma_start3A_253 = arith.constant 40 : i32
      %dma_start3A_254 = arith.constant 0 : i32
      %dma_start3A_255 = tpu.memref_slice %arg3[%add3A, %dma_start3A_253, %dma_start3A_254] : memref<32x80x128xi32, #tpu.memory_space<hbm>> -> memref<1x40x128xi32, #tpu.memory_space<hbm>>
      %dma_start3A_256 = tpu.memref_squeeze %dma_start3A_255 : memref<1x40x128xi32, #tpu.memory_space<hbm>> -> memref<40x128xi32, #tpu.memory_space<hbm>>
      %dma_start3A_257 = arith.constant 40 : i32
      %dma_start3A_258 = arith.constant 0 : i32
      %dma_start3A_259 = tpu.memref_slice %arg3[%add3A, %dma_start3A_257, %dma_start3A_258] : memref<32x80x128xi32, #tpu.memory_space<hbm>> -> memref<1x40x128xi32, #tpu.memory_space<hbm>>
      %dma_start3A_260 = tpu.memref_squeeze %dma_start3A_259 : memref<1x40x128xi32, #tpu.memory_space<hbm>> -> memref<40x128xi32, #tpu.memory_space<hbm>>
      tpu.enqueue_dma source(%dma_start3A_260 : memref<40x128xi32, #tpu.memory_space<hbm>>) target(%arg8 : memref<40x128xi32, #tpu.memory_space<vmem>>) target_semaphore(%run_scoped3A : memref<!tpu.dma_semaphore, #tpu.memory_space<semaphore_mem>>)
      %dma_wait3A_261 = arith.constant 40 : i32
      %dma_wait3A_262 = arith.constant 0 : i32
      %dma_wait3A_263 = tpu.memref_slice %arg3[%add3A, %dma_wait3A_261, %dma_wait3A_262] : memref<32x80x128xi32, #tpu.memory_space<hbm>> -> memref<1x40x128xi32, #tpu.memory_space<hbm>>
      %dma_wait3A_264 = tpu.memref_squeeze %dma_wait3A_263 : memref<1x40x128xi32, #tpu.memory_space<hbm>> -> memref<40x128xi32, #tpu.memory_space<hbm>>
      %dma_wait3A_265 = arith.constant 40 : i32
      %dma_wait3A_266 = arith.constant 0 : i32
      %dma_wait3A_267 = tpu.memref_slice %arg3[%add3A, %dma_wait3A_265, %dma_wait3A_266] : memref<32x80x128xi32, #tpu.memory_space<hbm>> -> memref<1x40x128xi32, #tpu.memory_space<hbm>>
      %dma_wait3A_268 = tpu.memref_squeeze %dma_wait3A_267 : memref<1x40x128xi32, #tpu.memory_space<hbm>> -> memref<40x128xi32, #tpu.memory_space<hbm>>
      tpu.wait_dma2 semaphore(%run_scoped3A : memref<!tpu.dma_semaphore, #tpu.memory_space<semaphore_mem>>) src(%dma_wait3A_268 : memref<40x128xi32, #tpu.memory_space<hbm>>) dst(%arg8 : memref<40x128xi32, #tpu.memory_space<vmem>>)
      tpu.yield
    }) : () -> ()
    "tpu.region"() ({
      %run_scoped3A = tpu.sem_alloc : memref<!tpu.dma_semaphore, #tpu.memory_space<semaphore_mem>>
      %dma_start3A_253 = arith.constant 40 : i32
      %dma_start3A_254 = arith.constant 0 : i32
      %dma_start3A_255 = tpu.memref_slice %arg4[%add3A, %dma_start3A_253, %dma_start3A_254] : memref<32x80x128xi32, #tpu.memory_space<hbm>> -> memref<1x40x128xi32, #tpu.memory_space<hbm>>
      %dma_start3A_256 = tpu.memref_squeeze %dma_start3A_255 : memref<1x40x128xi32, #tpu.memory_space<hbm>> -> memref<40x128xi32, #tpu.memory_space<hbm>>
      %dma_start3A_257 = arith.constant 40 : i32
      %dma_start3A_258 = arith.constant 0 : i32
      %dma_start3A_259 = tpu.memref_slice %arg4[%add3A, %dma_start3A_257, %dma_start3A_258] : memref<32x80x128xi32, #tpu.memory_space<hbm>> -> memref<1x40x128xi32, #tpu.memory_space<hbm>>
      %dma_start3A_260 = tpu.memref_squeeze %dma_start3A_259 : memref<1x40x128xi32, #tpu.memory_space<hbm>> -> memref<40x128xi32, #tpu.memory_space<hbm>>
      tpu.enqueue_dma source(%dma_start3A_260 : memref<40x128xi32, #tpu.memory_space<hbm>>) target(%arg9 : memref<40x128xi32, #tpu.memory_space<vmem>>) target_semaphore(%run_scoped3A : memref<!tpu.dma_semaphore, #tpu.memory_space<semaphore_mem>>)
      %dma_wait3A_261 = arith.constant 40 : i32
      %dma_wait3A_262 = arith.constant 0 : i32
      %dma_wait3A_263 = tpu.memref_slice %arg4[%add3A, %dma_wait3A_261, %dma_wait3A_262] : memref<32x80x128xi32, #tpu.memory_space<hbm>> -> memref<1x40x128xi32, #tpu.memory_space<hbm>>
      %dma_wait3A_264 = tpu.memref_squeeze %dma_wait3A_263 : memref<1x40x128xi32, #tpu.memory_space<hbm>> -> memref<40x128xi32, #tpu.memory_space<hbm>>
      %dma_wait3A_265 = arith.constant 40 : i32
      %dma_wait3A_266 = arith.constant 0 : i32
      %dma_wait3A_267 = tpu.memref_slice %arg4[%add3A, %dma_wait3A_265, %dma_wait3A_266] : memref<32x80x128xi32, #tpu.memory_space<hbm>> -> memref<1x40x128xi32, #tpu.memory_space<hbm>>
      %dma_wait3A_268 = tpu.memref_squeeze %dma_wait3A_267 : memref<1x40x128xi32, #tpu.memory_space<hbm>> -> memref<40x128xi32, #tpu.memory_space<hbm>>
      tpu.wait_dma2 semaphore(%run_scoped3A : memref<!tpu.dma_semaphore, #tpu.memory_space<semaphore_mem>>) src(%dma_wait3A_268 : memref<40x128xi32, #tpu.memory_space<hbm>>) dst(%arg9 : memref<40x128xi32, #tpu.memory_space<vmem>>)
      tpu.yield
    }) : () -> ()
    %dma_start3A_126 = arith.constant 0 : i32
    %dma_start3A_127 = arith.constant 0 : i32
    %dma_start3A_128 = arith.constant 0 : i32
    %dma_start3A_129 = arith.constant 0 : i32
    %dma_start3A_130 = arith.constant 0 : i32
    %dma_start3A_131 = tpu.memref_slice %arg10[%dma_start3A_127, %dma_start3A_129, %dma_start3A_130] : memref<2x128x128xf32, #tpu.memory_space<vmem>> -> memref<1x128x128xf32, #tpu.memory_space<vmem>>
    %dma_start3A_132 = tpu.memref_squeeze %dma_start3A_131 : memref<1x128x128xf32, #tpu.memory_space<vmem>> -> memref<128x128xf32, #tpu.memory_space<vmem>>
    %dma_start3A_133 = arith.constant 0 : i32
    %dma_start3A_134 = tpu.memref_slice %arg8[%dma_start3A_126, %dma_start3A_133] : memref<40x128xi32, #tpu.memory_space<vmem>> -> memref<1x128xi32, #tpu.memory_space<vmem>>
    %dma_start3A_135 = tpu.memref_squeeze %dma_start3A_134 : memref<1x128xi32, #tpu.memory_space<vmem>> -> memref<128xi32, #tpu.memory_space<vmem>>
    %dma_start3A_136 = arith.constant 0 : i32
    %dma_start3A_137 = arith.constant 0 : i32
    %dma_start3A_138 = tpu.memref_slice %arg2[%dma_start3A_136, %dma_start3A_137] : memref<10240x128xf32, #tpu.memory_space<hbm>> -> memref<10240x128xf32, #tpu.memory_space<hbm>>
    %dma_start3A_139 = tpu.memref_slice %arg11[%dma_start3A_128] : memref<2x!tpu.dma_semaphore, #tpu.memory_space<semaphore_mem>> -> memref<1x!tpu.dma_semaphore, #tpu.memory_space<semaphore_mem>>
    %dma_start3A_140 = tpu.memref_squeeze %dma_start3A_139 : memref<1x!tpu.dma_semaphore, #tpu.memory_space<semaphore_mem>> -> memref<!tpu.dma_semaphore, #tpu.memory_space<semaphore_mem>>
    tpu.enqueue_indirect_dma source(%dma_start3A_138 : memref<10240x128xf32, #tpu.memory_space<hbm>>) target(%dma_start3A_132 : memref<128x128xf32, #tpu.memory_space<vmem>>) offsets(%dma_start3A_135 : memref<128xi32, #tpu.memory_space<vmem>>) semaphore(%dma_start3A_140 : memref<!tpu.dma_semaphore, #tpu.memory_space<semaphore_mem>>)
    %dma_start3A_141 = arith.constant 1 : i32
    %dma_start3A_142 = arith.constant 1 : i32
    %dma_start3A_143 = arith.constant 1 : i32
    %dma_start3A_144 = arith.constant 0 : i32
    %dma_start3A_145 = arith.constant 0 : i32
    %dma_start3A_146 = tpu.memref_slice %arg10[%dma_start3A_142, %dma_start3A_144, %dma_start3A_145] : memref<2x128x128xf32, #tpu.memory_space<vmem>> -> memref<1x128x128xf32, #tpu.memory_space<vmem>>
    %dma_start3A_147 = tpu.memref_squeeze %dma_start3A_146 : memref<1x128x128xf32, #tpu.memory_space<vmem>> -> memref<128x128xf32, #tpu.memory_space<vmem>>
    %dma_start3A_148 = arith.constant 0 : i32
    %dma_start3A_149 = tpu.memref_slice %arg8[%dma_start3A_141, %dma_start3A_148] : memref<40x128xi32, #tpu.memory_space<vmem>> -> memref<1x128xi32, #tpu.memory_space<vmem>>
    %dma_start3A_150 = tpu.memref_squeeze %dma_start3A_149 : memref<1x128xi32, #tpu.memory_space<vmem>> -> memref<128xi32, #tpu.memory_space<vmem>>
    %dma_start3A_151 = arith.constant 0 : i32
    %dma_start3A_152 = arith.constant 0 : i32
    %dma_start3A_153 = tpu.memref_slice %arg2[%dma_start3A_151, %dma_start3A_152] : memref<10240x128xf32, #tpu.memory_space<hbm>> -> memref<10240x128xf32, #tpu.memory_space<hbm>>
    %dma_start3A_154 = tpu.memref_slice %arg11[%dma_start3A_143] : memref<2x!tpu.dma_semaphore, #tpu.memory_space<semaphore_mem>> -> memref<1x!tpu.dma_semaphore, #tpu.memory_space<semaphore_mem>>
    %dma_start3A_155 = tpu.memref_squeeze %dma_start3A_154 : memref<1x!tpu.dma_semaphore, #tpu.memory_space<semaphore_mem>> -> memref<!tpu.dma_semaphore, #tpu.memory_space<semaphore_mem>>
    tpu.enqueue_indirect_dma source(%dma_start3A_153 : memref<10240x128xf32, #tpu.memory_space<hbm>>) target(%dma_start3A_147 : memref<128x128xf32, #tpu.memory_space<vmem>>) offsets(%dma_start3A_150 : memref<128xi32, #tpu.memory_space<vmem>>) semaphore(%dma_start3A_155 : memref<!tpu.dma_semaphore, #tpu.memory_space<semaphore_mem>>)
    %scan3A_156 = arith.constant 0 : i32
    %scan3A_157 = arith.constant 0 : i32
    %scan3A_158 = arith.constant 19 : i32
    %scan3A_159 = arith.addi %scan3A_157, %scan3A_158 : i32
    %scan3A_160 = arith.constant 1 : i32
    scf.for %scan3A_253 = %scan3A_157 to %scan3A_159 step %scan3A_160  : i32 {
      %dma_wait3A_254 = arith.constant 0 : i32
      %dma_wait3A_255 = arith.constant 0 : i32
      %dma_wait3A_256 = arith.constant 0 : i32
      %dma_wait3A_257 = arith.constant 0 : i32
      %dma_wait3A_258 = arith.constant 0 : i32
      %dma_wait3A_259 = tpu.memref_slice %arg10[%dma_wait3A_255, %dma_wait3A_257, %dma_wait3A_258] : memref<2x128x128xf32, #tpu.memory_space<vmem>> -> memref<1x128x128xf32, #tpu.memory_space<vmem>>
      %dma_wait3A_260 = tpu.memref_squeeze %dma_wait3A_259 : memref<1x128x128xf32, #tpu.memory_space<vmem>> -> memref<128x128xf32, #tpu.memory_space<vmem>>
      %dma_wait3A_261 = arith.constant 0 : i32
      %dma_wait3A_262 = tpu.memref_slice %arg8[%dma_wait3A_254, %dma_wait3A_261] : memref<40x128xi32, #tpu.memory_space<vmem>> -> memref<1x128xi32, #tpu.memory_space<vmem>>
      %dma_wait3A_263 = tpu.memref_squeeze %dma_wait3A_262 : memref<1x128xi32, #tpu.memory_space<vmem>> -> memref<128xi32, #tpu.memory_space<vmem>>
      %dma_wait3A_264 = arith.constant 0 : i32
      %dma_wait3A_265 = arith.constant 0 : i32
      %dma_wait3A_266 = tpu.memref_slice %arg2[%dma_wait3A_264, %dma_wait3A_265] : memref<10240x128xf32, #tpu.memory_space<hbm>> -> memref<10240x128xf32, #tpu.memory_space<hbm>>
      %dma_wait3A_267 = tpu.memref_slice %arg11[%dma_wait3A_256] : memref<2x!tpu.dma_semaphore, #tpu.memory_space<semaphore_mem>> -> memref<1x!tpu.dma_semaphore, #tpu.memory_space<semaphore_mem>>
      %dma_wait3A_268 = tpu.memref_squeeze %dma_wait3A_267 : memref<1x!tpu.dma_semaphore, #tpu.memory_space<semaphore_mem>> -> memref<!tpu.dma_semaphore, #tpu.memory_space<semaphore_mem>>
      tpu.wait_indirect_dma semaphore(%dma_wait3A_268 : memref<!tpu.dma_semaphore, #tpu.memory_space<semaphore_mem>>) src(%dma_wait3A_266 : memref<10240x128xf32, #tpu.memory_space<hbm>>) dst(%dma_wait3A_260 : memref<128x128xf32, #tpu.memory_space<vmem>>)
      %mul3A_269 = arith.constant 2 : i32
      %mul3A_270 = arith.muli %scan3A_253, %mul3A_269 : i32
      %add3A_271 = arith.constant 0 : i32
      %add3A_272 = arith.addi %mul3A_270, %add3A_271 : i32
      %dma_start3A_273 = arith.constant 0 : i32
      %dma_start3A_274 = arith.constant 0 : i32
      %dma_start3A_275 = arith.constant 0 : i32
      %dma_start3A_276 = arith.constant 0 : i32
      %dma_start3A_277 = tpu.memref_slice %arg10[%dma_start3A_273, %dma_start3A_275, %dma_start3A_276] : memref<2x128x128xf32, #tpu.memory_space<vmem>> -> memref<1x128x128xf32, #tpu.memory_space<vmem>>
      %dma_start3A_278 = tpu.memref_squeeze %dma_start3A_277 : memref<1x128x128xf32, #tpu.memory_space<vmem>> -> memref<128x128xf32, #tpu.memory_space<vmem>>
      %dma_start3A_279 = arith.constant 0 : i32
      %dma_start3A_280 = tpu.memref_slice %arg9[%add3A_272, %dma_start3A_279] : memref<40x128xi32, #tpu.memory_space<vmem>> -> memref<1x128xi32, #tpu.memory_space<vmem>>
      %dma_start3A_281 = tpu.memref_squeeze %dma_start3A_280 : memref<1x128xi32, #tpu.memory_space<vmem>> -> memref<128xi32, #tpu.memory_space<vmem>>
      %dma_start3A_282 = arith.constant 0 : i32
      %dma_start3A_283 = arith.constant 0 : i32
      %dma_start3A_284 = tpu.memref_slice %arg7[%dma_start3A_282, %dma_start3A_283] : memref<10240x128xf32, #tpu.memory_space<vmem_shared>> -> memref<10240x128xf32, #tpu.memory_space<vmem_shared>>
      %dma_start3A_285 = tpu.memref_slice %arg12[%dma_start3A_274] : memref<2x!tpu.dma_semaphore, #tpu.memory_space<semaphore_mem>> -> memref<1x!tpu.dma_semaphore, #tpu.memory_space<semaphore_mem>>
      %dma_start3A_286 = tpu.memref_squeeze %dma_start3A_285 : memref<1x!tpu.dma_semaphore, #tpu.memory_space<semaphore_mem>> -> memref<!tpu.dma_semaphore, #tpu.memory_space<semaphore_mem>>
      tpu.enqueue_indirect_dma source(%dma_start3A_278 : memref<128x128xf32, #tpu.memory_space<vmem>>) target(%dma_start3A_284 : memref<10240x128xf32, #tpu.memory_space<vmem_shared>>) offsets(%dma_start3A_281 : memref<128xi32, #tpu.memory_space<vmem>>) semaphore(%dma_start3A_286 : memref<!tpu.dma_semaphore, #tpu.memory_space<semaphore_mem>>) {add = true}
      %dma_wait3A_287 = arith.constant 0 : i32
      %dma_wait3A_288 = arith.constant 1 : i32
      %dma_wait3A_289 = arith.constant 1 : i32
      %dma_wait3A_290 = arith.constant 0 : i32
      %dma_wait3A_291 = arith.constant 0 : i32
      %dma_wait3A_292 = tpu.memref_slice %arg10[%dma_wait3A_288, %dma_wait3A_290, %dma_wait3A_291] : memref<2x128x128xf32, #tpu.memory_space<vmem>> -> memref<1x128x128xf32, #tpu.memory_space<vmem>>
      %dma_wait3A_293 = tpu.memref_squeeze %dma_wait3A_292 : memref<1x128x128xf32, #tpu.memory_space<vmem>> -> memref<128x128xf32, #tpu.memory_space<vmem>>
      %dma_wait3A_294 = arith.constant 0 : i32
      %dma_wait3A_295 = tpu.memref_slice %arg8[%dma_wait3A_287, %dma_wait3A_294] : memref<40x128xi32, #tpu.memory_space<vmem>> -> memref<1x128xi32, #tpu.memory_space<vmem>>
      %dma_wait3A_296 = tpu.memref_squeeze %dma_wait3A_295 : memref<1x128xi32, #tpu.memory_space<vmem>> -> memref<128xi32, #tpu.memory_space<vmem>>
      %dma_wait3A_297 = arith.constant 0 : i32
      %dma_wait3A_298 = arith.constant 0 : i32
      %dma_wait3A_299 = tpu.memref_slice %arg2[%dma_wait3A_297, %dma_wait3A_298] : memref<10240x128xf32, #tpu.memory_space<hbm>> -> memref<10240x128xf32, #tpu.memory_space<hbm>>
      %dma_wait3A_300 = tpu.memref_slice %arg11[%dma_wait3A_289] : memref<2x!tpu.dma_semaphore, #tpu.memory_space<semaphore_mem>> -> memref<1x!tpu.dma_semaphore, #tpu.memory_space<semaphore_mem>>
      %dma_wait3A_301 = tpu.memref_squeeze %dma_wait3A_300 : memref<1x!tpu.dma_semaphore, #tpu.memory_space<semaphore_mem>> -> memref<!tpu.dma_semaphore, #tpu.memory_space<semaphore_mem>>
      tpu.wait_indirect_dma semaphore(%dma_wait3A_301 : memref<!tpu.dma_semaphore, #tpu.memory_space<semaphore_mem>>) src(%dma_wait3A_299 : memref<10240x128xf32, #tpu.memory_space<hbm>>) dst(%dma_wait3A_293 : memref<128x128xf32, #tpu.memory_space<vmem>>)
      %mul3A_302 = arith.constant 2 : i32
      %mul3A_303 = arith.muli %scan3A_253, %mul3A_302 : i32
      %add3A_304 = arith.constant 1 : i32
      %add3A_305 = arith.addi %mul3A_303, %add3A_304 : i32
      %dma_start3A_306 = arith.constant 1 : i32
      %dma_start3A_307 = arith.constant 1 : i32
      %dma_start3A_308 = arith.constant 0 : i32
      %dma_start3A_309 = arith.constant 0 : i32
      %dma_start3A_310 = tpu.memref_slice %arg10[%dma_start3A_306, %dma_start3A_308, %dma_start3A_309] : memref<2x128x128xf32, #tpu.memory_space<vmem>> -> memref<1x128x128xf32, #tpu.memory_space<vmem>>
      %dma_start3A_311 = tpu.memref_squeeze %dma_start3A_310 : memref<1x128x128xf32, #tpu.memory_space<vmem>> -> memref<128x128xf32, #tpu.memory_space<vmem>>
      %dma_start3A_312 = arith.constant 0 : i32
      %dma_start3A_313 = tpu.memref_slice %arg9[%add3A_305, %dma_start3A_312] : memref<40x128xi32, #tpu.memory_space<vmem>> -> memref<1x128xi32, #tpu.memory_space<vmem>>
      %dma_start3A_314 = tpu.memref_squeeze %dma_start3A_313 : memref<1x128xi32, #tpu.memory_space<vmem>> -> memref<128xi32, #tpu.memory_space<vmem>>
      %dma_start3A_315 = arith.constant 0 : i32
      %dma_start3A_316 = arith.constant 0 : i32
      %dma_start3A_317 = tpu.memref_slice %arg7[%dma_start3A_315, %dma_start3A_316] : memref<10240x128xf32, #tpu.memory_space<vmem_shared>> -> memref<10240x128xf32, #tpu.memory_space<vmem_shared>>
      %dma_start3A_318 = tpu.memref_slice %arg12[%dma_start3A_307] : memref<2x!tpu.dma_semaphore, #tpu.memory_space<semaphore_mem>> -> memref<1x!tpu.dma_semaphore, #tpu.memory_space<semaphore_mem>>
      %dma_start3A_319 = tpu.memref_squeeze %dma_start3A_318 : memref<1x!tpu.dma_semaphore, #tpu.memory_space<semaphore_mem>> -> memref<!tpu.dma_semaphore, #tpu.memory_space<semaphore_mem>>
      tpu.enqueue_indirect_dma source(%dma_start3A_311 : memref<128x128xf32, #tpu.memory_space<vmem>>) target(%dma_start3A_317 : memref<10240x128xf32, #tpu.memory_space<vmem_shared>>) offsets(%dma_start3A_314 : memref<128xi32, #tpu.memory_space<vmem>>) semaphore(%dma_start3A_319 : memref<!tpu.dma_semaphore, #tpu.memory_space<semaphore_mem>>) {add = true}
      %dma_wait3A_320 = arith.constant 0 : i32
      %dma_wait3A_321 = arith.constant 0 : i32
      %dma_wait3A_322 = arith.constant 0 : i32
      %dma_wait3A_323 = arith.constant 0 : i32
      %dma_wait3A_324 = arith.constant 0 : i32
      %dma_wait3A_325 = tpu.memref_slice %arg10[%dma_wait3A_320, %dma_wait3A_323, %dma_wait3A_324] : memref<2x128x128xf32, #tpu.memory_space<vmem>> -> memref<1x128x128xf32, #tpu.memory_space<vmem>>
      %dma_wait3A_326 = tpu.memref_squeeze %dma_wait3A_325 : memref<1x128x128xf32, #tpu.memory_space<vmem>> -> memref<128x128xf32, #tpu.memory_space<vmem>>
      %dma_wait3A_327 = arith.constant 0 : i32
      %dma_wait3A_328 = tpu.memref_slice %arg9[%dma_wait3A_321, %dma_wait3A_327] : memref<40x128xi32, #tpu.memory_space<vmem>> -> memref<1x128xi32, #tpu.memory_space<vmem>>
      %dma_wait3A_329 = tpu.memref_squeeze %dma_wait3A_328 : memref<1x128xi32, #tpu.memory_space<vmem>> -> memref<128xi32, #tpu.memory_space<vmem>>
      %dma_wait3A_330 = arith.constant 0 : i32
      %dma_wait3A_331 = arith.constant 0 : i32
      %dma_wait3A_332 = tpu.memref_slice %arg7[%dma_wait3A_330, %dma_wait3A_331] : memref<10240x128xf32, #tpu.memory_space<vmem_shared>> -> memref<10240x128xf32, #tpu.memory_space<vmem_shared>>
      %dma_wait3A_333 = tpu.memref_slice %arg12[%dma_wait3A_322] : memref<2x!tpu.dma_semaphore, #tpu.memory_space<semaphore_mem>> -> memref<1x!tpu.dma_semaphore, #tpu.memory_space<semaphore_mem>>
      %dma_wait3A_334 = tpu.memref_squeeze %dma_wait3A_333 : memref<1x!tpu.dma_semaphore, #tpu.memory_space<semaphore_mem>> -> memref<!tpu.dma_semaphore, #tpu.memory_space<semaphore_mem>>
      tpu.wait_indirect_dma semaphore(%dma_wait3A_334 : memref<!tpu.dma_semaphore, #tpu.memory_space<semaphore_mem>>) src(%dma_wait3A_326 : memref<128x128xf32, #tpu.memory_space<vmem>>) dst(%dma_wait3A_332 : memref<10240x128xf32, #tpu.memory_space<vmem_shared>>)
      %add3A_335 = arith.constant 1 : i32
      %add3A_336 = arith.addi %scan3A_253, %add3A_335 : i32
      %mul3A_337 = arith.constant 2 : i32
      %mul3A_338 = arith.muli %add3A_336, %mul3A_337 : i32
      %add3A_339 = arith.constant 0 : i32
      %add3A_340 = arith.addi %mul3A_338, %add3A_339 : i32
      %dma_start3A_341 = arith.constant 0 : i32
      %dma_start3A_342 = arith.constant 0 : i32
      %dma_start3A_343 = arith.constant 0 : i32
      %dma_start3A_344 = arith.constant 0 : i32
      %dma_start3A_345 = tpu.memref_slice %arg10[%dma_start3A_341, %dma_start3A_343, %dma_start3A_344] : memref<2x128x128xf32, #tpu.memory_space<vmem>> -> memref<1x128x128xf32, #tpu.memory_space<vmem>>
      %dma_start3A_346 = tpu.memref_squeeze %dma_start3A_345 : memref<1x128x128xf32, #tpu.memory_space<vmem>> -> memref<128x128xf32, #tpu.memory_space<vmem>>
      %dma_start3A_347 = arith.constant 0 : i32
      %dma_start3A_348 = tpu.memref_slice %arg8[%add3A_340, %dma_start3A_347] : memref<40x128xi32, #tpu.memory_space<vmem>> -> memref<1x128xi32, #tpu.memory_space<vmem>>
      %dma_start3A_349 = tpu.memref_squeeze %dma_start3A_348 : memref<1x128xi32, #tpu.memory_space<vmem>> -> memref<128xi32, #tpu.memory_space<vmem>>
      %dma_start3A_350 = arith.constant 0 : i32
      %dma_start3A_351 = arith.constant 0 : i32
      %dma_start3A_352 = tpu.memref_slice %arg2[%dma_start3A_350, %dma_start3A_351] : memref<10240x128xf32, #tpu.memory_space<hbm>> -> memref<10240x128xf32, #tpu.memory_space<hbm>>
      %dma_start3A_353 = tpu.memref_slice %arg11[%dma_start3A_342] : memref<2x!tpu.dma_semaphore, #tpu.memory_space<semaphore_mem>> -> memref<1x!tpu.dma_semaphore, #tpu.memory_space<semaphore_mem>>
      %dma_start3A_354 = tpu.memref_squeeze %dma_start3A_353 : memref<1x!tpu.dma_semaphore, #tpu.memory_space<semaphore_mem>> -> memref<!tpu.dma_semaphore, #tpu.memory_space<semaphore_mem>>
      tpu.enqueue_indirect_dma source(%dma_start3A_352 : memref<10240x128xf32, #tpu.memory_space<hbm>>) target(%dma_start3A_346 : memref<128x128xf32, #tpu.memory_space<vmem>>) offsets(%dma_start3A_349 : memref<128xi32, #tpu.memory_space<vmem>>) semaphore(%dma_start3A_354 : memref<!tpu.dma_semaphore, #tpu.memory_space<semaphore_mem>>)
      %dma_wait3A_355 = arith.constant 1 : i32
      %dma_wait3A_356 = arith.constant 0 : i32
      %dma_wait3A_357 = arith.constant 1 : i32
      %dma_wait3A_358 = arith.constant 0 : i32
      %dma_wait3A_359 = arith.constant 0 : i32
      %dma_wait3A_360 = tpu.memref_slice %arg10[%dma_wait3A_355, %dma_wait3A_358, %dma_wait3A_359] : memref<2x128x128xf32, #tpu.memory_space<vmem>> -> memref<1x128x128xf32, #tpu.memory_space<vmem>>
      %dma_wait3A_361 = tpu.memref_squeeze %dma_wait3A_360 : memref<1x128x128xf32, #tpu.memory_space<vmem>> -> memref<128x128xf32, #tpu.memory_space<vmem>>
      %dma_wait3A_362 = arith.constant 0 : i32
      %dma_wait3A_363 = tpu.memref_slice %arg9[%dma_wait3A_356, %dma_wait3A_362] : memref<40x128xi32, #tpu.memory_space<vmem>> -> memref<1x128xi32, #tpu.memory_space<vmem>>
      %dma_wait3A_364 = tpu.memref_squeeze %dma_wait3A_363 : memref<1x128xi32, #tpu.memory_space<vmem>> -> memref<128xi32, #tpu.memory_space<vmem>>
      %dma_wait3A_365 = arith.constant 0 : i32
      %dma_wait3A_366 = arith.constant 0 : i32
      %dma_wait3A_367 = tpu.memref_slice %arg7[%dma_wait3A_365, %dma_wait3A_366] : memref<10240x128xf32, #tpu.memory_space<vmem_shared>> -> memref<10240x128xf32, #tpu.memory_space<vmem_shared>>
      %dma_wait3A_368 = tpu.memref_slice %arg12[%dma_wait3A_357] : memref<2x!tpu.dma_semaphore, #tpu.memory_space<semaphore_mem>> -> memref<1x!tpu.dma_semaphore, #tpu.memory_space<semaphore_mem>>
      %dma_wait3A_369 = tpu.memref_squeeze %dma_wait3A_368 : memref<1x!tpu.dma_semaphore, #tpu.memory_space<semaphore_mem>> -> memref<!tpu.dma_semaphore, #tpu.memory_space<semaphore_mem>>
      tpu.wait_indirect_dma semaphore(%dma_wait3A_369 : memref<!tpu.dma_semaphore, #tpu.memory_space<semaphore_mem>>) src(%dma_wait3A_361 : memref<128x128xf32, #tpu.memory_space<vmem>>) dst(%dma_wait3A_367 : memref<10240x128xf32, #tpu.memory_space<vmem_shared>>)
      %add3A_370 = arith.constant 1 : i32
      %add3A_371 = arith.addi %scan3A_253, %add3A_370 : i32
      %mul3A_372 = arith.constant 2 : i32
      %mul3A_373 = arith.muli %add3A_371, %mul3A_372 : i32
      %add3A_374 = arith.constant 1 : i32
      %add3A_375 = arith.addi %mul3A_373, %add3A_374 : i32
      %dma_start3A_376 = arith.constant 1 : i32
      %dma_start3A_377 = arith.constant 1 : i32
      %dma_start3A_378 = arith.constant 0 : i32
      %dma_start3A_379 = arith.constant 0 : i32
      %dma_start3A_380 = tpu.memref_slice %arg10[%dma_start3A_376, %dma_start3A_378, %dma_start3A_379] : memref<2x128x128xf32, #tpu.memory_space<vmem>> -> memref<1x128x128xf32, #tpu.memory_space<vmem>>
      %dma_start3A_381 = tpu.memref_squeeze %dma_start3A_380 : memref<1x128x128xf32, #tpu.memory_space<vmem>> -> memref<128x128xf32, #tpu.memory_space<vmem>>
      %dma_start3A_382 = arith.constant 0 : i32
      %dma_start3A_383 = tpu.memref_slice %arg8[%add3A_375, %dma_start3A_382] : memref<40x128xi32, #tpu.memory_space<vmem>> -> memref<1x128xi32, #tpu.memory_space<vmem>>
      %dma_start3A_384 = tpu.memref_squeeze %dma_start3A_383 : memref<1x128xi32, #tpu.memory_space<vmem>> -> memref<128xi32, #tpu.memory_space<vmem>>
      %dma_start3A_385 = arith.constant 0 : i32
      %dma_start3A_386 = arith.constant 0 : i32
      %dma_start3A_387 = tpu.memref_slice %arg2[%dma_start3A_385, %dma_start3A_386] : memref<10240x128xf32, #tpu.memory_space<hbm>> -> memref<10240x128xf32, #tpu.memory_space<hbm>>
      %dma_start3A_388 = tpu.memref_slice %arg11[%dma_start3A_377] : memref<2x!tpu.dma_semaphore, #tpu.memory_space<semaphore_mem>> -> memref<1x!tpu.dma_semaphore, #tpu.memory_space<semaphore_mem>>
      %dma_start3A_389 = tpu.memref_squeeze %dma_start3A_388 : memref<1x!tpu.dma_semaphore, #tpu.memory_space<semaphore_mem>> -> memref<!tpu.dma_semaphore, #tpu.memory_space<semaphore_mem>>
      tpu.enqueue_indirect_dma source(%dma_start3A_387 : memref<10240x128xf32, #tpu.memory_space<hbm>>) target(%dma_start3A_381 : memref<128x128xf32, #tpu.memory_space<vmem>>) offsets(%dma_start3A_384 : memref<128xi32, #tpu.memory_space<vmem>>) semaphore(%dma_start3A_389 : memref<!tpu.dma_semaphore, #tpu.memory_space<semaphore_mem>>)
    }
    %scan3A_161 = arith.constant 19 : i32
    %dma_wait3A_162 = arith.constant 0 : i32
    %dma_wait3A_163 = arith.constant 0 : i32
    %dma_wait3A_164 = arith.constant 0 : i32
    %dma_wait3A_165 = arith.constant 0 : i32
    %dma_wait3A_166 = arith.constant 0 : i32
    %dma_wait3A_167 = tpu.memref_slice %arg10[%dma_wait3A_163, %dma_wait3A_165, %dma_wait3A_166] : memref<2x128x128xf32, #tpu.memory_space<vmem>> -> memref<1x128x128xf32, #tpu.memory_space<vmem>>
    %dma_wait3A_168 = tpu.memref_squeeze %dma_wait3A_167 : memref<1x128x128xf32, #tpu.memory_space<vmem>> -> memref<128x128xf32, #tpu.memory_space<vmem>>
    %dma_wait3A_169 = arith.constant 0 : i32
    %dma_wait3A_170 = tpu.memref_slice %arg8[%dma_wait3A_162, %dma_wait3A_169] : memref<40x128xi32, #tpu.memory_space<vmem>> -> memref<1x128xi32, #tpu.memory_space<vmem>>
    %dma_wait3A_171 = tpu.memref_squeeze %dma_wait3A_170 : memref<1x128xi32, #tpu.memory_space<vmem>> -> memref<128xi32, #tpu.memory_space<vmem>>
    %dma_wait3A_172 = arith.constant 0 : i32
    %dma_wait3A_173 = arith.constant 0 : i32
    %dma_wait3A_174 = tpu.memref_slice %arg2[%dma_wait3A_172, %dma_wait3A_173] : memref<10240x128xf32, #tpu.memory_space<hbm>> -> memref<10240x128xf32, #tpu.memory_space<hbm>>
    %dma_wait3A_175 = tpu.memref_slice %arg11[%dma_wait3A_164] : memref<2x!tpu.dma_semaphore, #tpu.memory_space<semaphore_mem>> -> memref<1x!tpu.dma_semaphore, #tpu.memory_space<semaphore_mem>>
    %dma_wait3A_176 = tpu.memref_squeeze %dma_wait3A_175 : memref<1x!tpu.dma_semaphore, #tpu.memory_space<semaphore_mem>> -> memref<!tpu.dma_semaphore, #tpu.memory_space<semaphore_mem>>
    tpu.wait_indirect_dma semaphore(%dma_wait3A_176 : memref<!tpu.dma_semaphore, #tpu.memory_space<semaphore_mem>>) src(%dma_wait3A_174 : memref<10240x128xf32, #tpu.memory_space<hbm>>) dst(%dma_wait3A_168 : memref<128x128xf32, #tpu.memory_space<vmem>>)
    %dma_start3A_177 = arith.constant 0 : i32
    %dma_start3A_178 = arith.constant 38 : i32
    %dma_start3A_179 = arith.constant 0 : i32
    %dma_start3A_180 = arith.constant 0 : i32
    %dma_start3A_181 = arith.constant 0 : i32
    %dma_start3A_182 = tpu.memref_slice %arg10[%dma_start3A_177, %dma_start3A_180, %dma_start3A_181] : memref<2x128x128xf32, #tpu.memory_space<vmem>> -> memref<1x128x128xf32, #tpu.memory_space<vmem>>
    %dma_start3A_183 = tpu.memref_squeeze %dma_start3A_182 : memref<1x128x128xf32, #tpu.memory_space<vmem>> -> memref<128x128xf32, #tpu.memory_space<vmem>>
    %dma_start3A_184 = arith.constant 0 : i32
    %dma_start3A_185 = tpu.memref_slice %arg9[%dma_start3A_178, %dma_start3A_184] : memref<40x128xi32, #tpu.memory_space<vmem>> -> memref<1x128xi32, #tpu.memory_space<vmem>>
    %dma_start3A_186 = tpu.memref_squeeze %dma_start3A_185 : memref<1x128xi32, #tpu.memory_space<vmem>> -> memref<128xi32, #tpu.memory_space<vmem>>
    %dma_start3A_187 = arith.constant 0 : i32
    %dma_start3A_188 = arith.constant 0 : i32
    %dma_start3A_189 = tpu.memref_slice %arg7[%dma_start3A_187, %dma_start3A_188] : memref<10240x128xf32, #tpu.memory_space<vmem_shared>> -> memref<10240x128xf32, #tpu.memory_space<vmem_shared>>
    %dma_start3A_190 = tpu.memref_slice %arg12[%dma_start3A_179] : memref<2x!tpu.dma_semaphore, #tpu.memory_space<semaphore_mem>> -> memref<1x!tpu.dma_semaphore, #tpu.memory_space<semaphore_mem>>
    %dma_start3A_191 = tpu.memref_squeeze %dma_start3A_190 : memref<1x!tpu.dma_semaphore, #tpu.memory_space<semaphore_mem>> -> memref<!tpu.dma_semaphore, #tpu.memory_space<semaphore_mem>>
    tpu.enqueue_indirect_dma source(%dma_start3A_183 : memref<128x128xf32, #tpu.memory_space<vmem>>) target(%dma_start3A_189 : memref<10240x128xf32, #tpu.memory_space<vmem_shared>>) offsets(%dma_start3A_186 : memref<128xi32, #tpu.memory_space<vmem>>) semaphore(%dma_start3A_191 : memref<!tpu.dma_semaphore, #tpu.memory_space<semaphore_mem>>) {add = true}
    %dma_wait3A_192 = arith.constant 0 : i32
    %dma_wait3A_193 = arith.constant 1 : i32
    %dma_wait3A_194 = arith.constant 1 : i32
    %dma_wait3A_195 = arith.constant 0 : i32
    %dma_wait3A_196 = arith.constant 0 : i32
    %dma_wait3A_197 = tpu.memref_slice %arg10[%dma_wait3A_193, %dma_wait3A_195, %dma_wait3A_196] : memref<2x128x128xf32, #tpu.memory_space<vmem>> -> memref<1x128x128xf32, #tpu.memory_space<vmem>>
    %dma_wait3A_198 = tpu.memref_squeeze %dma_wait3A_197 : memref<1x128x128xf32, #tpu.memory_space<vmem>> -> memref<128x128xf32, #tpu.memory_space<vmem>>
    %dma_wait3A_199 = arith.constant 0 : i32
    %dma_wait3A_200 = tpu.memref_slice %arg8[%dma_wait3A_192, %dma_wait3A_199] : memref<40x128xi32, #tpu.memory_space<vmem>> -> memref<1x128xi32, #tpu.memory_space<vmem>>
    %dma_wait3A_201 = tpu.memref_squeeze %dma_wait3A_200 : memref<1x128xi32, #tpu.memory_space<vmem>> -> memref<128xi32, #tpu.memory_space<vmem>>
    %dma_wait3A_202 = arith.constant 0 : i32
    %dma_wait3A_203 = arith.constant 0 : i32
    %dma_wait3A_204 = tpu.memref_slice %arg2[%dma_wait3A_202, %dma_wait3A_203] : memref<10240x128xf32, #tpu.memory_space<hbm>> -> memref<10240x128xf32, #tpu.memory_space<hbm>>
    %dma_wait3A_205 = tpu.memref_slice %arg11[%dma_wait3A_194] : memref<2x!tpu.dma_semaphore, #tpu.memory_space<semaphore_mem>> -> memref<1x!tpu.dma_semaphore, #tpu.memory_space<semaphore_mem>>
    %dma_wait3A_206 = tpu.memref_squeeze %dma_wait3A_205 : memref<1x!tpu.dma_semaphore, #tpu.memory_space<semaphore_mem>> -> memref<!tpu.dma_semaphore, #tpu.memory_space<semaphore_mem>>
    tpu.wait_indirect_dma semaphore(%dma_wait3A_206 : memref<!tpu.dma_semaphore, #tpu.memory_space<semaphore_mem>>) src(%dma_wait3A_204 : memref<10240x128xf32, #tpu.memory_space<hbm>>) dst(%dma_wait3A_198 : memref<128x128xf32, #tpu.memory_space<vmem>>)
    %dma_start3A_207 = arith.constant 1 : i32
    %dma_start3A_208 = arith.constant 39 : i32
    %dma_start3A_209 = arith.constant 1 : i32
    %dma_start3A_210 = arith.constant 0 : i32
    %dma_start3A_211 = arith.constant 0 : i32
    %dma_start3A_212 = tpu.memref_slice %arg10[%dma_start3A_207, %dma_start3A_210, %dma_start3A_211] : memref<2x128x128xf32, #tpu.memory_space<vmem>> -> memref<1x128x128xf32, #tpu.memory_space<vmem>>
    %dma_start3A_213 = tpu.memref_squeeze %dma_start3A_212 : memref<1x128x128xf32, #tpu.memory_space<vmem>> -> memref<128x128xf32, #tpu.memory_space<vmem>>
    %dma_start3A_214 = arith.constant 0 : i32
    %dma_start3A_215 = tpu.memref_slice %arg9[%dma_start3A_208, %dma_start3A_214] : memref<40x128xi32, #tpu.memory_space<vmem>> -> memref<1x128xi32, #tpu.memory_space<vmem>>
    %dma_start3A_216 = tpu.memref_squeeze %dma_start3A_215 : memref<1x128xi32, #tpu.memory_space<vmem>> -> memref<128xi32, #tpu.memory_space<vmem>>
    %dma_start3A_217 = arith.constant 0 : i32
    %dma_start3A_218 = arith.constant 0 : i32
    %dma_start3A_219 = tpu.memref_slice %arg7[%dma_start3A_217, %dma_start3A_218] : memref<10240x128xf32, #tpu.memory_space<vmem_shared>> -> memref<10240x128xf32, #tpu.memory_space<vmem_shared>>
    %dma_start3A_220 = tpu.memref_slice %arg12[%dma_start3A_209] : memref<2x!tpu.dma_semaphore, #tpu.memory_space<semaphore_mem>> -> memref<1x!tpu.dma_semaphore, #tpu.memory_space<semaphore_mem>>
    %dma_start3A_221 = tpu.memref_squeeze %dma_start3A_220 : memref<1x!tpu.dma_semaphore, #tpu.memory_space<semaphore_mem>> -> memref<!tpu.dma_semaphore, #tpu.memory_space<semaphore_mem>>
    tpu.enqueue_indirect_dma source(%dma_start3A_213 : memref<128x128xf32, #tpu.memory_space<vmem>>) target(%dma_start3A_219 : memref<10240x128xf32, #tpu.memory_space<vmem_shared>>) offsets(%dma_start3A_216 : memref<128xi32, #tpu.memory_space<vmem>>) semaphore(%dma_start3A_221 : memref<!tpu.dma_semaphore, #tpu.memory_space<semaphore_mem>>) {add = true}
    %dma_wait3A_222 = arith.constant 0 : i32
    %dma_wait3A_223 = arith.constant 0 : i32
    %dma_wait3A_224 = arith.constant 0 : i32
    %dma_wait3A_225 = arith.constant 0 : i32
    %dma_wait3A_226 = arith.constant 0 : i32
    %dma_wait3A_227 = tpu.memref_slice %arg10[%dma_wait3A_222, %dma_wait3A_225, %dma_wait3A_226] : memref<2x128x128xf32, #tpu.memory_space<vmem>> -> memref<1x128x128xf32, #tpu.memory_space<vmem>>
    %dma_wait3A_228 = tpu.memref_squeeze %dma_wait3A_227 : memref<1x128x128xf32, #tpu.memory_space<vmem>> -> memref<128x128xf32, #tpu.memory_space<vmem>>
    %dma_wait3A_229 = arith.constant 0 : i32
    %dma_wait3A_230 = tpu.memref_slice %arg9[%dma_wait3A_223, %dma_wait3A_229] : memref<40x128xi32, #tpu.memory_space<vmem>> -> memref<1x128xi32, #tpu.memory_space<vmem>>
    %dma_wait3A_231 = tpu.memref_squeeze %dma_wait3A_230 : memref<1x128xi32, #tpu.memory_space<vmem>> -> memref<128xi32, #tpu.memory_space<vmem>>
    %dma_wait3A_232 = arith.constant 0 : i32
    %dma_wait3A_233 = arith.constant 0 : i32
    %dma_wait3A_234 = tpu.memref_slice %arg7[%dma_wait3A_232, %dma_wait3A_233] : memref<10240x128xf32, #tpu.memory_space<vmem_shared>> -> memref<10240x128xf32, #tpu.memory_space<vmem_shared>>
    %dma_wait3A_235 = tpu.memref_slice %arg12[%dma_wait3A_224] : memref<2x!tpu.dma_semaphore, #tpu.memory_space<semaphore_mem>> -> memref<1x!tpu.dma_semaphore, #tpu.memory_space<semaphore_mem>>
    %dma_wait3A_236 = tpu.memref_squeeze %dma_wait3A_235 : memref<1x!tpu.dma_semaphore, #tpu.memory_space<semaphore_mem>> -> memref<!tpu.dma_semaphore, #tpu.memory_space<semaphore_mem>>
    tpu.wait_indirect_dma semaphore(%dma_wait3A_236 : memref<!tpu.dma_semaphore, #tpu.memory_space<semaphore_mem>>) src(%dma_wait3A_228 : memref<128x128xf32, #tpu.memory_space<vmem>>) dst(%dma_wait3A_234 : memref<10240x128xf32, #tpu.memory_space<vmem_shared>>)
    %dma_wait3A_237 = arith.constant 1 : i32
    %dma_wait3A_238 = arith.constant 0 : i32
    %dma_wait3A_239 = arith.constant 1 : i32
    %dma_wait3A_240 = arith.constant 0 : i32
    %dma_wait3A_241 = arith.constant 0 : i32
    %dma_wait3A_242 = tpu.memref_slice %arg10[%dma_wait3A_237, %dma_wait3A_240, %dma_wait3A_241] : memref<2x128x128xf32, #tpu.memory_space<vmem>> -> memref<1x128x128xf32, #tpu.memory_space<vmem>>
    %dma_wait3A_243 = tpu.memref_squeeze %dma_wait3A_242 : memref<1x128x128xf32, #tpu.memory_space<vmem>> -> memref<128x128xf32, #tpu.memory_space<vmem>>
    %dma_wait3A_244 = arith.constant 0 : i32
    %dma_wait3A_245 = tpu.memref_slice %arg9[%dma_wait3A_238, %dma_wait3A_244] : memref<40x128xi32, #tpu.memory_space<vmem>> -> memref<1x128xi32, #tpu.memory_space<vmem>>
    %dma_wait3A_246 = tpu.memref_squeeze %dma_wait3A_245 : memref<1x128xi32, #tpu.memory_space<vmem>> -> memref<128xi32, #tpu.memory_space<vmem>>
    %dma_wait3A_247 = arith.constant 0 : i32
    %dma_wait3A_248 = arith.constant 0 : i32
    %dma_wait3A_249 = tpu.memref_slice %arg7[%dma_wait3A_247, %dma_wait3A_248] : memref<10240x128xf32, #tpu.memory_space<vmem_shared>> -> memref<10240x128xf32, #tpu.memory_space<vmem_shared>>
    %dma_wait3A_250 = tpu.memref_slice %arg12[%dma_wait3A_239] : memref<2x!tpu.dma_semaphore, #tpu.memory_space<semaphore_mem>> -> memref<1x!tpu.dma_semaphore, #tpu.memory_space<semaphore_mem>>
    %dma_wait3A_251 = tpu.memref_squeeze %dma_wait3A_250 : memref<1x!tpu.dma_semaphore, #tpu.memory_space<semaphore_mem>> -> memref<!tpu.dma_semaphore, #tpu.memory_space<semaphore_mem>>
    tpu.wait_indirect_dma semaphore(%dma_wait3A_251 : memref<!tpu.dma_semaphore, #tpu.memory_space<semaphore_mem>>) src(%dma_wait3A_243 : memref<128x128xf32, #tpu.memory_space<vmem>>) dst(%dma_wait3A_249 : memref<10240x128xf32, #tpu.memory_space<vmem_shared>>)
    %barrier3A_252 = arith.constant 0 : index
    tpu.barrier barrier_id(%barrier3A_252)
    "tpu.region"() ({
      %run_scoped3A = tpu.sem_alloc : memref<!tpu.dma_semaphore, #tpu.memory_space<semaphore_mem>>
      %dma_start3A_253 = arith.constant 0 : i32
      %dma_start3A_254 = tpu.memref_slice %arg6[%arg0, %mul3A_2, %dma_start3A_253] : memref<2x10240x128xf32, #tpu.memory_space<hbm>> -> memref<1x640x128xf32, #tpu.memory_space<hbm>>
      %dma_start3A_255 = tpu.memref_squeeze %dma_start3A_254 : memref<1x640x128xf32, #tpu.memory_space<hbm>> -> memref<640x128xf32, #tpu.memory_space<hbm>>
      %dma_start3A_256 = arith.constant 0 : i32
      %dma_start3A_257 = tpu.memref_slice %arg7[%mul3A_2, %dma_start3A_256] : memref<10240x128xf32, #tpu.memory_space<vmem_shared>> -> memref<640x128xf32, #tpu.memory_space<vmem_shared>>
      tpu.enqueue_dma source(%dma_start3A_257 : memref<640x128xf32, #tpu.memory_space<vmem_shared>>) target(%dma_start3A_255 : memref<640x128xf32, #tpu.memory_space<hbm>>) target_semaphore(%run_scoped3A : memref<!tpu.dma_semaphore, #tpu.memory_space<semaphore_mem>>)
      %dma_wait3A_258 = arith.constant 0 : i32
      %dma_wait3A_259 = tpu.memref_slice %arg6[%arg0, %mul3A_2, %dma_wait3A_258] : memref<2x10240x128xf32, #tpu.memory_space<hbm>> -> memref<1x640x128xf32, #tpu.memory_space<hbm>>
      %dma_wait3A_260 = tpu.memref_squeeze %dma_wait3A_259 : memref<1x640x128xf32, #tpu.memory_space<hbm>> -> memref<640x128xf32, #tpu.memory_space<hbm>>
      %dma_wait3A_261 = arith.constant 0 : i32
      %dma_wait3A_262 = tpu.memref_slice %arg7[%mul3A_2, %dma_wait3A_261] : memref<10240x128xf32, #tpu.memory_space<vmem_shared>> -> memref<640x128xf32, #tpu.memory_space<vmem_shared>>
      tpu.wait_dma2 semaphore(%run_scoped3A : memref<!tpu.dma_semaphore, #tpu.memory_space<semaphore_mem>>) src(%dma_wait3A_262 : memref<640x128xf32, #tpu.memory_space<vmem_shared>>) dst(%dma_wait3A_260 : memref<640x128xf32, #tpu.memory_space<hbm>>)
      tpu.yield
    }) : () -> ()
    return
  }
}

module attributes {stable_mosaic.version = 14 : i64} {
  func.func @_lin_relu_body(%arg0: i32, %arg1: memref<1000x128xf32, #tpu.memory_space<vmem>>, %arg2: memref<128x128xf32, #tpu.memory_space<vmem>>, %arg3: memref<1x128xf32, #tpu.memory_space<vmem>>, %arg4: memref<1000x128xf32, #tpu.memory_space<vmem>>) attributes {dimension_semantics = [#tpu.dimension_semantics<arbitrary>], iteration_bounds = array<i64: 10>, scalar_prefetch = 0 : i64, scratch_operands = 0 : i64, tpu.core_type = #tpu.core_type<tc>, window_params = [{transform_indices = @transform_0, window_bounds = array<i64: 1000, 128>}, {pipeline_mode = #tpu.pipeline_mode<synchronous>, transform_indices = @transform_1, window_bounds = array<i64: 128, 128>}, {pipeline_mode = #tpu.pipeline_mode<synchronous>, transform_indices = @transform_2, window_bounds = array<i64: 1, 128>}, {transform_indices = @transform_3, window_bounds = array<i64: 1000, 128>}]} {
    %get3A = arith.constant 0 : index
    %get3A_0 = arith.constant 0 : index
    %get3A_1 = vector.load %arg1[%get3A, %get3A_0] : memref<1000x128xf32, #tpu.memory_space<vmem>>, vector<1000x128xf32>
    %get3A_2 = arith.constant 0 : index
    %get3A_3 = arith.constant 0 : index
    %get3A_4 = vector.load %arg2[%get3A_2, %get3A_3] : memref<128x128xf32, #tpu.memory_space<vmem>>, vector<128x128xf32>
    %dot_general3A = arith.constant dense<0.000000e+00> : vector<1000x128xf32>
    %dot_general3A_5 = tpu.matmul %get3A_1, %get3A_4, %dot_general3A {dimension_numbers = #tpu.dot_dimension_numbers<[1], [0], [0], [1], [0, 0, 1, 1], [], []>, transpose_lhs_hint = false} : vector<1000x128xf32>, vector<128x128xf32>, vector<1000x128xf32> -> vector<1000x128xf32>
    %get3A_6 = arith.constant 0 : index
    %get3A_7 = arith.constant 0 : index
    %get3A_8 = vector.load %arg3[%get3A_6, %get3A_7] : memref<1x128xf32, #tpu.memory_space<vmem>>, vector<1x128xf32>
    %add3A = vector.broadcast %get3A_8 : vector<1x128xf32> to vector<1000x128xf32>
    %add3A_9 = arith.addf %dot_general3A_5, %add3A : vector<1000x128xf32>
    %max3A = arith.constant 0.000000e+00 : f32
    %max3A_10 = vector.broadcast %max3A : f32 to vector<1000x128xf32>
    %max3A_11 = arith.maximumf %add3A_9, %max3A_10 : vector<1000x128xf32>
    %swap3A = arith.constant 0 : index
    %swap3A_12 = arith.constant 0 : index
    %swap3A_13 = vector.load %arg4[%swap3A, %swap3A_12] : memref<1000x128xf32, #tpu.memory_space<vmem>>, vector<1000x128xf32>
    tpu.vector_store %arg4[%swap3A, %swap3A_12], %max3A_11 {strides = array<i32>} : memref<1000x128xf32, #tpu.memory_space<vmem>>, vector<1000x128xf32>,
    return
  }
  func.func @transform_0(%arg0: i32) -> (i32, i32) {
    %c0_i32 = arith.constant 0 : i32
    %c0_i32_0 = arith.constant 0 : i32
    return %arg0, %c0_i32 : i32, i32
  }
  func.func @transform_1(%arg0: i32) -> (i32, i32) {
    %c0_i32 = arith.constant 0 : i32
    %c0_i32_0 = arith.constant 0 : i32
    %c0_i32_1 = arith.constant 0 : i32
    return %c0_i32, %c0_i32_0 : i32, i32
  }
  func.func @transform_2(%arg0: i32) -> (i32, i32) {
    %c0_i32 = arith.constant 0 : i32
    %c0_i32_0 = arith.constant 0 : i32
    %c0_i32_1 = arith.constant 0 : i32
    return %c0_i32, %c0_i32_0 : i32, i32
  }
  func.func @transform_3(%arg0: i32) -> (i32, i32) {
    %c0_i32 = arith.constant 0 : i32
    %c0_i32_0 = arith.constant 0 : i32
    return %arg0, %c0_i32 : i32, i32
  }
}

module attributes {stable_mosaic.version = 14 : i64} {
  func.func @_final_body(%arg0: i32, %arg1: memref<2x1000x128xf32, #tpu.memory_space<vmem>>, %arg2: memref<2x1000x1xf32, #tpu.memory_space<vmem>>, %arg3: memref<128x128xf32, #tpu.memory_space<vmem>>, %arg4: memref<1x128xf32, #tpu.memory_space<vmem>>, %arg5: memref<128x64xf32, #tpu.memory_space<vmem>>, %arg6: memref<1x64xf32, #tpu.memory_space<vmem>>, %arg7: memref<64x2xf32, #tpu.memory_space<vmem>>, %arg8: memref<1x2xf32, #tpu.memory_space<vmem>>, %arg9: memref<1000x2xf32, #tpu.memory_space<vmem>>) attributes {dimension_semantics = [#tpu.dimension_semantics<arbitrary>], iteration_bounds = array<i64: 10>, scalar_prefetch = 0 : i64, scratch_operands = 0 : i64, tpu.core_type = #tpu.core_type<tc>, window_params = [{transform_indices = @transform_0, window_bounds = array<i64: 2, 1000, 128>}, {transform_indices = @transform_1, window_bounds = array<i64: 2, 1000, 1>}, {pipeline_mode = #tpu.pipeline_mode<synchronous>, transform_indices = @transform_2, window_bounds = array<i64: 128, 128>}, {pipeline_mode = #tpu.pipeline_mode<synchronous>, transform_indices = @transform_3, window_bounds = array<i64: 1, 128>}, {pipeline_mode = #tpu.pipeline_mode<synchronous>, transform_indices = @transform_4, window_bounds = array<i64: 128, 64>}, {pipeline_mode = #tpu.pipeline_mode<synchronous>, transform_indices = @transform_5, window_bounds = array<i64: 1, 64>}, {pipeline_mode = #tpu.pipeline_mode<synchronous>, transform_indices = @transform_6, window_bounds = array<i64: 64, 2>}, {pipeline_mode = #tpu.pipeline_mode<synchronous>, transform_indices = @transform_7, window_bounds = array<i64: 1, 2>}, {transform_indices = @transform_8, window_bounds = array<i64: 1000, 2>}]} {
    %get3A = arith.constant 0 : index
    %get3A_0 = arith.constant 0 : index
    %get3A_1 = arith.constant 0 : index
    %get3A_2 = vector.load %arg2[%get3A, %get3A_0, %get3A_1] : memref<2x1000x1xf32, #tpu.memory_space<vmem>>, vector<1x1000x1xf32>
    %get3A_3 = vector.shape_cast %get3A_2 : vector<1x1000x1xf32> to vector<1000x1xf32>
    %get3A_4 = arith.constant 1 : index
    %get3A_5 = arith.constant 0 : index
    %get3A_6 = arith.constant 0 : index
    %get3A_7 = vector.load %arg2[%get3A_4, %get3A_5, %get3A_6] : memref<2x1000x1xf32, #tpu.memory_space<vmem>>, vector<1x1000x1xf32>
    %get3A_8 = vector.shape_cast %get3A_7 : vector<1x1000x1xf32> to vector<1000x1xf32>
    %add3A = arith.addf %get3A_3, %get3A_8 : vector<1000x1xf32>
    %get3A_9 = arith.constant 0 : index
    %get3A_10 = arith.constant 0 : index
    %get3A_11 = arith.constant 0 : index
    %get3A_12 = vector.load %arg1[%get3A_9, %get3A_10, %get3A_11] : memref<2x1000x128xf32, #tpu.memory_space<vmem>>, vector<1x1000x128xf32>
    %get3A_13 = vector.shape_cast %get3A_12 : vector<1x1000x128xf32> to vector<1000x128xf32>
    %get3A_14 = arith.constant 1 : index
    %get3A_15 = arith.constant 0 : index
    %get3A_16 = arith.constant 0 : index
    %get3A_17 = vector.load %arg1[%get3A_14, %get3A_15, %get3A_16] : memref<2x1000x128xf32, #tpu.memory_space<vmem>>, vector<1x1000x128xf32>
    %get3A_18 = vector.shape_cast %get3A_17 : vector<1x1000x128xf32> to vector<1000x128xf32>
    %add3A_19 = arith.addf %get3A_13, %get3A_18 : vector<1000x128xf32>
    %max3A = arith.constant 1.000000e+00 : f32
    %max3A_20 = vector.broadcast %max3A : f32 to vector<1000x1xf32>
    %max3A_21 = arith.maximumf %add3A, %max3A_20 : vector<1000x1xf32>
    %div3A = vector.broadcast %max3A_21 : vector<1000x1xf32> to vector<1000x128xf32>
    %div3A_22 = arith.divf %add3A_19, %div3A : vector<1000x128xf32>
    %get3A_23 = arith.constant 0 : index
    %get3A_24 = arith.constant 0 : index
    %get3A_25 = vector.load %arg3[%get3A_23, %get3A_24] : memref<128x128xf32, #tpu.memory_space<vmem>>, vector<128x128xf32>
    %dot_general3A = arith.constant dense<0.000000e+00> : vector<1000x128xf32>
    %dot_general3A_26 = tpu.matmul %div3A_22, %get3A_25, %dot_general3A {dimension_numbers = #tpu.dot_dimension_numbers<[1], [0], [0], [1], [0, 0, 1, 1], [], []>, transpose_lhs_hint = false} : vector<1000x128xf32>, vector<128x128xf32>, vector<1000x128xf32> -> vector<1000x128xf32>
    %get3A_27 = arith.constant 0 : index
    %get3A_28 = arith.constant 0 : index
    %get3A_29 = vector.load %arg4[%get3A_27, %get3A_28] : memref<1x128xf32, #tpu.memory_space<vmem>>, vector<1x128xf32>
    %add3A_30 = vector.broadcast %get3A_29 : vector<1x128xf32> to vector<1000x128xf32>
    %add3A_31 = arith.addf %dot_general3A_26, %add3A_30 : vector<1000x128xf32>
    %get3A_32 = arith.constant 0 : index
    %get3A_33 = arith.constant 0 : index
    %get3A_34 = vector.load %arg5[%get3A_32, %get3A_33] : memref<128x64xf32, #tpu.memory_space<vmem>>, vector<128x64xf32>
    %dot_general3A_35 = arith.constant dense<0.000000e+00> : vector<1000x64xf32>
    %dot_general3A_36 = tpu.matmul %add3A_31, %get3A_34, %dot_general3A_35 {dimension_numbers = #tpu.dot_dimension_numbers<[1], [0], [0], [1], [0, 0, 1, 1], [], []>, transpose_lhs_hint = false} : vector<1000x128xf32>, vector<128x64xf32>, vector<1000x64xf32> -> vector<1000x64xf32>
    %get3A_37 = arith.constant 0 : index
    %get3A_38 = arith.constant 0 : index
    %get3A_39 = vector.load %arg6[%get3A_37, %get3A_38] : memref<1x64xf32, #tpu.memory_space<vmem>>, vector<1x64xf32>
    %add3A_40 = vector.broadcast %get3A_39 : vector<1x64xf32> to vector<1000x64xf32>
    %add3A_41 = arith.addf %dot_general3A_36, %add3A_40 : vector<1000x64xf32>
    %max3A_42 = arith.constant 0.000000e+00 : f32
    %max3A_43 = vector.broadcast %max3A_42 : f32 to vector<1000x64xf32>
    %max3A_44 = arith.maximumf %add3A_41, %max3A_43 : vector<1000x64xf32>
    %get3A_45 = arith.constant 0 : index
    %get3A_46 = arith.constant 0 : index
    %get3A_47 = vector.load %arg7[%get3A_45, %get3A_46] : memref<64x2xf32, #tpu.memory_space<vmem>>, vector<64x2xf32>
    %dot_general3A_48 = arith.constant dense<0.000000e+00> : vector<1000x2xf32>
    %dot_general3A_49 = tpu.matmul %max3A_44, %get3A_47, %dot_general3A_48 {dimension_numbers = #tpu.dot_dimension_numbers<[1], [0], [0], [1], [0, 0, 1, 1], [], []>, transpose_lhs_hint = false} : vector<1000x64xf32>, vector<64x2xf32>, vector<1000x2xf32> -> vector<1000x2xf32>
    %get3A_50 = arith.constant 0 : index
    %get3A_51 = arith.constant 0 : index
    %get3A_52 = vector.load %arg8[%get3A_50, %get3A_51] : memref<1x2xf32, #tpu.memory_space<vmem>>, vector<1x2xf32>
    %add3A_53 = vector.broadcast %get3A_52 : vector<1x2xf32> to vector<1000x2xf32>
    %add3A_54 = arith.addf %dot_general3A_49, %add3A_53 : vector<1000x2xf32>
    %swap3A = arith.constant 0 : index
    %swap3A_55 = arith.constant 0 : index
    %swap3A_56 = vector.load %arg9[%swap3A, %swap3A_55] : memref<1000x2xf32, #tpu.memory_space<vmem>>, vector<1000x2xf32>
    tpu.vector_store %arg9[%swap3A, %swap3A_55], %add3A_54 {strides = array<i32>} : memref<1000x2xf32, #tpu.memory_space<vmem>>, vector<1000x2xf32>,
    return
  }
  func.func @transform_0(%arg0: i32) -> (i32, i32, i32) {
    %c0_i32 = arith.constant 0 : i32
    %c0_i32_0 = arith.constant 0 : i32
    %c0_i32_1 = arith.constant 0 : i32
    return %c0_i32, %arg0, %c0_i32_0 : i32, i32, i32
  }
  func.func @transform_1(%arg0: i32) -> (i32, i32, i32) {
    %c0_i32 = arith.constant 0 : i32
    %c0_i32_0 = arith.constant 0 : i32
    %c0_i32_1 = arith.constant 0 : i32
    return %c0_i32, %arg0, %c0_i32_0 : i32, i32, i32
  }
  func.func @transform_2(%arg0: i32) -> (i32, i32) {
    %c0_i32 = arith.constant 0 : i32
    %c0_i32_0 = arith.constant 0 : i32
    %c0_i32_1 = arith.constant 0 : i32
    return %c0_i32, %c0_i32_0 : i32, i32
  }
  func.func @transform_3(%arg0: i32) -> (i32, i32) {
    %c0_i32 = arith.constant 0 : i32
    %c0_i32_0 = arith.constant 0 : i32
    %c0_i32_1 = arith.constant 0 : i32
    return %c0_i32, %c0_i32_0 : i32, i32
  }
  func.func @transform_4(%arg0: i32) -> (i32, i32) {
    %c0_i32 = arith.constant 0 : i32
    %c0_i32_0 = arith.constant 0 : i32
    %c0_i32_1 = arith.constant 0 : i32
    return %c0_i32, %c0_i32_0 : i32, i32
  }
  func.func @transform_5(%arg0: i32) -> (i32, i32) {
    %c0_i32 = arith.constant 0 : i32
    %c0_i32_0 = arith.constant 0 : i32
    %c0_i32_1 = arith.constant 0 : i32
    return %c0_i32, %c0_i32_0 : i32, i32
  }
  func.func @transform_6(%arg0: i32) -> (i32, i32) {
    %c0_i32 = arith.constant 0 : i32
    %c0_i32_0 = arith.constant 0 : i32
    %c0_i32_1 = arith.constant 0 : i32
    return %c0_i32, %c0_i32_0 : i32, i32
  }
  func.func @transform_7(%arg0: i32) -> (i32, i32) {
    %c0_i32 = arith.constant 0 : i32
    %c0_i32_0 = arith.constant 0 : i32
    %c0_i32_1 = arith.constant 0 : i32
    return %c0_i32, %c0_i32_0 : i32, i32
  }
  func.func @transform_8(%arg0: i32) -> (i32, i32) {
    %c0_i32 = arith.constant 0 : i32
    %c0_i32_0 = arith.constant 0 : i32
    return %arg0, %c0_i32 : i32, i32
  }
}

module attributes {stable_mosaic.version = 14 : i64} {
  func.func @_norm_lin_relu_body(%arg0: i32, %arg1: memref<2x1280x128xf32, #tpu.memory_space<vmem>>, %arg2: memref<2x1280x1xf32, #tpu.memory_space<vmem>>, %arg3: memref<128x128xf32, #tpu.memory_space<vmem>>, %arg4: memref<1x128xf32, #tpu.memory_space<vmem>>, %arg5: memref<1280x128xf32, #tpu.memory_space<vmem>>) attributes {dimension_semantics = [#tpu.dimension_semantics<arbitrary>], iteration_bounds = array<i64: 8>, scalar_prefetch = 0 : i64, scratch_operands = 0 : i64, tpu.core_type = #tpu.core_type<tc>, window_params = [{transform_indices = @transform_0, window_bounds = array<i64: 2, 1280, 128>}, {transform_indices = @transform_1, window_bounds = array<i64: 2, 1280, 1>}, {pipeline_mode = #tpu.pipeline_mode<synchronous>, transform_indices = @transform_2, window_bounds = array<i64: 128, 128>}, {pipeline_mode = #tpu.pipeline_mode<synchronous>, transform_indices = @transform_3, window_bounds = array<i64: 1, 128>}, {transform_indices = @transform_4, window_bounds = array<i64: 1280, 128>}]} {
    %get3A = arith.constant 0 : index
    %get3A_0 = arith.constant 0 : index
    %get3A_1 = arith.constant 0 : index
    %get3A_2 = vector.load %arg2[%get3A, %get3A_0, %get3A_1] : memref<2x1280x1xf32, #tpu.memory_space<vmem>>, vector<1x1280x1xf32>
    %get3A_3 = vector.shape_cast %get3A_2 : vector<1x1280x1xf32> to vector<1280x1xf32>
    %get3A_4 = arith.constant 1 : index
    %get3A_5 = arith.constant 0 : index
    %get3A_6 = arith.constant 0 : index
    %get3A_7 = vector.load %arg2[%get3A_4, %get3A_5, %get3A_6] : memref<2x1280x1xf32, #tpu.memory_space<vmem>>, vector<1x1280x1xf32>
    %get3A_8 = vector.shape_cast %get3A_7 : vector<1x1280x1xf32> to vector<1280x1xf32>
    %add3A = arith.addf %get3A_3, %get3A_8 : vector<1280x1xf32>
    %get3A_9 = arith.constant 0 : index
    %get3A_10 = arith.constant 0 : index
    %get3A_11 = arith.constant 0 : index
    %get3A_12 = vector.load %arg1[%get3A_9, %get3A_10, %get3A_11] : memref<2x1280x128xf32, #tpu.memory_space<vmem>>, vector<1x1280x128xf32>
    %get3A_13 = vector.shape_cast %get3A_12 : vector<1x1280x128xf32> to vector<1280x128xf32>
    %get3A_14 = arith.constant 1 : index
    %get3A_15 = arith.constant 0 : index
    %get3A_16 = arith.constant 0 : index
    %get3A_17 = vector.load %arg1[%get3A_14, %get3A_15, %get3A_16] : memref<2x1280x128xf32, #tpu.memory_space<vmem>>, vector<1x1280x128xf32>
    %get3A_18 = vector.shape_cast %get3A_17 : vector<1x1280x128xf32> to vector<1280x128xf32>
    %add3A_19 = arith.addf %get3A_13, %get3A_18 : vector<1280x128xf32>
    %max3A = arith.constant 1.000000e+00 : f32
    %max3A_20 = vector.broadcast %max3A : f32 to vector<1280x1xf32>
    %max3A_21 = arith.maximumf %add3A, %max3A_20 : vector<1280x1xf32>
    %div3A = vector.broadcast %max3A_21 : vector<1280x1xf32> to vector<1280x128xf32>
    %div3A_22 = arith.divf %add3A_19, %div3A : vector<1280x128xf32>
    %get3A_23 = arith.constant 0 : index
    %get3A_24 = arith.constant 0 : index
    %get3A_25 = vector.load %arg3[%get3A_23, %get3A_24] : memref<128x128xf32, #tpu.memory_space<vmem>>, vector<128x128xf32>
    %dot_general3A = arith.constant dense<0.000000e+00> : vector<1280x128xf32>
    %dot_general3A_26 = tpu.matmul %div3A_22, %get3A_25, %dot_general3A {dimension_numbers = #tpu.dot_dimension_numbers<[1], [0], [0], [1], [0, 0, 1, 1], [], []>, transpose_lhs_hint = false} : vector<1280x128xf32>, vector<128x128xf32>, vector<1280x128xf32> -> vector<1280x128xf32>
    %get3A_27 = arith.constant 0 : index
    %get3A_28 = arith.constant 0 : index
    %get3A_29 = vector.load %arg4[%get3A_27, %get3A_28] : memref<1x128xf32, #tpu.memory_space<vmem>>, vector<1x128xf32>
    %add3A_30 = vector.broadcast %get3A_29 : vector<1x128xf32> to vector<1280x128xf32>
    %add3A_31 = arith.addf %dot_general3A_26, %add3A_30 : vector<1280x128xf32>
    %max3A_32 = arith.constant 0.000000e+00 : f32
    %max3A_33 = vector.broadcast %max3A_32 : f32 to vector<1280x128xf32>
    %max3A_34 = arith.maximumf %add3A_31, %max3A_33 : vector<1280x128xf32>
    %swap3A = arith.constant 0 : index
    %swap3A_35 = arith.constant 0 : index
    %swap3A_36 = vector.load %arg5[%swap3A, %swap3A_35] : memref<1280x128xf32, #tpu.memory_space<vmem>>, vector<1280x128xf32>
    tpu.vector_store %arg5[%swap3A, %swap3A_35], %max3A_34 {strides = array<i32>} : memref<1280x128xf32, #tpu.memory_space<vmem>>, vector<1280x128xf32>,
    return
  }
  func.func @transform_0(%arg0: i32) -> (i32, i32, i32) {
    %c0_i32 = arith.constant 0 : i32
    %c0_i32_0 = arith.constant 0 : i32
    %c0_i32_1 = arith.constant 0 : i32
    return %c0_i32, %arg0, %c0_i32_0 : i32, i32, i32
  }
  func.func @transform_1(%arg0: i32) -> (i32, i32, i32) {
    %c0_i32 = arith.constant 0 : i32
    %c0_i32_0 = arith.constant 0 : i32
    %c0_i32_1 = arith.constant 0 : i32
    return %c0_i32, %arg0, %c0_i32_0 : i32, i32, i32
  }
  func.func @transform_2(%arg0: i32) -> (i32, i32) {
    %c0_i32 = arith.constant 0 : i32
    %c0_i32_0 = arith.constant 0 : i32
    %c0_i32_1 = arith.constant 0 : i32
    return %c0_i32, %c0_i32_0 : i32, i32
  }
  func.func @transform_3(%arg0: i32) -> (i32, i32) {
    %c0_i32 = arith.constant 0 : i32
    %c0_i32_0 = arith.constant 0 : i32
    %c0_i32_1 = arith.constant 0 : i32
    return %c0_i32, %c0_i32_0 : i32, i32
  }
  func.func @transform_4(%arg0: i32) -> (i32, i32) {
    %c0_i32 = arith.constant 0 : i32
    %c0_i32_0 = arith.constant 0 : i32
    return %arg0, %c0_i32 : i32, i32
  }
}

</mosaic_0001>

<sc_bundles>
// kernel: kernel.10.cloned.1.call-start
scs
__scs_entry_jumppad:
0x0: {  	(pc) =	sbr.rel $0x88, $3  }
0x1: {  	(tag) =	ssettag $0x0;
	lr =	simm.s32 $0x1  }
0x2: {  	[smem:$0x3F94] =	sst lr;
	_ =	strace $0xD0000000  }
0x3: {  	_ = 	snop  }
0x4: {  	_ = 	snop  }
0x5: {  	_ = 	snop  }
0x6: {  	_ = 	snop  }
0x7: {  	_ = 	snop  }
__scs_overlays_trampoline_lowered:
0x8: {  	[smem:$0x3FA3] =	sst s0  }
0x9: {  	[smem:$0x3FA4] =	sst s1  }
0xa: {  	[smem:$0x3FA5] =	sst s2  }
0xb: {  	[smem:$0x3FA6] =	sst s3  }
0xc: {  	[smem:$0x3FA7] =	sst s4  }
0xd: {  	[smem:$0x3FA8] =	sst s5  }
0xe: {  	[smem:$0x3FA9] =	sst s6  }
0xf: {  	[smem:$0x3FAA] =	sst s7  }
0x10: {  	[smem:$0x3FAB] =	sst s8  }
0x11: {  	[smem:$0x3FAC] =	sst s9;
	s0 =	simm.s32 @!p0 $0x0  }
0x12: {  	s1 =	sld [smem:$0x3F92];
	s0 =	simm.s32 @p0 $0x1  }
0x13: {  	[smem:$0x3FAD] =	sst s0;
	s0 =	simm.s32 @!p1 $0x0  }
0x14: {  	s2 =	sld [smem:$0x3F91];
	s0 =	simm.s32 @p1 $0x1  }
0x15: {  	[smem:$0x3FAE] =	sst s0;
	s0 =	simm.s32 @!p2 $0x0  }
0x16: {  	s3 =	sld [smem:$0x3FDB];
	s0 =	simm.s32 @p2 $0x1  }
0x17: {  	s4 =	simm.s32 $0x1BF5;
	[smem:$0x3FB0] =	sst s0  }
0x18: {  	s0 =	sld [smem:$0x3F93];
	_ =	swait.ge [sflag:s4], $0x0  }
0x19: {  	s7 =	sld [smem:$0x3F94]  }
0x1a: {  	s8 =	sadd.s32 $0xFFFFE003, lr  }
0x1b: {  	s9 =	sadd.s32 $0xFFFFFEF7, lr;
	s5 =	simm.s32 $0xFFFFFFFF;
	p2 =	slt.u32 s8, $0xFFFFF086  }
0x1c: {  	p1 =	slt.u32 s9, $0xF7A;
	s5 =	simm.s32 @!p2 $0x0  }
0x1d: {  	s5 =	simm.s32 @p1 $0x1;
	p0 =	seq.s32 s7, s2  }
0x1e: {  	s7 =	smul.u32 @!p0 $0xF7A, s2;
	p2 =	seq.s32 @!p0 s5, $0x0  }
0x1f: {  	s9 =	smul.u32 $0xF7A, s1;
	s8 =	simm.s32 @!p0 $0x1BF5;
	p2 =	por !p2, p0  }
0x20: {  	[sflag:s8] =	ssyncset.s32 @!p0 $0xFFFFF086;
	s6 =	sadd.s32 @!p0 s3, s7;
	s7 =	simm.s32 @!p0 $0x108  }
0x21: {  	s3 =	sadd.s32 s3, s9;
	s6 =	sadd.s32 @!p0 $0x88, s6;
	s7 =	simm.s32 @p2 $0x1082  }
0x22: {  	[simem:s7], [sflag:s8] =	dma.local @!p0 [hbm:s6], $0xF7A  }
0x23: {  	s9 =	sor.u32 $0xD0000000, s2;
	s6 =	simm.s32 $0x108;
	_ =	swait.ge @!p0 [sflag:s8], $0x0  }
0x24: {  	s3 =	sadd.s32 $0x88, s3;
	s6 =	simm.s32 @!p1 $0x1082;
	[sflag:s4] =	ssyncset.s32 $0xFFFFF086  }
0x25: {  	[simem:s6], [sflag:s4] =	dma.local [hbm:s3], $0xF7A  }
0x26: {  	[smem:$0x3F94] =	sst s1;
	(tag) =	ssettag s2;
	_ =	strace s9  }
0x27: {  	s1 =	sld [smem:$0x3FA4]  }
0x28: {  	s2 =	sld [smem:$0x3FA5]  }
0x29: {  	s4 =	sld [smem:$0x3FA7]  }
0x2a: {  	p0 =	seq.s32 s5, $0x0;
	s5 =	sld [smem:$0x3FA8]  }
0x2b: {  	s6 =	sld [smem:$0x3FA9]  }
0x2c: {  	s7 =	sld [smem:$0x3FAA]  }
0x2d: {  	s3 =	simm.s32 $0x108;
	s8 =	sld [smem:$0x3FAB]  }
0x2e: {  	s3 =	simm.s32 @!p0 $0x1082;
	s9 =	sld [smem:$0x3FAC]  }
0x2f: {  	lr =	sadd.s32 s0, s3;
	s0 =	sld [smem:$0x3FA3]  }
0x30: {  	s3 =	sld [smem:$0x3FA6]  }
0x31: {  	[smem:$0x3FAF] =	sst s10  }
0x32: {  	s10 =	sld [smem:$0x3FAD];
	_ =	sdelay $0x3  }
0x33: {  	p0 =	seq.s32 s10, $0x1;
	s10 =	sld [smem:$0x3FAF];
	_ =	sdelay $0x3  }
0x34: {  	[smem:$0x3FAF] =	sst s10  }
0x35: {  	s10 =	sld [smem:$0x3FAE];
	_ =	sdelay $0x3  }
0x36: {  	p1 =	seq.s32 s10, $0x1;
	s10 =	sld [smem:$0x3FAF];
	_ =	sdelay $0x3  }
0x37: {  	[smem:$0x3FAF] =	sst s10  }
0x38: {  	s10 =	sld [smem:$0x3FB0]  }
0x39: {  	_ = 	snop;
	(pc) =	sbr.ind lr, $3  }
0x3a: {  	_ = 	snop  }
0x3b: {  	_ = 	snop  }
0x3c: {  	p2 =	seq.s32 s10, $0x1;
	s10 =	sld [smem:$0x3FAF]  }
0x3d: {  	_ =	shalt  }
0x3e: {  	_ =	shalt  }
0x3f: {  	_ =	shalt  }
0x40: {  	_ =	shalt  }
0x41: {  	_ =	shalt  }
0x42: {  	_ =	shalt  }
0x43: {  	_ =	shalt  }
0x44: {  	_ =	shalt  }
0x45: {  	_ =	shalt  }
0x46: {  	_ =	shalt  }
0x47: {  	_ =	shalt  }
0x48: {  	_ =	shalt  }
0x49: {  	_ =	shalt  }
0x4a: {  	_ =	shalt  }
0x4b: {  	_ =	shalt  }
0x4c: {  	_ =	shalt  }
0x4d: {  	_ =	shalt  }
0x4e: {  	_ =	shalt  }
0x4f: {  	_ =	shalt  }
0x50: {  	_ =	shalt  }
0x51: {  	_ =	shalt  }
0x52: {  	_ =	shalt  }
0x53: {  	_ =	shalt  }
0x54: {  	_ =	shalt  }
0x55: {  	_ =	shalt  }
0x56: {  	_ =	shalt  }
0x57: {  	_ =	shalt  }
0x58: {  	_ =	shalt  }
0x59: {  	_ =	shalt  }
0x5a: {  	_ =	shalt  }
0x5b: {  	_ =	shalt  }
0x5c: {  	_ =	shalt  }
0x5d: {  	_ =	shalt  }
0x5e: {  	_ =	shalt  }
0x5f: {  	_ =	shalt  }
0x60: {  	_ =	shalt  }
0x61: {  	_ =	shalt  }
0x62: {  	_ =	shalt  }
0x63: {  	_ =	shalt  }
0x64: {  	_ =	shalt  }
0x65: {  	_ =	shalt  }
0x66: {  	_ =	shalt  }
0x67: {  	_ =	shalt  }
0x68: {  	_ =	shalt  }
0x69: {  	_ =	shalt  }
0x6a: {  	_ =	shalt  }
0x6b: {  	_ =	shalt  }
0x6c: {  	_ =	shalt  }
0x6d: {  	_ =	shalt  }
0x6e: {  	_ =	shalt  }
0x6f: {  	_ =	shalt  }
0x70: {  	_ =	shalt  }
0x71: {  	_ =	shalt  }
0x72: {  	_ =	shalt  }
0x73: {  	_ =	shalt  }
0x74: {  	_ =	shalt  }
0x75: {  	_ =	shalt  }
0x76: {  	_ =	shalt  }
0x77: {  	_ =	shalt  }
0x78: {  	_ =	shalt  }
0x79: {  	_ =	shalt  }
0x7a: {  	_ =	shalt  }
0x7b: {  	_ =	shalt  }
0x7c: {  	_ =	shalt  }
0x7d: {  	_ =	shalt  }
0x7e: {  	_ =	shalt  }
0x7f: {  	_ =	shalt  }
0x80: {  	_ =	shalt  }
0x81: {  	_ =	shalt  }
0x82: {  	_ =	shalt  }
0x83: {  	_ =	shalt  }
0x84: {  	_ =	shalt  }
0x85: {  	_ =	shalt  }
0x86: {  	_ =	shalt  }
0x87: {  	_ =	shalt  }
.Lfunc_end0:
.L_simem_size_0:
called_computation.1_lowered:
.L_overlay_start_0:
0x88: {  	s2 =	sld [smem:$0x3FD9]  }
0x89: {  	s3 =	sld [smem:$0x3FFE];
	_ =	sdelay $0x1  }
0x8a: {  	s1 =	srdreg.scid  }
0x8b: {  	s0 =	sand.u32 $0x1, s1  }
0x8c: {  	s16 =	sshll.u32 s0, $0xA;
	s2 =	sadd.s32 s3, s2  }
0x8d: {  	s2 =	sadd.s32 s2, s16  }
0x8e: {  	[smem:$0x3FBB] =	sst s2  }
0x8f: {  	_ = 	snop  }
0x90: {  	(tm) =	ssettm $0x1  }
0x91: {  	s17 =	sld [smem:$0x3FFB];
	_ =	sdelay $0x3  }
0x92: {  	_ =	strace s17  }
0x93: {  	s2 =	sld [smem:$0x3FFC];
	_ =	sdelay $0x3  }
0x94: {  	_ =	strace s2  }
0x95: {  	s2 =	sld [smem:$0x3FFD];
	_ =	sdelay $0x3  }
0x96: {  	_ =	strace s2  }
0x97: {  	_ =	strace $0x8FFFFFFF  }
0x98: {  	s18 =	sld [smem:$0x3FDB];
	_ =	sdelay $0x1  }
0x99: {  	s19 =	simm.s32 $_scs_section_size  }
0x9a: {  	s4 =	simm.s32 $_size__tile_overlayer_lowered;
	s5 =	simm.s32 $_tile_overlayer_lowered  }
0x9b: {  	s22 =	simm.s32 $0x1BFF;
	s21 =	sshll.u32 s5, $0x1;
	s2 =	sadd.s32 s19, s18  }
0x9c: {  	s6 =	simm.s32 $0x0;
	s20 =	sshll.u32 s4, $0x1;
	s4 =	sadd.s32 s21, s2  }
0x9d: {  	[timem:s6], [sflag:s22] =	dma.local [hbm:s4], s20  }
0x9e: {  	_ =	swait.ge [sflag:s22], s20  }
0x9f: {  	s3 =	ssub.s32 $0x0, s20;
	[sflag:s22] =	ssyncset.done $0x0  }
0xa0: {  	[sflag:s22] =	ssyncadd.s32 s3;
	_ =	sdelay $0x1  }
0xa1: {  	s23 =	simm.s32 $0x1B8B  }
0xa2: {  	_ =	swait.ge [sflag:s23], $0x1  }
0xa3: {  	[sflag:s23] =	ssyncset.done $0x0  }
0xa4: {  	s25 =	simm.s32 $0x1B8E;
	s24 =	sld [smem:$0x3FFE];
	[sflag:s23] =	ssyncadd.s32 $0xFFFFFFFF  }
0xa5: {  	s26 =	simm.s32 $execute0_lowered;
	[smem:$0x3FD2] =	sst s25  }
0xa6: {  	s4 =	sshll.u32 s26, $0x1;
	_ =	strace $0x80000049;
	[dreg:$0x1] =	wrdreg $0xFFFFFFFF  }
0xa7: {  	s28 =	simm.s32 $_size_execute0_lowered;
	s2 =	sadd.s32 s2, s4;
	[dreg:$0x0] =	wrdreg $0x0  }
0xa8: {  	s4 =	sshll.u32 s28, $0x1;
	[dreg:$0x2] =	wrdreg s2  }
0xa9: {  	[dreg:$0x3] =	wrdreg s4  }
0xaa: {  	[dreg:$0x4] =	wrdreg $0xC0  }
0xab: {  	_ =	task [dreg:s6], $0x5FFFF  }
0xac: {  	[dreg:$0x1] =	wrdreg $0xFFFFFFFF  }
0xad: {  	[dreg:$0x0] =	wrdreg $0x60  }
0xae: {  	[dreg:$0x2] =	wrdreg s24  }
0xaf: {  	[dreg:$0x3] =	wrdreg $0x0  }
0xb0: {  	[dreg:$0x4] =	wrdreg $0x9  }
0xb1: {  	_ =	task.clear_ibuf [dreg:s6], $0x5FFFF;
	_ =	strace $0x90000049  }
0xb2: {  	s29 =	simm.s32 $0x9;
	_ =	strace $0x8000004B  }
0xb3: {  	_ =	swait.ge [sflag:s29], $0x1  }
0xb4: {  	[sflag:s29] =	ssyncadd.s32 $0xFFFFFFFF  }
0xb5: {  	_ =	strace $0x9000004B  }
0xb6: {  	_ =	sfence  }
0xb7: {  	s30 =	sld [smem:$0x0];
	_ =	sdelay $0x2  }
0xb8: {  	s31 =	sshll.u32 s1, $0xD;
	s1 =	sshrl.u32 s1, $0x2  }
0xb9: {  	s3 =	sand.u32 $0x4000, s31;
	s1 =	sadd.s32 s1, s30  }
0xba: {  	s0 =	sor.u32 s3, s0;
	s1 =	sshll.u32 s1, $0x11  }
0xbb: {  	s0 =	sor.u32 s1, s0  }
0xbc: {  	s0 =	sadd.s32 $0x8F2B, s0  }
0xbd: {  	[sflag:s0] =	ssyncadd.remote.s32 $0x1  }
0xbe: {  	_ =	sfence.sel $0xFFFF  }
0xbf: {  	[dreg:$0x0] =	wrdreg $0xFFFFFFFF;
	(pc) =	sbr.abs _section_cstart, $3  }
0xc0: {  	[dreg:$0x1] =	wrdreg $0xFFFFFFFF  }
0xc1: {  	_ =	task.clear_ibuf [dreg:s6], $0x2FFFF;
	_ =	strace $0x9FFFFFFF  }
0xc2: {  	(tm) =	ssettm $0x7FFFFFFF  }
0xc3: {  	_ =	shalt  }
tec
execute0_lowered:
.L_overlay_start_1:
0x0: {  	(tag) =	ssettag $0x1  }
0x1: {  	s6 =	rddreg [dreg:$0x0]  }
0x2: {  	s1 =	rddreg [dreg:$0x1]  }
0x3: {  	s2 =	srdreg.scid;
	s0 =	rddreg [dreg:$0x2]  }
0x4: {  	s3 =	simm.s32 $0x0;
	s15 =	simm.s32 $0x14000;
	s16 =	simm.s32 $0x15400  }
0x5: {  	s17 =	simm.s32 $0x80;
	s18 =	simm.s32 $0x16800;
	s19 =	simm.s32 $0x14080  }
0x6: {  	s20 =	simm.s32 $0x1A800;
	s21 =	simm.s32 $0x1;
	s22 =	simm.s32 $0x2  }
0x7: {  	s28 =	simm.s32 $0x0;
	s5 =	sand.u32 $0x1, s2;
	s2 =	stileid.u32  }
0x8: {  	[smem:$0x7FF] =	sst s3;
	s4 =	sadd.s32 $0x3FA00, s6;
	s7 =	smul.u32 $0x140000, s5  }
0x9: {  	s9 =	sadd.s32 $0x29200, s6;
	s10 =	sadd.s32 $0x33200, s6;
	s8 =	smul.u32 $0x14000, s2  }
0xa: {  	_ =	strace $0x8000004A;
	s23 =	sshll.u32 s2, $0x1;
	s11 =	ssub.s32 $0x2, s5  }
0xb: {  	s24 =	smul.u32 $0x50000, s2;
	s26 =	sshll.u32 s2, $0x6;
	s5 =	sor.u32 s5, s23  }
0xc: {  	s12 =	sshrl.u32 s11, $0x1;
	s23 =	simm.s32 $0x3;
	s7 =	sadd.s32 s8, s7  }
0xd: {  	s13 =	smul.u32 $0x2800, s5;
	s5 =	sadd.s32 $0x3D200, s6;
	s12 =	ssub.s32 s11, s12  }
0xe: {  	s25 =	sshrl.u32 s24, $0x2;
	s24 =	simm.s32 $0x4;
	s7 =	sshrl.u32 s7, $0x3  }
0xf: {  	s30 =	sadd.s32 s25, s1;
	s12 =	smax.u32 s12, $0x1;
	s25 =	simm.s32 $0x16700  }
0x10: {  	s14 =	sadd.s32 s7, s6;
	s29 =	sshrl.u32 s13, $0x3;
	s6 =	sor.u32 $0x1C05, s26  }
0x11: {  	s13 =	sshrl.u32 s30, $0x3;
	s26 =	simm.s32 $0x16780;
	s31 =	sadd.s32 $0x280, s29  }
0x12: {  	s7 =	sadd.s32 s9, s29;
	s8 =	sadd.s32 s10, s29;
	s11 =	sadd.s32 $0xE0200, s14  }
0x13: {  	s14 =	simm.s32 $0x5;
	s9 =	sadd.s32 s9, s31;
	s10 =	sadd.s32 s10, s31  }
.LBB2_1:
0x14: {  	[spmem:s13], [sflag:s6] =	dma.local [hbm:s5], $0x2800  }
0x15: {  	_ =	swait.ge [sflag:s14], $0x2800  }
0x16: {  	[sflag:s14] =	ssyncset.done $0x0  }
0x17: {  	[sflag:s14] =	ssyncadd.s32 $0xFFFFD800  }
0x18: {  	[bflag:$0x0] =	sbarrier.arrive $0xFFFF  }
0x19: {  	[tilespmem:s15], [sflag:$0x5] =	stream.linear.gather [hbm4b:s7+s3], $0x1400, $0x38;
	[tilespmem:$0x1E800] =	vst v63  }
0x1a: {  	_ =	swait.ge [sflag:s14], $0x1400  }
0x1b: {  	[sflag:s14] =	ssyncset.done $0x0  }
0x1c: {  	[sflag:s14] =	ssyncadd.s32 $0xFFFFEC00  }
0x1d: {  	[tilespmem:s16], [sflag:$0x5] =	stream.linear.gather [hbm4b:s8+s3], $0x1400, $0x38;
	[tilespmem:$0x1E800] =	vst v63  }
0x1e: {  	_ =	swait.ge [sflag:s14], $0x1400  }
0x1f: {  	[sflag:s14] =	ssyncset.done $0x0  }
0x20: {  	[sflag:s14] =	ssyncadd.s32 $0xFFFFEC00  }
0x21: {  	[tilespmem:s18], [sflag:$0x1] =	stream.indirect.gather [hbm4b:s4+s17], $0x80, s15, s17, $0xb8;
	[tilespmem:$0x1E800] =	vst v63  }
0x22: {  	_ = 	snop  }
0x23: {  	[tilespmem:s20], [sflag:$0x2] =	stream.indirect.gather [hbm4b:s4+s17], $0x80, s19, s17, $0xb8;
	[tilespmem:$0x1E800] =	vst v63  }
0x24: {  	_ =	swait.ge [sflag:s21], $0x4000  }
0x25: {  	[sflag:s21] =	ssyncset.done $0x0  }
0x26: {  	s29 =	simm.s32 $0x15400;
	[sflag:s21] =	ssyncadd.s32 $0xFFFFC000  }
0x27: {  	[spmem:s1] =	stream.indirect.scatter.add.f32 [tilespmem:s18], [sflag:$0x3], $0x80, s29, s17, $0xb8;
	[tilespmem:$0x1E800] =	vst v63  }
0x28: {  	_ =	swait.ge [sflag:s22], $0x4000  }
0x29: {  	[sflag:s22] =	ssyncset.done $0x0  }
0x2a: {  	s29 =	simm.s32 $0x15480;
	[sflag:s22] =	ssyncadd.s32 $0xFFFFC000  }
0x2b: {  	[spmem:s1] =	stream.indirect.scatter.add.f32 [tilespmem:s20], [sflag:$0x4], $0x80, s29, s17, $0xb8;
	[tilespmem:$0x1E800] =	vst v63  }
0x2c: {  	_ =	swait.ge [sflag:s23], $0x4000  }
0x2d: {  	[sflag:s23] =	ssyncset.done $0x0  }
0x2e: {  	s29 =	simm.s32 $0x14100;
	[sflag:s23] =	ssyncadd.s32 $0xFFFFC000  }
0x2f: {  	[tilespmem:s18], [sflag:$0x1] =	stream.indirect.gather [hbm4b:s4+s17], $0x80, s29, s17, $0xb8;
	[tilespmem:$0x1E800] =	vst v63  }
0x30: {  	_ =	swait.ge [sflag:s24], $0x4000  }
0x31: {  	[sflag:s24] =	ssyncset.done $0x0  }
0x32: {  	s30 =	simm.s32 $0x14180;
	s29 =	simm.s32 $0x400;
	[sflag:s24] =	ssyncadd.s32 $0xFFFFC000  }
.LBB2_2:
0x33: {  	[tilespmem:s20], [sflag:$0x2] =	stream.indirect.gather [hbm4b:s4+s17], $0x80, s30, s17, $0xb8;
	[tilespmem:$0x1E800] =	vst v63  }
0x34: {  	s30 =	smov.u32 s29  }
0x35: {  	p0 =	sne.s32 s29, $0x4800;
	s29 =	sadd.s32 $0x400, s29;
	_ =	swait.ge [sflag:s21], $0x4000  }
0x36: {  	s30 =	sshra.s32 s30, $0x2;
	[sflag:s21] =	ssyncset.done $0x0  }
0x37: {  	s31 =	sadd.s32 $0x15400, s30;
	[sflag:s21] =	ssyncadd.s32 $0xFFFFC000  }
0x38: {  	[spmem:s1] =	stream.indirect.scatter.add.f32 [tilespmem:s18], [sflag:$0x3], $0x80, s31, s17, $0xb8;
	[tilespmem:$0x1E800] =	vst v63  }
0x39: {  	_ =	swait.ge [sflag:s22], $0x4000  }
0x3a: {  	[sflag:s22] =	ssyncset.done $0x0  }
0x3b: {  	s31 =	sadd.s32 $0x15480, s30;
	[sflag:s22] =	ssyncadd.s32 $0xFFFFC000  }
0x3c: {  	[spmem:s1] =	stream.indirect.scatter.add.f32 [tilespmem:s20], [sflag:$0x4], $0x80, s31, s17, $0xb8;
	[tilespmem:$0x1E800] =	vst v63  }
0x3d: {  	_ =	swait.ge [sflag:s23], $0x4000  }
0x3e: {  	[sflag:s23] =	ssyncset.done $0x0  }
.Ltmp0:
0x3f: {  	s31 =	sadd.s32 $0x14100, s30;
	[sflag:s23] =	ssyncadd.s32 $0xFFFFC000;
	(pc) =	sbr.rel @p0 .LBB2_2-.Ltmp0, $4  }
0x40: {  	[tilespmem:s18], [sflag:$0x1] =	stream.indirect.gather [hbm4b:s4+s17], $0x80, s31, s17, $0xb8;
	[tilespmem:$0x1E800] =	vst v63  }
0x41: {  	_ =	swait.ge [sflag:s24], $0x4000  }
0x42: {  	[sflag:s24] =	ssyncset.done $0x0  }
0x43: {  	s30 =	sadd.s32 $0x14180, s30;
	[sflag:s24] =	ssyncadd.s32 $0xFFFFC000  }
0x44: {  	[tilespmem:s20], [sflag:$0x2] =	stream.indirect.gather [hbm4b:s4+s17], $0x80, s30, s17, $0xb8;
	[tilespmem:$0x1E800] =	vst v63  }
0x45: {  	_ =	swait.ge [sflag:s21], $0x4000  }
0x46: {  	[sflag:s21] =	ssyncset.done $0x0  }
0x47: {  	[sflag:s21] =	ssyncadd.s32 $0xFFFFC000  }
0x48: {  	[spmem:s1] =	stream.indirect.scatter.add.f32 [tilespmem:s18], [sflag:$0x3], $0x80, s25, s17, $0xb8;
	[tilespmem:$0x1E800] =	vst v63  }
0x49: {  	_ =	swait.ge [sflag:s22], $0x4000  }
0x4a: {  	[sflag:s22] =	ssyncset.done $0x0  }
0x4b: {  	[sflag:s22] =	ssyncadd.s32 $0xFFFFC000  }
0x4c: {  	[spmem:s1] =	stream.indirect.scatter.add.f32 [tilespmem:s20], [sflag:$0x4], $0x80, s26, s17, $0xb8;
	[tilespmem:$0x1E800] =	vst v63  }
0x4d: {  	_ =	swait.ge [sflag:s23], $0x4000  }
0x4e: {  	[sflag:s23] =	ssyncset.done $0x0  }
0x4f: {  	[sflag:s23] =	ssyncadd.s32 $0xFFFFC000  }
0x50: {  	_ =	swait.ge [sflag:s24], $0x4000  }
0x51: {  	[sflag:s24] =	ssyncset.done $0x0  }
0x52: {  	s29 =	simm.s32 $0x0;
	[sflag:s24] =	ssyncadd.s32 $0xFFFFC000  }
0x53: {  	[tilespmem:s15], [sflag:$0x5] =	stream.linear.gather [hbm4b:s9+s29], $0x1400, $0x38;
	[tilespmem:$0x1E800] =	vst v63  }
0x54: {  	_ =	swait.ge [sflag:s14], $0x1400  }
0x55: {  	[sflag:s14] =	ssyncset.done $0x0  }
0x56: {  	[sflag:s14] =	ssyncadd.s32 $0xFFFFEC00  }
0x57: {  	[tilespmem:s16], [sflag:$0x5] =	stream.linear.gather [hbm4b:s10+s29], $0x1400, $0x38;
	[tilespmem:$0x1E800] =	vst v63  }
0x58: {  	_ =	swait.ge [sflag:s14], $0x1400  }
0x59: {  	[sflag:s14] =	ssyncset.done $0x0  }
0x5a: {  	[sflag:s14] =	ssyncadd.s32 $0xFFFFEC00  }
0x5b: {  	[tilespmem:s18], [sflag:$0x1] =	stream.indirect.gather [hbm4b:s4+s17], $0x80, s15, s17, $0xb8;
	[tilespmem:$0x1E800] =	vst v63  }
0x5c: {  	_ = 	snop  }
0x5d: {  	[tilespmem:s20], [sflag:$0x2] =	stream.indirect.gather [hbm4b:s4+s17], $0x80, s19, s17, $0xb8;
	[tilespmem:$0x1E800] =	vst v63  }
0x5e: {  	_ =	swait.ge [sflag:s21], $0x4000  }
0x5f: {  	[sflag:s21] =	ssyncset.done $0x0  }
0x60: {  	s29 =	simm.s32 $0x15400;
	[sflag:s21] =	ssyncadd.s32 $0xFFFFC000  }
0x61: {  	[spmem:s1] =	stream.indirect.scatter.add.f32 [tilespmem:s18], [sflag:$0x3], $0x80, s29, s17, $0xb8;
	[tilespmem:$0x1E800] =	vst v63  }
0x62: {  	_ =	swait.ge [sflag:s22], $0x4000  }
0x63: {  	[sflag:s22] =	ssyncset.done $0x0  }
0x64: {  	s29 =	simm.s32 $0x15480;
	[sflag:s22] =	ssyncadd.s32 $0xFFFFC000  }
0x65: {  	[spmem:s1] =	stream.indirect.scatter.add.f32 [tilespmem:s20], [sflag:$0x4], $0x80, s29, s17, $0xb8;
	[tilespmem:$0x1E800] =	vst v63  }
0x66: {  	_ =	swait.ge [sflag:s23], $0x4000  }
0x67: {  	[sflag:s23] =	ssyncset.done $0x0  }
0x68: {  	s29 =	simm.s32 $0x14100;
	[sflag:s23] =	ssyncadd.s32 $0xFFFFC000  }
0x69: {  	[tilespmem:s18], [sflag:$0x1] =	stream.indirect.gather [hbm4b:s4+s17], $0x80, s29, s17, $0xb8;
	[tilespmem:$0x1E800] =	vst v63  }
0x6a: {  	_ =	swait.ge [sflag:s24], $0x4000  }
0x6b: {  	[sflag:s24] =	ssyncset.done $0x0  }
0x6c: {  	s30 =	simm.s32 $0x14180;
	s29 =	simm.s32 $0x400;
	[sflag:s24] =	ssyncadd.s32 $0xFFFFC000  }
.LBB2_4:
0x6d: {  	[tilespmem:s20], [sflag:$0x2] =	stream.indirect.gather [hbm4b:s4+s17], $0x80, s30, s17, $0xb8;
	[tilespmem:$0x1E800] =	vst v63  }
0x6e: {  	s30 =	smov.u32 s29  }
0x6f: {  	p0 =	sne.s32 s29, $0x4800;
	s29 =	sadd.s32 $0x400, s29;
	_ =	swait.ge [sflag:s21], $0x4000  }
0x70: {  	s30 =	sshra.s32 s30, $0x2;
	[sflag:s21] =	ssyncset.done $0x0  }
0x71: {  	s31 =	sadd.s32 $0x15400, s30;
	[sflag:s21] =	ssyncadd.s32 $0xFFFFC000  }
0x72: {  	[spmem:s1] =	stream.indirect.scatter.add.f32 [tilespmem:s18], [sflag:$0x3], $0x80, s31, s17, $0xb8;
	[tilespmem:$0x1E800] =	vst v63  }
0x73: {  	_ =	swait.ge [sflag:s22], $0x4000  }
0x74: {  	[sflag:s22] =	ssyncset.done $0x0  }
0x75: {  	s31 =	sadd.s32 $0x15480, s30;
	[sflag:s22] =	ssyncadd.s32 $0xFFFFC000  }
0x76: {  	[spmem:s1] =	stream.indirect.scatter.add.f32 [tilespmem:s20], [sflag:$0x4], $0x80, s31, s17, $0xb8;
	[tilespmem:$0x1E800] =	vst v63  }
0x77: {  	_ =	swait.ge [sflag:s23], $0x4000  }
0x78: {  	[sflag:s23] =	ssyncset.done $0x0  }
.Ltmp1:
0x79: {  	s31 =	sadd.s32 $0x14100, s30;
	[sflag:s23] =	ssyncadd.s32 $0xFFFFC000;
	(pc) =	sbr.rel @p0 .LBB2_4-.Ltmp1, $4  }
0x7a: {  	[tilespmem:s18], [sflag:$0x1] =	stream.indirect.gather [hbm4b:s4+s17], $0x80, s31, s17, $0xb8;
	[tilespmem:$0x1E800] =	vst v63  }
0x7b: {  	_ =	swait.ge [sflag:s24], $0x4000  }
0x7c: {  	[sflag:s24] =	ssyncset.done $0x0  }
0x7d: {  	s30 =	sadd.s32 $0x14180, s30;
	[sflag:s24] =	ssyncadd.s32 $0xFFFFC000  }
0x7e: {  	[tilespmem:s20], [sflag:$0x2] =	stream.indirect.gather [hbm4b:s4+s17], $0x80, s30, s17, $0xb8;
	[tilespmem:$0x1E800] =	vst v63  }
0x7f: {  	_ =	swait.ge [sflag:s21], $0x4000  }
0x80: {  	[sflag:s21] =	ssyncset.done $0x0  }
0x81: {  	[sflag:s21] =	ssyncadd.s32 $0xFFFFC000  }
0x82: {  	[spmem:s1] =	stream.indirect.scatter.add.f32 [tilespmem:s18], [sflag:$0x3], $0x80, s25, s17, $0xb8;
	[tilespmem:$0x1E800] =	vst v63  }
0x83: {  	_ =	swait.ge [sflag:s22], $0x4000  }
0x84: {  	[sflag:s22] =	ssyncset.done $0x0  }
0x85: {  	[sflag:s22] =	ssyncadd.s32 $0xFFFFC000  }
0x86: {  	[spmem:s1] =	stream.indirect.scatter.add.f32 [tilespmem:s20], [sflag:$0x4], $0x80, s26, s17, $0xb8;
	[tilespmem:$0x1E800] =	vst v63  }
0x87: {  	_ =	swait.ge [sflag:s23], $0x4000  }
0x88: {  	[sflag:s23] =	ssyncset.done $0x0  }
0x89: {  	[sflag:s23] =	ssyncadd.s32 $0xFFFFC000  }
0x8a: {  	_ =	swait.ge [sflag:s24], $0x4000  }
0x8b: {  	s28 =	sadd.s32 $0x1, s28;
	[sflag:s24] =	ssyncset.done $0x0  }
0x8c: {  	p0 =	sne.s32 s28, s12;
	[sflag:s24] =	ssyncadd.s32 $0xFFFFC000  }
.Ltmp2:
0x8d: {  	[bflag:$0x0] =	sbarrier.arrive $0xFFFF;
	(pc) =	sbr.rel @p0 .LBB2_1-.Ltmp2, $4  }
0x8e: {  	[hbm:s11], [sflag:s6] =	dma.local [spmem:s13], $0x2800  }
0x8f: {  	_ =	swait.ge [sflag:s14], $0x2800  }
0x90: {  	[sflag:s14] =	ssyncset.done $0x0  }
0x91: {  	[sflag:s14] =	ssyncadd.s32 $0xFFFFD800  }
0x92: {  	_ =	sfence.sel $0x180000  }
0x93: {  	[bflag:$0x0] =	sbarrier.arrive $0xFFFF  }
0x94: {  	p0 =	sne.s32 s2, $0x0;
	_ =	strace $0x9000004A  }
0x95: {  	s0 =	sadd.s32 @!p0 $0x100000, s0;
	[bflag:$0x2] =	sbarrier.arrive $0xFFFF  }
0x96: {  	[sflag:s0] =	ssyncadd.tile.s32 @!p0 $0x1;
	_ =	shalt  }
.Lfunc_end2:
_tile_overlayer_lowered:
.L_overlay_start_2:
0x97: {  	(tag) =	ssettag $0x2  }
0x98: {  	s0 =	rddreg [dreg:$0x0];
	s2 =	stileid.u32  }
0x99: {  	s1 =	rddreg [dreg:$0x1];
	p0 =	sne.s32 s2, $0x0  }
0x9a: {  	s3 =	rddreg [dreg:$0x2];
	[bflag:$0x3] =	sbarrier.arrive $0xFFFF;
	s2 =	simm.s32 @!p0 $0x1C05  }
0x9b: {  	[timem:s3], [sflag:s2] =	dma.local @!p0 [hbm:s0], s1  }
0x9c: {  	s0 =	simm.s32 @!p0 $0x5  }
0x9d: {  	_ =	swait.ge @!p0 [sflag:s0], s1  }
0x9e: {  	s1 =	ssub.s32 @!p0 $0x0, s1;
	[sflag:s0] =	ssyncset.done @!p0 $0x0  }
0x9f: {  	[sflag:s0] =	ssyncadd.s32 @!p0 s1  }
0xa0: {  	[bflag:$0x3] =	sbarrier.arrive $0xFFFF  }
0xa1: {  	_ =	shalt  }

// kernel: kernel.7.cloned.1.call-start
scs
__scs_entry_jumppad:
0x0: {  	(pc) =	sbr.rel $0x88, $3  }
0x1: {  	(tag) =	ssettag $0x0;
	lr =	simm.s32 $0x1  }
0x2: {  	[smem:$0x3F94] =	sst lr;
	_ =	strace $0xD0000000  }
0x3: {  	_ = 	snop  }
0x4: {  	_ = 	snop  }
0x5: {  	_ = 	snop  }
0x6: {  	_ = 	snop  }
0x7: {  	_ = 	snop  }
__scs_overlays_trampoline_lowered:
0x8: {  	[smem:$0x3FA3] =	sst s0  }
0x9: {  	[smem:$0x3FA4] =	sst s1  }
0xa: {  	[smem:$0x3FA5] =	sst s2  }
0xb: {  	[smem:$0x3FA6] =	sst s3  }
0xc: {  	[smem:$0x3FA7] =	sst s4  }
0xd: {  	[smem:$0x3FA8] =	sst s5  }
0xe: {  	[smem:$0x3FA9] =	sst s6  }
0xf: {  	[smem:$0x3FAA] =	sst s7  }
0x10: {  	[smem:$0x3FAB] =	sst s8  }
0x11: {  	[smem:$0x3FAC] =	sst s9;
	s0 =	simm.s32 @!p0 $0x0  }
0x12: {  	s1 =	sld [smem:$0x3F92];
	s0 =	simm.s32 @p0 $0x1  }
0x13: {  	[smem:$0x3FAD] =	sst s0;
	s0 =	simm.s32 @!p1 $0x0  }
0x14: {  	s2 =	sld [smem:$0x3F91];
	s0 =	simm.s32 @p1 $0x1  }
0x15: {  	[smem:$0x3FAE] =	sst s0;
	s0 =	simm.s32 @!p2 $0x0  }
0x16: {  	s3 =	sld [smem:$0x3FDB];
	s0 =	simm.s32 @p2 $0x1  }
0x17: {  	s4 =	simm.s32 $0x1BF5;
	[smem:$0x3FB0] =	sst s0  }
0x18: {  	s0 =	sld [smem:$0x3F93];
	_ =	swait.ge [sflag:s4], $0x0  }
0x19: {  	s7 =	sld [smem:$0x3F94]  }
0x1a: {  	s8 =	sadd.s32 $0xFFFFE003, lr  }
0x1b: {  	s9 =	sadd.s32 $0xFFFFFEF7, lr;
	s5 =	simm.s32 $0xFFFFFFFF;
	p2 =	slt.u32 s8, $0xFFFFF086  }
0x1c: {  	p1 =	slt.u32 s9, $0xF7A;
	s5 =	simm.s32 @!p2 $0x0  }
0x1d: {  	s5 =	simm.s32 @p1 $0x1;
	p0 =	seq.s32 s7, s2  }
0x1e: {  	s7 =	smul.u32 @!p0 $0xF7A, s2;
	p2 =	seq.s32 @!p0 s5, $0x0  }
0x1f: {  	s9 =	smul.u32 $0xF7A, s1;
	s8 =	simm.s32 @!p0 $0x1BF5;
	p2 =	por !p2, p0  }
0x20: {  	[sflag:s8] =	ssyncset.s32 @!p0 $0xFFFFF086;
	s6 =	sadd.s32 @!p0 s3, s7;
	s7 =	simm.s32 @!p0 $0x108  }
0x21: {  	s3 =	sadd.s32 s3, s9;
	s6 =	sadd.s32 @!p0 $0x88, s6;
	s7 =	simm.s32 @p2 $0x1082  }
0x22: {  	[simem:s7], [sflag:s8] =	dma.local @!p0 [hbm:s6], $0xF7A  }
0x23: {  	s9 =	sor.u32 $0xD0000000, s2;
	s6 =	simm.s32 $0x108;
	_ =	swait.ge @!p0 [sflag:s8], $0x0  }
0x24: {  	s3 =	sadd.s32 $0x88, s3;
	s6 =	simm.s32 @!p1 $0x1082;
	[sflag:s4] =	ssyncset.s32 $0xFFFFF086  }
0x25: {  	[simem:s6], [sflag:s4] =	dma.local [hbm:s3], $0xF7A  }
0x26: {  	[smem:$0x3F94] =	sst s1;
	(tag) =	ssettag s2;
	_ =	strace s9  }
0x27: {  	s1 =	sld [smem:$0x3FA4]  }
0x28: {  	s2 =	sld [smem:$0x3FA5]  }
0x29: {  	s4 =	sld [smem:$0x3FA7]  }
0x2a: {  	p0 =	seq.s32 s5, $0x0;
	s5 =	sld [smem:$0x3FA8]  }
0x2b: {  	s6 =	sld [smem:$0x3FA9]  }
0x2c: {  	s7 =	sld [smem:$0x3FAA]  }
0x2d: {  	s3 =	simm.s32 $0x108;
	s8 =	sld [smem:$0x3FAB]  }
0x2e: {  	s3 =	simm.s32 @!p0 $0x1082;
	s9 =	sld [smem:$0x3FAC]  }
0x2f: {  	lr =	sadd.s32 s0, s3;
	s0 =	sld [smem:$0x3FA3]  }
0x30: {  	s3 =	sld [smem:$0x3FA6]  }
0x31: {  	[smem:$0x3FAF] =	sst s10  }
0x32: {  	s10 =	sld [smem:$0x3FAD];
	_ =	sdelay $0x3  }
0x33: {  	p0 =	seq.s32 s10, $0x1;
	s10 =	sld [smem:$0x3FAF];
	_ =	sdelay $0x3  }
0x34: {  	[smem:$0x3FAF] =	sst s10  }
0x35: {  	s10 =	sld [smem:$0x3FAE];
	_ =	sdelay $0x3  }
0x36: {  	p1 =	seq.s32 s10, $0x1;
	s10 =	sld [smem:$0x3FAF];
	_ =	sdelay $0x3  }
0x37: {  	[smem:$0x3FAF] =	sst s10  }
0x38: {  	s10 =	sld [smem:$0x3FB0]  }
0x39: {  	_ = 	snop;
	(pc) =	sbr.ind lr, $3  }
0x3a: {  	_ = 	snop  }
0x3b: {  	_ = 	snop  }
0x3c: {  	p2 =	seq.s32 s10, $0x1;
	s10 =	sld [smem:$0x3FAF]  }
0x3d: {  	_ =	shalt  }
0x3e: {  	_ =	shalt  }
0x3f: {  	_ =	shalt  }
0x40: {  	_ =	shalt  }
0x41: {  	_ =	shalt  }
0x42: {  	_ =	shalt  }
0x43: {  	_ =	shalt  }
0x44: {  	_ =	shalt  }
0x45: {  	_ =	shalt  }
0x46: {  	_ =	shalt  }
0x47: {  	_ =	shalt  }
0x48: {  	_ =	shalt  }
0x49: {  	_ =	shalt  }
0x4a: {  	_ =	shalt  }
0x4b: {  	_ =	shalt  }
0x4c: {  	_ =	shalt  }
0x4d: {  	_ =	shalt  }
0x4e: {  	_ =	shalt  }
0x4f: {  	_ =	shalt  }
0x50: {  	_ =	shalt  }
0x51: {  	_ =	shalt  }
0x52: {  	_ =	shalt  }
0x53: {  	_ =	shalt  }
0x54: {  	_ =	shalt  }
0x55: {  	_ =	shalt  }
0x56: {  	_ =	shalt  }
0x57: {  	_ =	shalt  }
0x58: {  	_ =	shalt  }
0x59: {  	_ =	shalt  }
0x5a: {  	_ =	shalt  }
0x5b: {  	_ =	shalt  }
0x5c: {  	_ =	shalt  }
0x5d: {  	_ =	shalt  }
0x5e: {  	_ =	shalt  }
0x5f: {  	_ =	shalt  }
0x60: {  	_ =	shalt  }
0x61: {  	_ =	shalt  }
0x62: {  	_ =	shalt  }
0x63: {  	_ =	shalt  }
0x64: {  	_ =	shalt  }
0x65: {  	_ =	shalt  }
0x66: {  	_ =	shalt  }
0x67: {  	_ =	shalt  }
0x68: {  	_ =	shalt  }
0x69: {  	_ =	shalt  }
0x6a: {  	_ =	shalt  }
0x6b: {  	_ =	shalt  }
0x6c: {  	_ =	shalt  }
0x6d: {  	_ =	shalt  }
0x6e: {  	_ =	shalt  }
0x6f: {  	_ =	shalt  }
0x70: {  	_ =	shalt  }
0x71: {  	_ =	shalt  }
0x72: {  	_ =	shalt  }
0x73: {  	_ =	shalt  }
0x74: {  	_ =	shalt  }
0x75: {  	_ =	shalt  }
0x76: {  	_ =	shalt  }
0x77: {  	_ =	shalt  }
0x78: {  	_ =	shalt  }
0x79: {  	_ =	shalt  }
0x7a: {  	_ =	shalt  }
0x7b: {  	_ =	shalt  }
0x7c: {  	_ =	shalt  }
0x7d: {  	_ =	shalt  }
0x7e: {  	_ =	shalt  }
0x7f: {  	_ =	shalt  }
0x80: {  	_ =	shalt  }
0x81: {  	_ =	shalt  }
0x82: {  	_ =	shalt  }
0x83: {  	_ =	shalt  }
0x84: {  	_ =	shalt  }
0x85: {  	_ =	shalt  }
0x86: {  	_ =	shalt  }
0x87: {  	_ =	shalt  }
.Lfunc_end0:
.L_simem_size_0:
called_computation_lowered:
.L_overlay_start_0:
0x88: {  	s2 =	sld [smem:$0x3FD9]  }
0x89: {  	s3 =	sld [smem:$0x3FFE];
	_ =	sdelay $0x1  }
0x8a: {  	s1 =	srdreg.scid  }
0x8b: {  	s0 =	sand.u32 $0x1, s1  }
0x8c: {  	s17 =	sshll.u32 s0, $0xA;
	s2 =	sadd.s32 s3, s2  }
0x8d: {  	s2 =	sadd.s32 s2, s17  }
0x8e: {  	[smem:$0x3FBB] =	sst s2  }
0x8f: {  	_ = 	snop  }
0x90: {  	s2 =	sld [smem:$0x3FD0];
	(tm) =	ssettm $0x1  }
0x91: {  	s18 =	sld [smem:$0x3FFB];
	_ =	sdelay $0x3  }
0x92: {  	_ =	strace s18  }
0x93: {  	s3 =	sld [smem:$0x3FFC];
	_ =	sdelay $0x3  }
0x94: {  	_ =	strace s3  }
0x95: {  	s3 =	sld [smem:$0x3FFD];
	_ =	sdelay $0x3  }
0x96: {  	_ =	strace s3  }
0x97: {  	_ =	strace $0x8FFFFFFF  }
0x98: {  	s19 =	sld [smem:$0x3FDB];
	_ =	sdelay $0x1  }
0x99: {  	s4 =	simm.s32 $_scs_section_size  }
0x9a: {  	s5 =	simm.s32 $_size__tile_overlayer_lowered;
	s6 =	simm.s32 $_tile_overlayer_lowered  }
0x9b: {  	s22 =	simm.s32 $0x1BFF;
	s21 =	sshll.u32 s6, $0x1;
	s3 =	sadd.s32 s4, s19  }
0x9c: {  	s7 =	simm.s32 $0x0;
	s20 =	sshll.u32 s5, $0x1;
	s5 =	sadd.s32 s21, s3  }
0x9d: {  	[timem:s7], [sflag:s22] =	dma.local [hbm:s5], s20  }
0x9e: {  	_ =	swait.ge [sflag:s22], s20  }
0x9f: {  	s4 =	ssub.s32 $0x0, s20;
	[sflag:s22] =	ssyncset.done $0x0  }
0xa0: {  	[sflag:s22] =	ssyncadd.s32 s4;
	_ =	sdelay $0x1  }
0xa1: {  	s23 =	simm.s32 $0x1B8B  }
0xa2: {  	_ =	swait.ge [sflag:s23], $0x1  }
0xa3: {  	[sflag:s23] =	ssyncset.done $0x0  }
0xa4: {  	s25 =	simm.s32 $0x1B8E;
	s24 =	sld [smem:$0x3FFE];
	[sflag:s23] =	ssyncadd.s32 $0xFFFFFFFF  }
0xa5: {  	s26 =	simm.s32 $execute0_lowered;
	[smem:$0x3FD2] =	sst s25  }
0xa6: {  	s5 =	sshll.u32 s26, $0x1;
	_ =	strace $0x80000046;
	[dreg:$0x1] =	wrdreg $0xFFFFFFFF  }
0xa7: {  	s28 =	simm.s32 $_size_execute0_lowered;
	s3 =	sadd.s32 s3, s5;
	[dreg:$0x0] =	wrdreg $0x0  }
0xa8: {  	s5 =	sshll.u32 s28, $0x1;
	[dreg:$0x2] =	wrdreg s3  }
0xa9: {  	[dreg:$0x3] =	wrdreg s5  }
0xaa: {  	[dreg:$0x4] =	wrdreg $0xC0  }
0xab: {  	_ =	task [dreg:s7], $0x5FFFF  }
0xac: {  	[dreg:$0x1] =	wrdreg $0xFFFFFFFF  }
0xad: {  	[dreg:$0x0] =	wrdreg $0x60  }
0xae: {  	[dreg:$0x2] =	wrdreg s24  }
0xaf: {  	[dreg:$0x3] =	wrdreg s2  }
0xb0: {  	[dreg:$0x4] =	wrdreg $0x0  }
0xb1: {  	[dreg:$0x5] =	wrdreg $0x140000  }
0xb2: {  	[dreg:$0x6] =	wrdreg $0x9  }
0xb3: {  	_ =	task.clear_ibuf [dreg:s7], $0x7FFFF;
	_ =	strace $0x90000046  }
0xb4: {  	s29 =	simm.s32 $0x9;
	_ =	strace $0x80000048  }
0xb5: {  	_ =	swait.ge [sflag:s29], $0x1  }
0xb6: {  	[sflag:s29] =	ssyncadd.s32 $0xFFFFFFFF  }
0xb7: {  	_ =	strace $0x90000048  }
0xb8: {  	_ =	sfence  }
0xb9: {  	s30 =	sld [smem:$0x0];
	_ =	sdelay $0x2  }
0xba: {  	s31 =	sshll.u32 s1, $0xD;
	s1 =	sshrl.u32 s1, $0x2  }
0xbb: {  	s3 =	sand.u32 $0x4000, s31;
	s1 =	sadd.s32 s1, s30  }
0xbc: {  	s0 =	sor.u32 s3, s0;
	s1 =	sshll.u32 s1, $0x11  }
0xbd: {  	s0 =	sor.u32 s1, s0  }
0xbe: {  	s0 =	sadd.s32 $0x8F2B, s0  }
0xbf: {  	[sflag:s0] =	ssyncadd.remote.s32 $0x1  }
0xc0: {  	_ =	sfence.sel $0xFFFF  }
0xc1: {  	[dreg:$0x0] =	wrdreg $0xFFFFFFFF;
	(pc) =	sbr.abs _section_cstart, $3  }
0xc2: {  	[dreg:$0x1] =	wrdreg $0xFFFFFFFF  }
0xc3: {  	_ =	task.clear_ibuf [dreg:s7], $0x2FFFF;
	_ =	strace $0x9FFFFFFF  }
0xc4: {  	(tm) =	ssettm $0x7FFFFFFF  }
0xc5: {  	_ =	shalt  }
tec
execute0_lowered:
.L_overlay_start_1:
0x0: {  	(tag) =	ssettag $0x1  }
0x1: {  	s0 =	rddreg [dreg:$0x0]  }
0x2: {  	s1 =	rddreg [dreg:$0x1]  }
0x3: {  	s2 =	rddreg [dreg:$0x2];
	s4 =	srdreg.scid  }
0x4: {  	s3 =	rddreg [dreg:$0x3];
	s17 =	stileid.u32  }
0x5: {  	s5 =	simm.s32 $0x0;
	s28 =	simm.s32 $0x2;
	s29 =	simm.s32 $0x3  }
0x6: {  	s30 =	simm.s32 $0x5;
	s31 =	simm.s32 $0x4;
	s4 =	sand.u32 $0x1, s4  }
0x7: {  	s7 =	smul.u32 $0x14000, s17;
	[smem:$0x7FF] =	sst s5;
	s5 =	sadd.s32 $0x2000, s0  }
0x8: {  	s26 =	sadd.s32 $0x29200, s0;
	s9 =	sadd.s32 $0x33200, s0;
	s8 =	sadd.s32 $0x3D200, s0  }
0x9: {  	s19 =	sadd.s32 $0x3FA00, s0;
	s20 =	sshll.u32 s17, $0x1;
	s10 =	smul.u32 $0x50000, s17  }
0xa: {  	s14 =	smul.u32 $0x280, s17;
	s21 =	sshll.u32 s17, $0x6;
	s17 =	simm.s32 $0x7  }
0xb: {  	s6 =	smul.u32 $0x140000, s4;
	_ =	strace $0x80000047;
	[dreg:$0x5] =	wrdreg s8  }
0xc: {  	[dreg:$0x6] =	wrdreg s19;
	s11 =	ssub.s32 $0x2, s4;
	s8 =	sor.u32 s4, s20  }
0xd: {  	p0 =	seq.s32 s4, $0x1;
	s19 =	simm.s32 $0x14280;
	s20 =	simm.s32 $0x15680  }
0xe: {  	s4 =	simm.s32 $0x16A00;
	s12 =	sshrl.u32 s11, $0x1;
	s10 =	sshrl.u32 s10, $0x2  }
0xf: {  	s13 =	smul.u32 $0x2800, s8;
	s8 =	sor.u32 $0x1C07, s21;
	s18 =	sadd.s32 s14, s3  }
0x10: {  	s21 =	simm.s32 $0x80;
	s6 =	sadd.s32 s7, s6;
	s15 =	ssub.s32 s11, s12  }
0x11: {  	s16 =	sadd.s32 s10, s2;
	s18 =	sshrl.u32 s18, $0x3;
	s6 =	sshrl.u32 s6, $0x3  }
0x12: {  	s22 =	sshrl.u32 s13, $0x3;
	s16 =	sshrl.u32 s16, $0x3;
	s6 =	sadd.s32 s6, s0  }
0x13: {  	s0 =	sadd.s32 $0x3FC00, s0;
	s23 =	sadd.s32 s26, s22;
	s24 =	sadd.s32 s9, s22  }
0x14: {  	s25 =	sadd.s32 $0x280, s22;
	s22 =	simm.s32 $0x16A80;
	[dreg:$0x7] =	wrdreg s23  }
0x15: {  	[dreg:$0x8] =	wrdreg s24;
	s11 =	sadd.s32 s26, s25;
	s12 =	sadd.s32 s9, s25  }
0x16: {  	s13 =	sadd.s32 $0x40200, s6;
	s26 =	sshrl.u32 s14, $0x3;
	s1 =	smov.u32 @p0 s0  }
0x17: {  	s14 =	smax.u32 s15, $0x1;
	s23 =	simm.s32 $0x14300;
	s24 =	simm.s32 $0x1AA80  }
0x18: {  	s25 =	simm.s32 $0x1;
	s0 =	simm.s32 $0x6;
	s6 =	simm.s32 $0x0  }
0x19: {  	v0 =	vimm.f32 $1.000000000e+00;
	s15 =	sadd.s32 s1, s26;
	s26 =	simm.s32 $0x1EA80;
	s1 =	simm.s32 $0x16980  }
.LBB2_1:
0x1a: {  	s7 =	rddreg [dreg:$0x5]  }
0x1b: {  	[spmem:s16], [sflag:s8] =	dma.local [hbm:s7], $0x2800  }
0x1c: {  	_ =	swait.ge [sflag:s17], $0x2800  }
0x1d: {  	[sflag:s17] =	ssyncset.done $0x0  }
0x1e: {  	s9 =	rddreg [dreg:$0x6];
	[sflag:s17] =	ssyncadd.s32 $0xFFFFD800  }
0x1f: {  	[spmem:s18], [sflag:s8] =	dma.local [hbm:s9], $0x50  }
0x20: {  	_ =	swait.ge [sflag:s17], $0x50  }
0x21: {  	[sflag:s17] =	ssyncset.done $0x0  }
0x22: {  	[sflag:s17] =	ssyncadd.s32 $0xFFFFFFB0  }
0x23: {  	[tilespmem:$0x1EA80] =	vst v0  }
0x24: {  	[tilespmem:$0x1EA90] =	vst v0  }
0x25: {  	[tilespmem:$0x1EAA0] =	vst v0  }
0x26: {  	[tilespmem:$0x1EAB0] =	vst v0  }
0x27: {  	[tilespmem:$0x1EAC0] =	vst v0  }
0x28: {  	[tilespmem:$0x1EAD0] =	vst v0  }
0x29: {  	[tilespmem:$0x1EAE0] =	vst v0  }
0x2a: {  	[tilespmem:$0x1EAF0] =	vst v0  }
0x2b: {  	[bflag:$0x0] =	sbarrier.arrive $0xFFFF  }
0x2c: {  	s7 =	simm.s32 $0x0;
	s9 =	rddreg [dreg:$0x7]  }
0x2d: {  	[tilespmem:s19], [sflag:$0x7] =	stream.linear.gather [hbm4b:s9+s7], $0x1400, $0x38;
	[tilespmem:$0x1EB00] =	vst v63  }
0x2e: {  	_ =	swait.ge [sflag:s17], $0x1400  }
0x2f: {  	[sflag:s17] =	ssyncset.done $0x0  }
0x30: {  	s10 =	rddreg [dreg:$0x8];
	[sflag:s17] =	ssyncadd.s32 $0xFFFFEC00  }
0x31: {  	[tilespmem:s20], [sflag:$0x7] =	stream.linear.gather [hbm4b:s10+s7], $0x1400, $0x38;
	[tilespmem:$0x1EB00] =	vst v63  }
0x32: {  	_ =	swait.ge [sflag:s17], $0x1400  }
0x33: {  	[sflag:s17] =	ssyncset.done $0x0  }
0x34: {  	[sflag:s17] =	ssyncadd.s32 $0xFFFFEC00  }
0x35: {  	[tilespmem:s22], [sflag:$0x1] =	stream.indirect.gather [hbm4b:s5+s21], $0x80, s19, s21, $0xb8;
	[tilespmem:$0x1EB00] =	vst v63  }
0x36: {  	_ = 	snop  }
0x37: {  	[tilespmem:s24], [sflag:$0x2] =	stream.indirect.gather [hbm4b:s5+s21], $0x80, s23, s21, $0xb8;
	[tilespmem:$0x1EB00] =	vst v63  }
0x38: {  	_ =	swait.ge [sflag:s25], $0x4000  }
0x39: {  	[sflag:s25] =	ssyncset.done $0x0  }
0x3a: {  	s10 =	simm.s32 $0x15680;
	[sflag:s25] =	ssyncadd.s32 $0xFFFFC000  }
0x3b: {  	[spmem:s2] =	stream.indirect.scatter.add.f32 [tilespmem:s22], [sflag:$0x3], $0x80, s10, s21, $0xb8;
	[tilespmem:$0x1EB00] =	vst v63  }
0x3c: {  	_ = 	snop  }
0x3d: {  	[spmem:s3] =	stream.indirect.scatter.add.f32 [tilespmem:s26], [sflag:$0x5], $0x1, s10, s21, $0xb8;
	[tilespmem:$0x1EB00] =	vst v63  }
0x3e: {  	_ =	swait.ge [sflag:s28], $0x4000  }
0x3f: {  	[sflag:s28] =	ssyncset.done $0x0  }
0x40: {  	s9 =	simm.s32 $0x15700;
	[sflag:s28] =	ssyncadd.s32 $0xFFFFC000  }
0x41: {  	[spmem:s2] =	stream.indirect.scatter.add.f32 [tilespmem:s24], [sflag:$0x4], $0x80, s9, s21, $0xb8;
	[tilespmem:$0x1EB00] =	vst v63  }
0x42: {  	_ = 	snop  }
0x43: {  	[spmem:s3] =	stream.indirect.scatter.add.f32 [tilespmem:s26], [sflag:$0x6], $0x1, s9, s21, $0xb8;
	[tilespmem:$0x1EB00] =	vst v63  }
0x44: {  	_ =	swait.ge [sflag:s29], $0x4000  }
0x45: {  	[sflag:s29] =	ssyncset.done $0x0  }
0x46: {  	[sflag:s29] =	ssyncadd.s32 $0xFFFFC000  }
0x47: {  	_ =	swait.ge [sflag:s30], $0x80  }
0x48: {  	[sflag:s30] =	ssyncset.done $0x0  }
0x49: {  	s10 =	simm.s32 $0x14380;
	[sflag:s30] =	ssyncadd.s32 $0xFFFFFF80  }
0x4a: {  	[tilespmem:s22], [sflag:$0x1] =	stream.indirect.gather [hbm4b:s5+s21], $0x80, s10, s21, $0xb8;
	[tilespmem:$0x1EB00] =	vst v63  }
0x4b: {  	_ =	swait.ge [sflag:s31], $0x4000  }
0x4c: {  	[sflag:s31] =	ssyncset.done $0x0  }
0x4d: {  	[sflag:s31] =	ssyncadd.s32 $0xFFFFC000  }
0x4e: {  	_ =	swait.ge [sflag:s0], $0x80  }
0x4f: {  	[sflag:s0] =	ssyncset.done $0x0  }
0x50: {  	s7 =	simm.s32 $0x400;
	s9 =	simm.s32 $0x14400;
	[sflag:s0] =	ssyncadd.s32 $0xFFFFFF80  }
.LBB2_2:
0x51: {  	[tilespmem:s24], [sflag:$0x2] =	stream.indirect.gather [hbm4b:s5+s21], $0x80, s9, s21, $0xb8;
	[tilespmem:$0x1EB00] =	vst v63  }
0x52: {  	s9 =	smov.u32 s7  }
0x53: {  	p0 =	sne.s32 s7, $0x4800;
	s7 =	sadd.s32 $0x400, s7;
	_ =	swait.ge [sflag:s25], $0x4000  }
0x54: {  	s9 =	sshra.s32 s9, $0x2;
	[sflag:s25] =	ssyncset.done $0x0  }
0x55: {  	s10 =	sadd.s32 $0x15680, s9;
	[sflag:s25] =	ssyncadd.s32 $0xFFFFC000  }
0x56: {  	[spmem:s2] =	stream.indirect.scatter.add.f32 [tilespmem:s22], [sflag:$0x3], $0x80, s10, s21, $0xb8;
	[tilespmem:$0x1EB00] =	vst v63  }
0x57: {  	_ = 	snop  }
0x58: {  	[spmem:s3] =	stream.indirect.scatter.add.f32 [tilespmem:s26], [sflag:$0x5], $0x1, s10, s21, $0xb8;
	[tilespmem:$0x1EB00] =	vst v63  }
0x59: {  	_ =	swait.ge [sflag:s28], $0x4000  }
0x5a: {  	[sflag:s28] =	ssyncset.done $0x0  }
0x5b: {  	s10 =	sadd.s32 $0x15700, s9;
	[sflag:s28] =	ssyncadd.s32 $0xFFFFC000  }
0x5c: {  	[spmem:s2] =	stream.indirect.scatter.add.f32 [tilespmem:s24], [sflag:$0x4], $0x80, s10, s21, $0xb8;
	[tilespmem:$0x1EB00] =	vst v63  }
0x5d: {  	_ = 	snop  }
0x5e: {  	[spmem:s3] =	stream.indirect.scatter.add.f32 [tilespmem:s26], [sflag:$0x6], $0x1, s10, s21, $0xb8;
	[tilespmem:$0x1EB00] =	vst v63  }
0x5f: {  	_ =	swait.ge [sflag:s29], $0x4000  }
0x60: {  	[sflag:s29] =	ssyncset.done $0x0  }
0x61: {  	[sflag:s29] =	ssyncadd.s32 $0xFFFFC000  }
0x62: {  	_ =	swait.ge [sflag:s30], $0x80  }
0x63: {  	[sflag:s30] =	ssyncset.done $0x0  }
0x64: {  	s10 =	sadd.s32 $0x14380, s9;
	[sflag:s30] =	ssyncadd.s32 $0xFFFFFF80  }
0x65: {  	[tilespmem:s22], [sflag:$0x1] =	stream.indirect.gather [hbm4b:s5+s21], $0x80, s10, s21, $0xb8;
	[tilespmem:$0x1EB00] =	vst v63  }
0x66: {  	_ =	swait.ge [sflag:s31], $0x4000  }
.Ltmp0:
0x67: {  	[sflag:s31] =	ssyncset.done $0x0;
	(pc) =	sbr.rel @p0 .LBB2_2-.Ltmp0, $4  }
0x68: {  	[sflag:s31] =	ssyncadd.s32 $0xFFFFC000  }
0x69: {  	_ =	swait.ge [sflag:s0], $0x80  }
0x6a: {  	[sflag:s0] =	ssyncset.done $0x0  }
0x6b: {  	s9 =	sadd.s32 $0x14400, s9;
	[sflag:s0] =	ssyncadd.s32 $0xFFFFFF80  }
0x6c: {  	[tilespmem:s24], [sflag:$0x2] =	stream.indirect.gather [hbm4b:s5+s21], $0x80, s9, s21, $0xb8;
	[tilespmem:$0x1EB00] =	vst v63  }
0x6d: {  	_ =	swait.ge [sflag:s25], $0x4000  }
0x6e: {  	[sflag:s25] =	ssyncset.done $0x0  }
0x6f: {  	[sflag:s25] =	ssyncadd.s32 $0xFFFFC000  }
0x70: {  	[spmem:s2] =	stream.indirect.scatter.add.f32 [tilespmem:s22], [sflag:$0x3], $0x80, s1, s21, $0xb8;
	[tilespmem:$0x1EB00] =	vst v63  }
0x71: {  	_ = 	snop  }
0x72: {  	[spmem:s3] =	stream.indirect.scatter.add.f32 [tilespmem:s26], [sflag:$0x5], $0x1, s1, s21, $0xb8;
	[tilespmem:$0x1EB00] =	vst v63  }
0x73: {  	_ =	swait.ge [sflag:s28], $0x4000  }
0x74: {  	[sflag:s28] =	ssyncset.done $0x0  }
0x75: {  	[sflag:s28] =	ssyncadd.s32 $0xFFFFC000  }
0x76: {  	[spmem:s2] =	stream.indirect.scatter.add.f32 [tilespmem:s24], [sflag:$0x4], $0x80, s4, s21, $0xb8;
	[tilespmem:$0x1EB00] =	vst v63  }
0x77: {  	_ = 	snop  }
0x78: {  	[spmem:s3] =	stream.indirect.scatter.add.f32 [tilespmem:s26], [sflag:$0x6], $0x1, s4, s21, $0xb8;
	[tilespmem:$0x1EB00] =	vst v63  }
0x79: {  	_ =	swait.ge [sflag:s29], $0x4000  }
0x7a: {  	[sflag:s29] =	ssyncset.done $0x0  }
0x7b: {  	[sflag:s29] =	ssyncadd.s32 $0xFFFFC000  }
0x7c: {  	_ =	swait.ge [sflag:s30], $0x80  }
0x7d: {  	[sflag:s30] =	ssyncset.done $0x0  }
0x7e: {  	[sflag:s30] =	ssyncadd.s32 $0xFFFFFF80  }
0x7f: {  	_ =	swait.ge [sflag:s31], $0x4000  }
0x80: {  	[sflag:s31] =	ssyncset.done $0x0  }
0x81: {  	[sflag:s31] =	ssyncadd.s32 $0xFFFFC000  }
0x82: {  	_ =	swait.ge [sflag:s0], $0x80  }
0x83: {  	[sflag:s0] =	ssyncset.done $0x0  }
0x84: {  	s7 =	simm.s32 $0x0;
	[sflag:s0] =	ssyncadd.s32 $0xFFFFFF80  }
0x85: {  	[tilespmem:s19], [sflag:$0x7] =	stream.linear.gather [hbm4b:s11+s7], $0x1400, $0x38;
	[tilespmem:$0x1EB00] =	vst v63  }
0x86: {  	_ =	swait.ge [sflag:s17], $0x1400  }
0x87: {  	[sflag:s17] =	ssyncset.done $0x0  }
0x88: {  	[sflag:s17] =	ssyncadd.s32 $0xFFFFEC00  }
0x89: {  	[tilespmem:s20], [sflag:$0x7] =	stream.linear.gather [hbm4b:s12+s7], $0x1400, $0x38;
	[tilespmem:$0x1EB00] =	vst v63  }
0x8a: {  	_ =	swait.ge [sflag:s17], $0x1400  }
0x8b: {  	[sflag:s17] =	ssyncset.done $0x0  }
0x8c: {  	[sflag:s17] =	ssyncadd.s32 $0xFFFFEC00  }
0x8d: {  	[tilespmem:s22], [sflag:$0x1] =	stream.indirect.gather [hbm4b:s5+s21], $0x80, s19, s21, $0xb8;
	[tilespmem:$0x1EB00] =	vst v63  }
0x8e: {  	_ = 	snop  }
0x8f: {  	[tilespmem:s24], [sflag:$0x2] =	stream.indirect.gather [hbm4b:s5+s21], $0x80, s23, s21, $0xb8;
	[tilespmem:$0x1EB00] =	vst v63  }
0x90: {  	_ =	swait.ge [sflag:s25], $0x4000  }
0x91: {  	[sflag:s25] =	ssyncset.done $0x0  }
0x92: {  	s10 =	simm.s32 $0x15680;
	[sflag:s25] =	ssyncadd.s32 $0xFFFFC000  }
0x93: {  	[spmem:s2] =	stream.indirect.scatter.add.f32 [tilespmem:s22], [sflag:$0x3], $0x80, s10, s21, $0xb8;
	[tilespmem:$0x1EB00] =	vst v63  }
0x94: {  	_ = 	snop  }
0x95: {  	[spmem:s3] =	stream.indirect.scatter.add.f32 [tilespmem:s26], [sflag:$0x5], $0x1, s10, s21, $0xb8;
	[tilespmem:$0x1EB00] =	vst v63  }
0x96: {  	_ =	swait.ge [sflag:s28], $0x4000  }
0x97: {  	[sflag:s28] =	ssyncset.done $0x0  }
0x98: {  	s9 =	simm.s32 $0x15700;
	[sflag:s28] =	ssyncadd.s32 $0xFFFFC000  }
0x99: {  	[spmem:s2] =	stream.indirect.scatter.add.f32 [tilespmem:s24], [sflag:$0x4], $0x80, s9, s21, $0xb8;
	[tilespmem:$0x1EB00] =	vst v63  }
0x9a: {  	_ = 	snop  }
0x9b: {  	[spmem:s3] =	stream.indirect.scatter.add.f32 [tilespmem:s26], [sflag:$0x6], $0x1, s9, s21, $0xb8;
	[tilespmem:$0x1EB00] =	vst v63  }
0x9c: {  	_ =	swait.ge [sflag:s29], $0x4000  }
0x9d: {  	[sflag:s29] =	ssyncset.done $0x0  }
0x9e: {  	[sflag:s29] =	ssyncadd.s32 $0xFFFFC000  }
0x9f: {  	_ =	swait.ge [sflag:s30], $0x80  }
0xa0: {  	[sflag:s30] =	ssyncset.done $0x0  }
0xa1: {  	s10 =	simm.s32 $0x14380;
	[sflag:s30] =	ssyncadd.s32 $0xFFFFFF80  }
0xa2: {  	[tilespmem:s22], [sflag:$0x1] =	stream.indirect.gather [hbm4b:s5+s21], $0x80, s10, s21, $0xb8;
	[tilespmem:$0x1EB00] =	vst v63  }
0xa3: {  	_ =	swait.ge [sflag:s31], $0x4000  }
0xa4: {  	[sflag:s31] =	ssyncset.done $0x0  }
0xa5: {  	[sflag:s31] =	ssyncadd.s32 $0xFFFFC000  }
0xa6: {  	_ =	swait.ge [sflag:s0], $0x80  }
0xa7: {  	[sflag:s0] =	ssyncset.done $0x0  }
0xa8: {  	s7 =	simm.s32 $0x400;
	s9 =	simm.s32 $0x14400;
	[sflag:s0] =	ssyncadd.s32 $0xFFFFFF80  }
.LBB2_4:
0xa9: {  	[tilespmem:s24], [sflag:$0x2] =	stream.indirect.gather [hbm4b:s5+s21], $0x80, s9, s21, $0xb8;
	[tilespmem:$0x1EB00] =	vst v63  }
0xaa: {  	s9 =	smov.u32 s7  }
0xab: {  	p0 =	sne.s32 s7, $0x4800;
	s7 =	sadd.s32 $0x400, s7;
	_ =	swait.ge [sflag:s25], $0x4000  }
0xac: {  	s9 =	sshra.s32 s9, $0x2;
	[sflag:s25] =	ssyncset.done $0x0  }
0xad: {  	s10 =	sadd.s32 $0x15680, s9;
	[sflag:s25] =	ssyncadd.s32 $0xFFFFC000  }
0xae: {  	[spmem:s2] =	stream.indirect.scatter.add.f32 [tilespmem:s22], [sflag:$0x3], $0x80, s10, s21, $0xb8;
	[tilespmem:$0x1EB00] =	vst v63  }
0xaf: {  	_ = 	snop  }
0xb0: {  	[spmem:s3] =	stream.indirect.scatter.add.f32 [tilespmem:s26], [sflag:$0x5], $0x1, s10, s21, $0xb8;
	[tilespmem:$0x1EB00] =	vst v63  }
0xb1: {  	_ =	swait.ge [sflag:s28], $0x4000  }
0xb2: {  	[sflag:s28] =	ssyncset.done $0x0  }
0xb3: {  	s10 =	sadd.s32 $0x15700, s9;
	[sflag:s28] =	ssyncadd.s32 $0xFFFFC000  }
0xb4: {  	[spmem:s2] =	stream.indirect.scatter.add.f32 [tilespmem:s24], [sflag:$0x4], $0x80, s10, s21, $0xb8;
	[tilespmem:$0x1EB00] =	vst v63  }
0xb5: {  	_ = 	snop  }
0xb6: {  	[spmem:s3] =	stream.indirect.scatter.add.f32 [tilespmem:s26], [sflag:$0x6], $0x1, s10, s21, $0xb8;
	[tilespmem:$0x1EB00] =	vst v63  }
0xb7: {  	_ =	swait.ge [sflag:s29], $0x4000  }
0xb8: {  	[sflag:s29] =	ssyncset.done $0x0  }
0xb9: {  	[sflag:s29] =	ssyncadd.s32 $0xFFFFC000  }
0xba: {  	_ =	swait.ge [sflag:s30], $0x80  }
0xbb: {  	[sflag:s30] =	ssyncset.done $0x0  }
0xbc: {  	s10 =	sadd.s32 $0x14380, s9;
	[sflag:s30] =	ssyncadd.s32 $0xFFFFFF80  }
0xbd: {  	[tilespmem:s22], [sflag:$0x1] =	stream.indirect.gather [hbm4b:s5+s21], $0x80, s10, s21, $0xb8;
	[tilespmem:$0x1EB00] =	vst v63  }
0xbe: {  	_ =	swait.ge [sflag:s31], $0x4000  }
.Ltmp1:
0xbf: {  	[sflag:s31] =	ssyncset.done $0x0;
	(pc) =	sbr.rel @p0 .LBB2_4-.Ltmp1, $4  }
0xc0: {  	[sflag:s31] =	ssyncadd.s32 $0xFFFFC000  }
0xc1: {  	_ =	swait.ge [sflag:s0], $0x80  }
0xc2: {  	[sflag:s0] =	ssyncset.done $0x0  }
0xc3: {  	s9 =	sadd.s32 $0x14400, s9;
	[sflag:s0] =	ssyncadd.s32 $0xFFFFFF80  }
0xc4: {  	[tilespmem:s24], [sflag:$0x2] =	stream.indirect.gather [hbm4b:s5+s21], $0x80, s9, s21, $0xb8;
	[tilespmem:$0x1EB00] =	vst v63  }
0xc5: {  	_ =	swait.ge [sflag:s25], $0x4000  }
0xc6: {  	[sflag:s25] =	ssyncset.done $0x0  }
0xc7: {  	[sflag:s25] =	ssyncadd.s32 $0xFFFFC000  }
0xc8: {  	[spmem:s2] =	stream.indirect.scatter.add.f32 [tilespmem:s22], [sflag:$0x3], $0x80, s1, s21, $0xb8;
	[tilespmem:$0x1EB00] =	vst v63  }
0xc9: {  	_ = 	snop  }
0xca: {  	[spmem:s3] =	stream.indirect.scatter.add.f32 [tilespmem:s26], [sflag:$0x5], $0x1, s1, s21, $0xb8;
	[tilespmem:$0x1EB00] =	vst v63  }
0xcb: {  	_ =	swait.ge [sflag:s28], $0x4000  }
0xcc: {  	[sflag:s28] =	ssyncset.done $0x0  }
0xcd: {  	[sflag:s28] =	ssyncadd.s32 $0xFFFFC000  }
0xce: {  	[spmem:s2] =	stream.indirect.scatter.add.f32 [tilespmem:s24], [sflag:$0x4], $0x80, s4, s21, $0xb8;
	[tilespmem:$0x1EB00] =	vst v63  }
0xcf: {  	_ = 	snop  }
0xd0: {  	[spmem:s3] =	stream.indirect.scatter.add.f32 [tilespmem:s26], [sflag:$0x6], $0x1, s4, s21, $0xb8;
	[tilespmem:$0x1EB00] =	vst v63  }
0xd1: {  	_ =	swait.ge [sflag:s29], $0x4000  }
0xd2: {  	[sflag:s29] =	ssyncset.done $0x0  }
0xd3: {  	[sflag:s29] =	ssyncadd.s32 $0xFFFFC000  }
0xd4: {  	_ =	swait.ge [sflag:s30], $0x80  }
0xd5: {  	[sflag:s30] =	ssyncset.done $0x0  }
0xd6: {  	[sflag:s30] =	ssyncadd.s32 $0xFFFFFF80  }
0xd7: {  	_ =	swait.ge [sflag:s31], $0x4000  }
0xd8: {  	[sflag:s31] =	ssyncset.done $0x0  }
0xd9: {  	[sflag:s31] =	ssyncadd.s32 $0xFFFFC000  }
0xda: {  	_ =	swait.ge [sflag:s0], $0x80  }
0xdb: {  	[sflag:s0] =	ssyncset.done $0x0  }
0xdc: {  	[sflag:s0] =	ssyncadd.s32 $0xFFFFFF80  }
0xdd: {  	[bflag:$0x0] =	sbarrier.arrive $0xFFFF  }
0xde: {  	[hbm:s13], [sflag:s8] =	dma.local [spmem:s16], $0x2800  }
0xdf: {  	s6 =	sadd.s32 $0x1, s6;
	_ =	swait.ge [sflag:s17], $0x2800  }
0xe0: {  	p0 =	sne.s32 s6, s14;
	[sflag:s17] =	ssyncset.done $0x0  }
.Ltmp2:
0xe1: {  	[sflag:s17] =	ssyncadd.s32 $0xFFFFD800;
	(pc) =	sbr.rel @p0 .LBB2_1-.Ltmp2, $4  }
0xe2: {  	[hbm:s15], [sflag:s8] =	dma.local [spmem:s18], $0x50  }
0xe3: {  	_ =	swait.ge [sflag:s17], $0x50  }
0xe4: {  	[sflag:s17] =	ssyncset.done $0x0  }
0xe5: {  	[sflag:s17] =	ssyncadd.s32 $0xFFFFFFB0  }
0xe6: {  	_ =	sfence.sel $0x180000  }
0xe7: {  	[bflag:$0x0] =	sbarrier.arrive $0xFFFF  }
0xe8: {  	_ =	strace $0x90000047  }
0xe9: {  	s0 =	stileid.u32;
	[bflag:$0x2] =	sbarrier.arrive $0xFFFF  }
0xea: {  	p0 =	sne.s32 s0, $0x0;
	s0 =	rddreg [dreg:$0x4]  }
0xeb: {  	s0 =	sadd.s32 @!p0 $0x100000, s0  }
0xec: {  	[sflag:s0] =	ssyncadd.tile.s32 @!p0 $0x1;
	_ =	shalt  }
.Lfunc_end2:
_tile_overlayer_lowered:
.L_overlay_start_2:
0xed: {  	(tag) =	ssettag $0x2  }
0xee: {  	s0 =	rddreg [dreg:$0x0];
	s2 =	stileid.u32  }
0xef: {  	s1 =	rddreg [dreg:$0x1];
	p0 =	sne.s32 s2, $0x0  }
0xf0: {  	s3 =	rddreg [dreg:$0x2];
	[bflag:$0x3] =	sbarrier.arrive $0xFFFF;
	s2 =	simm.s32 @!p0 $0x1C07  }
0xf1: {  	[timem:s3], [sflag:s2] =	dma.local @!p0 [hbm:s0], s1  }
0xf2: {  	s0 =	simm.s32 @!p0 $0x7  }
0xf3: {  	_ =	swait.ge @!p0 [sflag:s0], s1  }
0xf4: {  	s1 =	ssub.s32 @!p0 $0x0, s1;
	[sflag:s0] =	ssyncset.done @!p0 $0x0  }
0xf5: {  	[sflag:s0] =	ssyncadd.s32 @!p0 s1  }
0xf6: {  	[bflag:$0x3] =	sbarrier.arrive $0xFFFF  }
0xf7: {  	_ =	shalt  }

</sc_bundles>
